<compile_context>
chip_gen: v7x
topology: tpu7x:2x2x1
jax: 0.10.2.dev20260603
libtpu: 0.0.44.dev20260713+nightly
codegen_flags: <defaults>
</compile_context>

<pallas_src>
import functools
import math

import jax
import jax.numpy as jnp
from jax import lax
from jax.experimental import pallas as pl
from jax.experimental.pallas import tpu as pltpu
from jax.experimental.pallas import tpu_sc as plsc

_EPS = 1e-07
_N_TOTAL = 32.0 * 512.0 * 512.0
_NEG_LN2 = -math.log(2.0)

_SCB = 4
_NW = 32
_ROWS_PER_W = _SCB * 512 // _NW
_CR = 32
_NCH = _ROWS_PER_W // _CR

_P = (
    1.47787208e-02, -7.68487260e-02, 1.90420831e-01, -3.23115935e-01,
    4.72499525e-01, -7.20386612e-01, 1.44265211e+00, 3.19697829e-07,
)


def _log2_sw(x):
    bits = lax.bitcast_convert_type(x, jnp.int32)
    e_f = lax.shift_right_logical(bits, 23).astype(jnp.float32)
    mb = (bits & jnp.int32(0x7FFFFF)) | jnp.int32(0x3F800000)
    t = lax.bitcast_convert_type(mb, jnp.float32) - 1.0
    p = jnp.float32(_P[0])
    for c in _P[1:]:
        p = p * t + jnp.float32(c)
    return e_f + (p - 127.0)


def _sc_body(pred_hbm, mask_hbm, out_hbm, pbuf, mbuf, accbuf):
    wid = lax.axis_index("s") * 2 + lax.axis_index("c")
    g0 = wid * _ROWS_PER_W
    b = lax.shift_right_logical(g0, 9)
    r0 = g0 & 511

    def outer(k, acc):
        r = pl.multiple_of(r0 + k * _CR, _CR)
        pltpu.sync_copy(pred_hbm.at[b, 0, pl.ds(r, _CR), :], pbuf)
        pltpu.sync_copy(mask_hbm.at[b, pl.ds(r, _CR), :], mbuf)

        def inner(rr, a):
            for ci in range(512 // 16):
                p = pbuf[rr, pl.ds(ci * 16, 16)]
                m = mbuf[rr, pl.ds(ci * 16, 16)]
                sel = jnp.where(m == 1, p, 1.0 - p)
                sel = jnp.maximum(sel, _EPS)
                a = a + _log2_sw(sel)
            return a

        return lax.fori_loop(0, _CR, inner, acc)

    acc = lax.fori_loop(0, _NCH, outer, jnp.zeros((16,), jnp.float32))
    accbuf[...] = acc
    pltpu.sync_copy(accbuf, out_hbm.at[pl.ds(pl.multiple_of(wid * 16, 16), 16)])


@functools.lru_cache(maxsize=1)
def _sc_partials_fn():
    return functools.partial(
        pl.kernel,
        mesh=plsc.VectorSubcoreMesh(core_axis_name="c", subcore_axis_name="s"),
        out_type=jax.ShapeDtypeStruct((_NW * 16,), jnp.float32),
        scratch_types=[
            pltpu.VMEM((_CR, 512), jnp.float32),
            pltpu.VMEM((_CR, 512), jnp.int32),
            pltpu.VMEM((16,), jnp.float32),
        ],
    )(_sc_body)


_TCB = 32 - _SCB
_TC_B = 2 if _TCB % 2 == 0 and _TCB > 0 else 1
_TC_GRID = _TCB // _TC_B if _TCB else 0


def _tc_kernel(pred_ref, mask_ref, out_ref, acc_ref):
    i = pl.program_id(0)

    terms = []
    for bb in range(_TC_B):
        p = pred_ref[bb, 0]
        m = mask_ref[bb]
        sel = jnp.where(m == 1, p, 1.0 - p)
        sel = jnp.maximum(sel, _EPS)
        terms.append(jnp.log2(sel))
    blk = sum(terms[1:], terms[0])

    @pl.when(i == 0)
    def _init():
        acc_ref[...] = blk

    @pl.when(i > 0)
    def _acc():
        acc_ref[...] += blk

    @pl.when(i == _TC_GRID - 1)
    def _fin():
        out_ref[0, 0] = jnp.sum(acc_ref[...])


def _tc_raw_sum(pred, mask):
    out = pl.pallas_call(
        _tc_kernel,
        grid=(_TC_GRID,),
        in_specs=[
            pl.BlockSpec((_TC_B, 1, 512, 512), lambda i: (i + _SCB // _TC_B, 0, 0, 0)),
            pl.BlockSpec((_TC_B, 512, 512), lambda i: (i + _SCB // _TC_B, 0, 0)),
        ],
        out_specs=pl.BlockSpec(memory_space=pltpu.SMEM),
        out_shape=jax.ShapeDtypeStruct((1, 1), jnp.float32),
        scratch_shapes=[pltpu.VMEM((512, 512), jnp.float32)],
    )(pred, mask)
    return out[0, 0]


@jax.jit
def _loss(pred, mask):
    total = jnp.float32(0.0)
    if _SCB:
        total = total + jnp.sum(_sc_partials_fn()(pred, mask))
    if _TCB:
        total = total + _tc_raw_sum(pred, mask)
    return (total * _NEG_LN2) / (_N_TOTAL + _EPS)


def kernel(pred, mask, batch_indices):
    return _loss(pred, mask)

# --- scband reference (transcript-rebuilt; emitter-appended) ---
"""Pipeline reference for scband-dynamic-annotation-loss-v2-77687368450449 (READ-ONLY COPY).

The authoritative reference and input builder live on the scoring server;
editing this copy changes nothing except your own understanding.
"""

import jax, jax.numpy as jnp
import numpy as np


def setup_inputs(seed: int = 0) -> dict:
    key = jax.random.key(seed)
    k1, k2 = jax.random.split(key)
    pred = jax.random.uniform(k1, (32, 1, 512, 512), dtype=jnp.float32)
    mask = jax.random.randint(k2, (32, 512, 512), 0, 2, dtype=jnp.int32)
    batch_indices = jnp.arange(32, dtype=jnp.int32)
    return {"pred": pred, "mask": mask, "batch_indices": batch_indices}


def reference(pred, mask, batch_indices):
    # DynamicAnnotationLossV2 with dropout_rate=0.0 and current_epoch(0) < warmup_epochs(3):
    # - no holdout points, no swaps -> train_mask is exactly (mask != ignore_value)
    # - loss is masked BCE averaged over train points
    eps = 1e-07
    ignore_value = 2
    if pred.ndim == 4 and pred.shape[1] == 1:
        pred = jnp.squeeze(pred, axis=1)
    train_mask = (mask != ignore_value).astype(jnp.float32)
    pred_clamped = jnp.clip(pred, eps, 1.0 - eps)
    m = mask.astype(jnp.float32)
    bce = -(m * jnp.log(pred_clamped) + (1.0 - m) * jnp.log(1.0 - pred_clamped))
    loss = (bce * train_mask).sum() / (train_mask.sum() + eps)
    return loss

if __name__ == "__main__":
    import jax
    _d = setup_inputs()
    print(jax.jit(kernel)(*tuple(_d.values())))

</pallas_src>

<mosaic_0001>
#map = affine_map<(d0, d1) -> (0, 0, 0, 0)>
#map1 = affine_map<(d0, d1) -> (0, 0, 0)>
#map2 = affine_map<(d0, d1) -> (0)>
module attributes {stable_mosaic.version = 14 : i64} {
  func.func @_sc_body(%arg0: i32, %arg1: i32, %arg2: memref<32x1x512x512xf32, #tpu.memory_space<hbm>>, %arg3: memref<32x512x512xi32, #tpu.memory_space<hbm>>, %arg4: memref<512xf32, #tpu.memory_space<hbm>>, %arg5: memref<32x512xf32, #tpu.memory_space<vmem>>, %arg6: memref<32x512xi32, #tpu.memory_space<vmem>>, %arg7: memref<16xf32, #tpu.memory_space<vmem>>) attributes {dimension_semantics = [#tpu.dimension_semantics<core_parallel>, #tpu.dimension_semantics<subcore_parallel>], iteration_bounds = array<i64: 2, 16>, scalar_prefetch = 0 : i64, scratch_operands = 3 : i64, tpu.core_type = #tpu.core_type<sc_vector_subcore>, window_params = [{transform_indices = #map}, {transform_indices = #map1}, {transform_indices = #map2}]} {
    %mul3A = arith.constant 2 : i32
    %mul3A_0 = arith.muli %arg1, %mul3A : i32
    %add3A = arith.addi %mul3A_0, %arg0 : i32
    %mul3A_1 = arith.constant 64 : i32
    %mul3A_2 = arith.muli %add3A, %mul3A_1 : i32
    %shift_right_logical3A = arith.constant 9 : i32
    %shift_right_logical3A_3 = arith.shrui %mul3A_2, %shift_right_logical3A : i32
    %and3A = arith.constant 511 : i32
    %and3A_4 = arith.andi %mul3A_2, %and3A : i32
    %broadcast_in_dim3A = arith.constant 0.000000e+00 : f32
    %broadcast_in_dim3A_5 = vector.broadcast %broadcast_in_dim3A : f32 to vector<16xf32>
    %scan3A = arith.constant 0 : i32
    %scan3A_6 = arith.constant 2 : i32
    %scan3A_7 = arith.addi %scan3A, %scan3A_6 : i32
    %scan3A_8 = arith.constant 1 : i32
    %scan3A_9 = scf.for %scan3A_16 = %scan3A to %scan3A_7 step %scan3A_8 iter_args(%scan3A_17 = %broadcast_in_dim3A_5) -> (vector<16xf32>)  : i32 {
      %mul3A_18 = arith.constant 32 : i32
      %mul3A_19 = arith.muli %scan3A_16, %mul3A_18 : i32
      %add3A_20 = arith.addi %and3A_4, %mul3A_19 : i32
      %multiple_of3A_21 = tpu.assume_multiple %add3A_20, 32 : i32
      %run_scoped3A = arith.constant 0 : i32
      "tpu.region"() ({
        %run_scoped3A_28 = tpu.sem_alloc : memref<!tpu.dma_semaphore, #tpu.memory_space<semaphore_mem>>
        %dma_start3A = arith.constant 0 : i32
        %dma_start3A_29 = tpu.memref_slice %arg2[%shift_right_logical3A_3, %run_scoped3A, %multiple_of3A_21, %dma_start3A] : memref<32x1x512x512xf32, #tpu.memory_space<hbm>> -> memref<1x1x32x512xf32, #tpu.memory_space<hbm>>
        %dma_start3A_30 = tpu.memref_squeeze %dma_start3A_29 : memref<1x1x32x512xf32, #tpu.memory_space<hbm>> -> memref<32x512xf32, #tpu.memory_space<hbm>>
        %dma_start3A_31 = arith.constant 0 : i32
        %dma_start3A_32 = tpu.memref_slice %arg2[%shift_right_logical3A_3, %run_scoped3A, %multiple_of3A_21, %dma_start3A_31] : memref<32x1x512x512xf32, #tpu.memory_space<hbm>> -> memref<1x1x32x512xf32, #tpu.memory_space<hbm>>
        %dma_start3A_33 = tpu.memref_squeeze %dma_start3A_32 : memref<1x1x32x512xf32, #tpu.memory_space<hbm>> -> memref<32x512xf32, #tpu.memory_space<hbm>>
        tpu.enqueue_dma source(%dma_start3A_33 : memref<32x512xf32, #tpu.memory_space<hbm>>) target(%arg5 : memref<32x512xf32, #tpu.memory_space<vmem>>) target_semaphore(%run_scoped3A_28 : memref<!tpu.dma_semaphore, #tpu.memory_space<semaphore_mem>>)
        %dma_wait3A = arith.constant 0 : i32
        %dma_wait3A_34 = tpu.memref_slice %arg2[%shift_right_logical3A_3, %run_scoped3A, %multiple_of3A_21, %dma_wait3A] : memref<32x1x512x512xf32, #tpu.memory_space<hbm>> -> memref<1x1x32x512xf32, #tpu.memory_space<hbm>>
        %dma_wait3A_35 = tpu.memref_squeeze %dma_wait3A_34 : memref<1x1x32x512xf32, #tpu.memory_space<hbm>> -> memref<32x512xf32, #tpu.memory_space<hbm>>
        %dma_wait3A_36 = arith.constant 0 : i32
        %dma_wait3A_37 = tpu.memref_slice %arg2[%shift_right_logical3A_3, %run_scoped3A, %multiple_of3A_21, %dma_wait3A_36] : memref<32x1x512x512xf32, #tpu.memory_space<hbm>> -> memref<1x1x32x512xf32, #tpu.memory_space<hbm>>
        %dma_wait3A_38 = tpu.memref_squeeze %dma_wait3A_37 : memref<1x1x32x512xf32, #tpu.memory_space<hbm>> -> memref<32x512xf32, #tpu.memory_space<hbm>>
        tpu.wait_dma2 semaphore(%run_scoped3A_28 : memref<!tpu.dma_semaphore, #tpu.memory_space<semaphore_mem>>) src(%dma_wait3A_38 : memref<32x512xf32, #tpu.memory_space<hbm>>) dst(%arg5 : memref<32x512xf32, #tpu.memory_space<vmem>>)
        tpu.yield
      }) : () -> ()
      "tpu.region"() ({
        %run_scoped3A_28 = tpu.sem_alloc : memref<!tpu.dma_semaphore, #tpu.memory_space<semaphore_mem>>
        %dma_start3A = arith.constant 0 : i32
        %dma_start3A_29 = tpu.memref_slice %arg3[%shift_right_logical3A_3, %multiple_of3A_21, %dma_start3A] : memref<32x512x512xi32, #tpu.memory_space<hbm>> -> memref<1x32x512xi32, #tpu.memory_space<hbm>>
        %dma_start3A_30 = tpu.memref_squeeze %dma_start3A_29 : memref<1x32x512xi32, #tpu.memory_space<hbm>> -> memref<32x512xi32, #tpu.memory_space<hbm>>
        %dma_start3A_31 = arith.constant 0 : i32
        %dma_start3A_32 = tpu.memref_slice %arg3[%shift_right_logical3A_3, %multiple_of3A_21, %dma_start3A_31] : memref<32x512x512xi32, #tpu.memory_space<hbm>> -> memref<1x32x512xi32, #tpu.memory_space<hbm>>
        %dma_start3A_33 = tpu.memref_squeeze %dma_start3A_32 : memref<1x32x512xi32, #tpu.memory_space<hbm>> -> memref<32x512xi32, #tpu.memory_space<hbm>>
        tpu.enqueue_dma source(%dma_start3A_33 : memref<32x512xi32, #tpu.memory_space<hbm>>) target(%arg6 : memref<32x512xi32, #tpu.memory_space<vmem>>) target_semaphore(%run_scoped3A_28 : memref<!tpu.dma_semaphore, #tpu.memory_space<semaphore_mem>>)
        %dma_wait3A = arith.constant 0 : i32
        %dma_wait3A_34 = tpu.memref_slice %arg3[%shift_right_logical3A_3, %multiple_of3A_21, %dma_wait3A] : memref<32x512x512xi32, #tpu.memory_space<hbm>> -> memref<1x32x512xi32, #tpu.memory_space<hbm>>
        %dma_wait3A_35 = tpu.memref_squeeze %dma_wait3A_34 : memref<1x32x512xi32, #tpu.memory_space<hbm>> -> memref<32x512xi32, #tpu.memory_space<hbm>>
        %dma_wait3A_36 = arith.constant 0 : i32
        %dma_wait3A_37 = tpu.memref_slice %arg3[%shift_right_logical3A_3, %multiple_of3A_21, %dma_wait3A_36] : memref<32x512x512xi32, #tpu.memory_space<hbm>> -> memref<1x32x512xi32, #tpu.memory_space<hbm>>
        %dma_wait3A_38 = tpu.memref_squeeze %dma_wait3A_37 : memref<1x32x512xi32, #tpu.memory_space<hbm>> -> memref<32x512xi32, #tpu.memory_space<hbm>>
        tpu.wait_dma2 semaphore(%run_scoped3A_28 : memref<!tpu.dma_semaphore, #tpu.memory_space<semaphore_mem>>) src(%dma_wait3A_38 : memref<32x512xi32, #tpu.memory_space<hbm>>) dst(%arg6 : memref<32x512xi32, #tpu.memory_space<vmem>>)
        tpu.yield
      }) : () -> ()
      %scan3A_22 = arith.constant 0 : i32
      %scan3A_23 = arith.constant 32 : i32
      %scan3A_24 = arith.addi %scan3A_22, %scan3A_23 : i32
      %scan3A_25 = arith.constant 1 : i32
      %scan3A_26 = scf.for %scan3A_28 = %scan3A_22 to %scan3A_24 step %scan3A_25 iter_args(%scan3A_29 = %scan3A_17) -> (vector<16xf32>)  : i32 {
        %get3A = arith.index_cast %scan3A_28 : i32 to index
        %get3A_30 = arith.constant 0 : index
        %get3A_31 = tpu.vector_load %arg5[%get3A, %get3A_30] {strides = array<i32>} : memref<32x512xf32, #tpu.memory_space<vmem>>, vector<1x16xf32>,
        %get3A_32 = vector.shape_cast %get3A_31 : vector<1x16xf32> to vector<16xf32>
        %get3A_33 = arith.index_cast %scan3A_28 : i32 to index
        %get3A_34 = arith.constant 0 : index
        %get3A_35 = tpu.vector_load %arg6[%get3A_33, %get3A_34] {strides = array<i32>} : memref<32x512xi32, #tpu.memory_space<vmem>>, vector<1x16xi32>,
        %get3A_36 = vector.shape_cast %get3A_35 : vector<1x16xi32> to vector<16xi32>
        %eq3A = arith.constant 1 : i32
        %eq3A_37 = vector.broadcast %eq3A : i32 to vector<16xi32>
        %eq3A_38 = arith.cmpi eq, %get3A_36, %eq3A_37 : vector<16xi32>
        %sub3A = arith.constant 1.000000e+00 : f32
        %sub3A_39 = vector.broadcast %sub3A : f32 to vector<16xf32>
        %sub3A_40 = arith.subf %sub3A_39, %get3A_32 : vector<16xf32>
        %select_n3A = arith.select %eq3A_38, %get3A_32, %sub3A_40 : vector<16xi1>, vector<16xf32>
        %max3A = arith.constant 1.000000e-07 : f32
        %max3A_41 = vector.broadcast %max3A : f32 to vector<16xf32>
        %max3A_42 = arith.maximumf %select_n3A, %max3A_41 : vector<16xf32>
        %bitcast_convert_type3A = tpu.bitcast %max3A_42 : vector<16xf32> -> vector<16xi32>
        %shift_right_logical3A_43 = arith.constant 23 : i32
        %shift_right_logical3A_44 = vector.broadcast %shift_right_logical3A_43 : i32 to vector<16xi32>
        %shift_right_logical3A_45 = arith.shrui %bitcast_convert_type3A, %shift_right_logical3A_44 : vector<16xi32>
        %convert_element_type3A = arith.sitofp %shift_right_logical3A_45 : vector<16xi32> to vector<16xf32>
        %and3A_46 = arith.constant 8388607 : i32
        %and3A_47 = vector.broadcast %and3A_46 : i32 to vector<16xi32>
        %and3A_48 = arith.andi %bitcast_convert_type3A, %and3A_47 : vector<16xi32>
        %or3A = arith.constant 1065353216 : i32
        %or3A_49 = vector.broadcast %or3A : i32 to vector<16xi32>
        %or3A_50 = arith.ori %and3A_48, %or3A_49 : vector<16xi32>
        %bitcast_convert_type3A_51 = tpu.bitcast %or3A_50 : vector<16xi32> -> vector<16xf32>
        %sub3A_52 = arith.constant 1.000000e+00 : f32
        %sub3A_53 = vector.broadcast %sub3A_52 : f32 to vector<16xf32>
        %sub3A_54 = arith.subf %bitcast_convert_type3A_51, %sub3A_53 : vector<16xf32>
        %mul3A_55 = arith.constant 0.0147787211 : f32
        %mul3A_56 = vector.broadcast %mul3A_55 : f32 to vector<16xf32>
        %mul3A_57 = arith.mulf %mul3A_56, %sub3A_54 : vector<16xf32>
        %add3A_58 = arith.constant -0.076848723 : f32
        %add3A_59 = vector.broadcast %add3A_58 : f32 to vector<16xf32>
        %add3A_60 = arith.addf %mul3A_57, %add3A_59 : vector<16xf32>
        %mul3A_61 = arith.mulf %add3A_60, %sub3A_54 : vector<16xf32>
        %add3A_62 = arith.constant 0.190420836 : f32
        %add3A_63 = vector.broadcast %add3A_62 : f32 to vector<16xf32>
        %add3A_64 = arith.addf %mul3A_61, %add3A_63 : vector<16xf32>
        %mul3A_65 = arith.mulf %add3A_64, %sub3A_54 : vector<16xf32>
        %add3A_66 = arith.constant -0.323115945 : f32
        %add3A_67 = vector.broadcast %add3A_66 : f32 to vector<16xf32>
        %add3A_68 = arith.addf %mul3A_65, %add3A_67 : vector<16xf32>
        %mul3A_69 = arith.mulf %add3A_68, %sub3A_54 : vector<16xf32>
        %add3A_70 = arith.constant 0.47249952 : f32
        %add3A_71 = vector.broadcast %add3A_70 : f32 to vector<16xf32>
        %add3A_72 = arith.addf %mul3A_69, %add3A_71 : vector<16xf32>
        %mul3A_73 = arith.mulf %add3A_72, %sub3A_54 : vector<16xf32>
        %add3A_74 = arith.constant -0.720386624 : f32
        %add3A_75 = vector.broadcast %add3A_74 : f32 to vector<16xf32>
        %add3A_76 = arith.addf %mul3A_73, %add3A_75 : vector<16xf32>
        %mul3A_77 = arith.mulf %add3A_76, %sub3A_54 : vector<16xf32>
        %add3A_78 = arith.constant 1.44265211 : f32
        %add3A_79 = vector.broadcast %add3A_78 : f32 to vector<16xf32>
        %add3A_80 = arith.addf %mul3A_77, %add3A_79 : vector<16xf32>
        %mul3A_81 = arith.mulf %add3A_80, %sub3A_54 : vector<16xf32>
        %add3A_82 = arith.constant 3.19697818E-7 : f32
        %add3A_83 = vector.broadcast %add3A_82 : f32 to vector<16xf32>
        %add3A_84 = arith.addf %mul3A_81, %add3A_83 : vector<16xf32>
        %sub3A_85 = arith.constant 1.270000e+02 : f32
        %sub3A_86 = vector.broadcast %sub3A_85 : f32 to vector<16xf32>
        %sub3A_87 = arith.subf %add3A_84, %sub3A_86 : vector<16xf32>
        %add3A_88 = arith.addf %convert_element_type3A, %sub3A_87 : vector<16xf32>
        %add3A_89 = arith.addf %scan3A_29, %add3A_88 : vector<16xf32>
        %get3A_90 = arith.index_cast %scan3A_28 : i32 to index
        %get3A_91 = arith.constant 16 : index
        %get3A_92 = tpu.vector_load %arg5[%get3A_90, %get3A_91] {strides = array<i32>} : memref<32x512xf32, #tpu.memory_space<vmem>>, vector<1x16xf32>,
        %get3A_93 = vector.shape_cast %get3A_92 : vector<1x16xf32> to vector<16xf32>
        %get3A_94 = arith.index_cast %scan3A_28 : i32 to index
        %get3A_95 = arith.constant 16 : index
        %get3A_96 = tpu.vector_load %arg6[%get3A_94, %get3A_95] {strides = array<i32>} : memref<32x512xi32, #tpu.memory_space<vmem>>, vector<1x16xi32>,
        %get3A_97 = vector.shape_cast %get3A_96 : vector<1x16xi32> to vector<16xi32>
        %eq3A_98 = arith.constant 1 : i32
        %eq3A_99 = vector.broadcast %eq3A_98 : i32 to vector<16xi32>
        %eq3A_100 = arith.cmpi eq, %get3A_97, %eq3A_99 : vector<16xi32>
        %sub3A_101 = arith.constant 1.000000e+00 : f32
        %sub3A_102 = vector.broadcast %sub3A_101 : f32 to vector<16xf32>
        %sub3A_103 = arith.subf %sub3A_102, %get3A_93 : vector<16xf32>
        %select_n3A_104 = arith.select %eq3A_100, %get3A_93, %sub3A_103 : vector<16xi1>, vector<16xf32>
        %max3A_105 = arith.constant 1.000000e-07 : f32
        %max3A_106 = vector.broadcast %max3A_105 : f32 to vector<16xf32>
        %max3A_107 = arith.maximumf %select_n3A_104, %max3A_106 : vector<16xf32>
        %bitcast_convert_type3A_108 = tpu.bitcast %max3A_107 : vector<16xf32> -> vector<16xi32>
        %shift_right_logical3A_109 = arith.constant 23 : i32
        %shift_right_logical3A_110 = vector.broadcast %shift_right_logical3A_109 : i32 to vector<16xi32>
        %shift_right_logical3A_111 = arith.shrui %bitcast_convert_type3A_108, %shift_right_logical3A_110 : vector<16xi32>
        %convert_element_type3A_112 = arith.sitofp %shift_right_logical3A_111 : vector<16xi32> to vector<16xf32>
        %and3A_113 = arith.constant 8388607 : i32
        %and3A_114 = vector.broadcast %and3A_113 : i32 to vector<16xi32>
        %and3A_115 = arith.andi %bitcast_convert_type3A_108, %and3A_114 : vector<16xi32>
        %or3A_116 = arith.constant 1065353216 : i32
        %or3A_117 = vector.broadcast %or3A_116 : i32 to vector<16xi32>
        %or3A_118 = arith.ori %and3A_115, %or3A_117 : vector<16xi32>
        %bitcast_convert_type3A_119 = tpu.bitcast %or3A_118 : vector<16xi32> -> vector<16xf32>
        %sub3A_120 = arith.constant 1.000000e+00 : f32
        %sub3A_121 = vector.broadcast %sub3A_120 : f32 to vector<16xf32>
        %sub3A_122 = arith.subf %bitcast_convert_type3A_119, %sub3A_121 : vector<16xf32>
        %mul3A_123 = arith.constant 0.0147787211 : f32
        %mul3A_124 = vector.broadcast %mul3A_123 : f32 to vector<16xf32>
        %mul3A_125 = arith.mulf %mul3A_124, %sub3A_122 : vector<16xf32>
        %add3A_126 = arith.constant -0.076848723 : f32
        %add3A_127 = vector.broadcast %add3A_126 : f32 to vector<16xf32>
        %add3A_128 = arith.addf %mul3A_125, %add3A_127 : vector<16xf32>
        %mul3A_129 = arith.mulf %add3A_128, %sub3A_122 : vector<16xf32>
        %add3A_130 = arith.constant 0.190420836 : f32
        %add3A_131 = vector.broadcast %add3A_130 : f32 to vector<16xf32>
        %add3A_132 = arith.addf %mul3A_129, %add3A_131 : vector<16xf32>
        %mul3A_133 = arith.mulf %add3A_132, %sub3A_122 : vector<16xf32>
        %add3A_134 = arith.constant -0.323115945 : f32
        %add3A_135 = vector.broadcast %add3A_134 : f32 to vector<16xf32>
        %add3A_136 = arith.addf %mul3A_133, %add3A_135 : vector<16xf32>
        %mul3A_137 = arith.mulf %add3A_136, %sub3A_122 : vector<16xf32>
        %add3A_138 = arith.constant 0.47249952 : f32
        %add3A_139 = vector.broadcast %add3A_138 : f32 to vector<16xf32>
        %add3A_140 = arith.addf %mul3A_137, %add3A_139 : vector<16xf32>
        %mul3A_141 = arith.mulf %add3A_140, %sub3A_122 : vector<16xf32>
        %add3A_142 = arith.constant -0.720386624 : f32
        %add3A_143 = vector.broadcast %add3A_142 : f32 to vector<16xf32>
        %add3A_144 = arith.addf %mul3A_141, %add3A_143 : vector<16xf32>
        %mul3A_145 = arith.mulf %add3A_144, %sub3A_122 : vector<16xf32>
        %add3A_146 = arith.constant 1.44265211 : f32
        %add3A_147 = vector.broadcast %add3A_146 : f32 to vector<16xf32>
        %add3A_148 = arith.addf %mul3A_145, %add3A_147 : vector<16xf32>
        %mul3A_149 = arith.mulf %add3A_148, %sub3A_122 : vector<16xf32>
        %add3A_150 = arith.constant 3.19697818E-7 : f32
        %add3A_151 = vector.broadcast %add3A_150 : f32 to vector<16xf32>
        %add3A_152 = arith.addf %mul3A_149, %add3A_151 : vector<16xf32>
        %sub3A_153 = arith.constant 1.270000e+02 : f32
        %sub3A_154 = vector.broadcast %sub3A_153 : f32 to vector<16xf32>
        %sub3A_155 = arith.subf %add3A_152, %sub3A_154 : vector<16xf32>
        %add3A_156 = arith.addf %convert_element_type3A_112, %sub3A_155 : vector<16xf32>
        %add3A_157 = arith.addf %add3A_89, %add3A_156 : vector<16xf32>
        %get3A_158 = arith.index_cast %scan3A_28 : i32 to index
        %get3A_159 = arith.constant 32 : index
        %get3A_160 = tpu.vector_load %arg5[%get3A_158, %get3A_159] {strides = array<i32>} : memref<32x512xf32, #tpu.memory_space<vmem>>, vector<1x16xf32>,
        %get3A_161 = vector.shape_cast %get3A_160 : vector<1x16xf32> to vector<16xf32>
        %get3A_162 = arith.index_cast %scan3A_28 : i32 to index
        %get3A_163 = arith.constant 32 : index
        %get3A_164 = tpu.vector_load %arg6[%get3A_162, %get3A_163] {strides = array<i32>} : memref<32x512xi32, #tpu.memory_space<vmem>>, vector<1x16xi32>,
        %get3A_165 = vector.shape_cast %get3A_164 : vector<1x16xi32> to vector<16xi32>
        %eq3A_166 = arith.constant 1 : i32
        %eq3A_167 = vector.broadcast %eq3A_166 : i32 to vector<16xi32>
        %eq3A_168 = arith.cmpi eq, %get3A_165, %eq3A_167 : vector<16xi32>
        %sub3A_169 = arith.constant 1.000000e+00 : f32
        %sub3A_170 = vector.broadcast %sub3A_169 : f32 to vector<16xf32>
        %sub3A_171 = arith.subf %sub3A_170, %get3A_161 : vector<16xf32>
        %select_n3A_172 = arith.select %eq3A_168, %get3A_161, %sub3A_171 : vector<16xi1>, vector<16xf32>
        %max3A_173 = arith.constant 1.000000e-07 : f32
        %max3A_174 = vector.broadcast %max3A_173 : f32 to vector<16xf32>
        %max3A_175 = arith.maximumf %select_n3A_172, %max3A_174 : vector<16xf32>
        %bitcast_convert_type3A_176 = tpu.bitcast %max3A_175 : vector<16xf32> -> vector<16xi32>
        %shift_right_logical3A_177 = arith.constant 23 : i32
        %shift_right_logical3A_178 = vector.broadcast %shift_right_logical3A_177 : i32 to vector<16xi32>
        %shift_right_logical3A_179 = arith.shrui %bitcast_convert_type3A_176, %shift_right_logical3A_178 : vector<16xi32>
        %convert_element_type3A_180 = arith.sitofp %shift_right_logical3A_179 : vector<16xi32> to vector<16xf32>
        %and3A_181 = arith.constant 8388607 : i32
        %and3A_182 = vector.broadcast %and3A_181 : i32 to vector<16xi32>
        %and3A_183 = arith.andi %bitcast_convert_type3A_176, %and3A_182 : vector<16xi32>
        %or3A_184 = arith.constant 1065353216 : i32
        %or3A_185 = vector.broadcast %or3A_184 : i32 to vector<16xi32>
        %or3A_186 = arith.ori %and3A_183, %or3A_185 : vector<16xi32>
        %bitcast_convert_type3A_187 = tpu.bitcast %or3A_186 : vector<16xi32> -> vector<16xf32>
        %sub3A_188 = arith.constant 1.000000e+00 : f32
        %sub3A_189 = vector.broadcast %sub3A_188 : f32 to vector<16xf32>
        %sub3A_190 = arith.subf %bitcast_convert_type3A_187, %sub3A_189 : vector<16xf32>
        %mul3A_191 = arith.constant 0.0147787211 : f32
        %mul3A_192 = vector.broadcast %mul3A_191 : f32 to vector<16xf32>
        %mul3A_193 = arith.mulf %mul3A_192, %sub3A_190 : vector<16xf32>
        %add3A_194 = arith.constant -0.076848723 : f32
        %add3A_195 = vector.broadcast %add3A_194 : f32 to vector<16xf32>
        %add3A_196 = arith.addf %mul3A_193, %add3A_195 : vector<16xf32>
        %mul3A_197 = arith.mulf %add3A_196, %sub3A_190 : vector<16xf32>
        %add3A_198 = arith.constant 0.190420836 : f32
        %add3A_199 = vector.broadcast %add3A_198 : f32 to vector<16xf32>
        %add3A_200 = arith.addf %mul3A_197, %add3A_199 : vector<16xf32>
        %mul3A_201 = arith.mulf %add3A_200, %sub3A_190 : vector<16xf32>
        %add3A_202 = arith.constant -0.323115945 : f32
        %add3A_203 = vector.broadcast %add3A_202 : f32 to vector<16xf32>
        %add3A_204 = arith.addf %mul3A_201, %add3A_203 : vector<16xf32>
        %mul3A_205 = arith.mulf %add3A_204, %sub3A_190 : vector<16xf32>
        %add3A_206 = arith.constant 0.47249952 : f32
        %add3A_207 = vector.broadcast %add3A_206 : f32 to vector<16xf32>
        %add3A_208 = arith.addf %mul3A_205, %add3A_207 : vector<16xf32>
        %mul3A_209 = arith.mulf %add3A_208, %sub3A_190 : vector<16xf32>
        %add3A_210 = arith.constant -0.720386624 : f32
        %add3A_211 = vector.broadcast %add3A_210 : f32 to vector<16xf32>
        %add3A_212 = arith.addf %mul3A_209, %add3A_211 : vector<16xf32>
        %mul3A_213 = arith.mulf %add3A_212, %sub3A_190 : vector<16xf32>
        %add3A_214 = arith.constant 1.44265211 : f32
        %add3A_215 = vector.broadcast %add3A_214 : f32 to vector<16xf32>
        %add3A_216 = arith.addf %mul3A_213, %add3A_215 : vector<16xf32>
        %mul3A_217 = arith.mulf %add3A_216, %sub3A_190 : vector<16xf32>
        %add3A_218 = arith.constant 3.19697818E-7 : f32
        %add3A_219 = vector.broadcast %add3A_218 : f32 to vector<16xf32>
        %add3A_220 = arith.addf %mul3A_217, %add3A_219 : vector<16xf32>
        %sub3A_221 = arith.constant 1.270000e+02 : f32
        %sub3A_222 = vector.broadcast %sub3A_221 : f32 to vector<16xf32>
        %sub3A_223 = arith.subf %add3A_220, %sub3A_222 : vector<16xf32>
        %add3A_224 = arith.addf %convert_element_type3A_180, %sub3A_223 : vector<16xf32>
        %add3A_225 = arith.addf %add3A_157, %add3A_224 : vector<16xf32>
        %get3A_226 = arith.index_cast %scan3A_28 : i32 to index
        %get3A_227 = arith.constant 48 : index
        %get3A_228 = tpu.vector_load %arg5[%get3A_226, %get3A_227] {strides = array<i32>} : memref<32x512xf32, #tpu.memory_space<vmem>>, vector<1x16xf32>,
        %get3A_229 = vector.shape_cast %get3A_228 : vector<1x16xf32> to vector<16xf32>
        %get3A_230 = arith.index_cast %scan3A_28 : i32 to index
        %get3A_231 = arith.constant 48 : index
        %get3A_232 = tpu.vector_load %arg6[%get3A_230, %get3A_231] {strides = array<i32>} : memref<32x512xi32, #tpu.memory_space<vmem>>, vector<1x16xi32>,
        %get3A_233 = vector.shape_cast %get3A_232 : vector<1x16xi32> to vector<16xi32>
        %eq3A_234 = arith.constant 1 : i32
        %eq3A_235 = vector.broadcast %eq3A_234 : i32 to vector<16xi32>
        %eq3A_236 = arith.cmpi eq, %get3A_233, %eq3A_235 : vector<16xi32>
        %sub3A_237 = arith.constant 1.000000e+00 : f32
        %sub3A_238 = vector.broadcast %sub3A_237 : f32 to vector<16xf32>
        %sub3A_239 = arith.subf %sub3A_238, %get3A_229 : vector<16xf32>
        %select_n3A_240 = arith.select %eq3A_236, %get3A_229, %sub3A_239 : vector<16xi1>, vector<16xf32>
        %max3A_241 = arith.constant 1.000000e-07 : f32
        %max3A_242 = vector.broadcast %max3A_241 : f32 to vector<16xf32>
        %max3A_243 = arith.maximumf %select_n3A_240, %max3A_242 : vector<16xf32>
        %bitcast_convert_type3A_244 = tpu.bitcast %max3A_243 : vector<16xf32> -> vector<16xi32>
        %shift_right_logical3A_245 = arith.constant 23 : i32
        %shift_right_logical3A_246 = vector.broadcast %shift_right_logical3A_245 : i32 to vector<16xi32>
        %shift_right_logical3A_247 = arith.shrui %bitcast_convert_type3A_244, %shift_right_logical3A_246 : vector<16xi32>
        %convert_element_type3A_248 = arith.sitofp %shift_right_logical3A_247 : vector<16xi32> to vector<16xf32>
        %and3A_249 = arith.constant 8388607 : i32
        %and3A_250 = vector.broadcast %and3A_249 : i32 to vector<16xi32>
        %and3A_251 = arith.andi %bitcast_convert_type3A_244, %and3A_250 : vector<16xi32>
        %or3A_252 = arith.constant 1065353216 : i32
        %or3A_253 = vector.broadcast %or3A_252 : i32 to vector<16xi32>
        %or3A_254 = arith.ori %and3A_251, %or3A_253 : vector<16xi32>
        %bitcast_convert_type3A_255 = tpu.bitcast %or3A_254 : vector<16xi32> -> vector<16xf32>
        %sub3A_256 = arith.constant 1.000000e+00 : f32
        %sub3A_257 = vector.broadcast %sub3A_256 : f32 to vector<16xf32>
        %sub3A_258 = arith.subf %bitcast_convert_type3A_255, %sub3A_257 : vector<16xf32>
        %mul3A_259 = arith.constant 0.0147787211 : f32
        %mul3A_260 = vector.broadcast %mul3A_259 : f32 to vector<16xf32>
        %mul3A_261 = arith.mulf %mul3A_260, %sub3A_258 : vector<16xf32>
        %add3A_262 = arith.constant -0.076848723 : f32
        %add3A_263 = vector.broadcast %add3A_262 : f32 to vector<16xf32>
        %add3A_264 = arith.addf %mul3A_261, %add3A_263 : vector<16xf32>
        %mul3A_265 = arith.mulf %add3A_264, %sub3A_258 : vector<16xf32>
        %add3A_266 = arith.constant 0.190420836 : f32
        %add3A_267 = vector.broadcast %add3A_266 : f32 to vector<16xf32>
        %add3A_268 = arith.addf %mul3A_265, %add3A_267 : vector<16xf32>
        %mul3A_269 = arith.mulf %add3A_268, %sub3A_258 : vector<16xf32>
        %add3A_270 = arith.constant -0.323115945 : f32
        %add3A_271 = vector.broadcast %add3A_270 : f32 to vector<16xf32>
        %add3A_272 = arith.addf %mul3A_269, %add3A_271 : vector<16xf32>
        %mul3A_273 = arith.mulf %add3A_272, %sub3A_258 : vector<16xf32>
        %add3A_274 = arith.constant 0.47249952 : f32
        %add3A_275 = vector.broadcast %add3A_274 : f32 to vector<16xf32>
        %add3A_276 = arith.addf %mul3A_273, %add3A_275 : vector<16xf32>
        %mul3A_277 = arith.mulf %add3A_276, %sub3A_258 : vector<16xf32>
        %add3A_278 = arith.constant -0.720386624 : f32
        %add3A_279 = vector.broadcast %add3A_278 : f32 to vector<16xf32>
        %add3A_280 = arith.addf %mul3A_277, %add3A_279 : vector<16xf32>
        %mul3A_281 = arith.mulf %add3A_280, %sub3A_258 : vector<16xf32>
        %add3A_282 = arith.constant 1.44265211 : f32
        %add3A_283 = vector.broadcast %add3A_282 : f32 to vector<16xf32>
        %add3A_284 = arith.addf %mul3A_281, %add3A_283 : vector<16xf32>
        %mul3A_285 = arith.mulf %add3A_284, %sub3A_258 : vector<16xf32>
        %add3A_286 = arith.constant 3.19697818E-7 : f32
        %add3A_287 = vector.broadcast %add3A_286 : f32 to vector<16xf32>
        %add3A_288 = arith.addf %mul3A_285, %add3A_287 : vector<16xf32>
        %sub3A_289 = arith.constant 1.270000e+02 : f32
        %sub3A_290 = vector.broadcast %sub3A_289 : f32 to vector<16xf32>
        %sub3A_291 = arith.subf %add3A_288, %sub3A_290 : vector<16xf32>
        %add3A_292 = arith.addf %convert_element_type3A_248, %sub3A_291 : vector<16xf32>
        %add3A_293 = arith.addf %add3A_225, %add3A_292 : vector<16xf32>
        %get3A_294 = arith.index_cast %scan3A_28 : i32 to index
        %get3A_295 = arith.constant 64 : index
        %get3A_296 = tpu.vector_load %arg5[%get3A_294, %get3A_295] {strides = array<i32>} : memref<32x512xf32, #tpu.memory_space<vmem>>, vector<1x16xf32>,
        %get3A_297 = vector.shape_cast %get3A_296 : vector<1x16xf32> to vector<16xf32>
        %get3A_298 = arith.index_cast %scan3A_28 : i32 to index
        %get3A_299 = arith.constant 64 : index
        %get3A_300 = tpu.vector_load %arg6[%get3A_298, %get3A_299] {strides = array<i32>} : memref<32x512xi32, #tpu.memory_space<vmem>>, vector<1x16xi32>,
        %get3A_301 = vector.shape_cast %get3A_300 : vector<1x16xi32> to vector<16xi32>
        %eq3A_302 = arith.constant 1 : i32
        %eq3A_303 = vector.broadcast %eq3A_302 : i32 to vector<16xi32>
        %eq3A_304 = arith.cmpi eq, %get3A_301, %eq3A_303 : vector<16xi32>
        %sub3A_305 = arith.constant 1.000000e+00 : f32
        %sub3A_306 = vector.broadcast %sub3A_305 : f32 to vector<16xf32>
        %sub3A_307 = arith.subf %sub3A_306, %get3A_297 : vector<16xf32>
        %select_n3A_308 = arith.select %eq3A_304, %get3A_297, %sub3A_307 : vector<16xi1>, vector<16xf32>
        %max3A_309 = arith.constant 1.000000e-07 : f32
        %max3A_310 = vector.broadcast %max3A_309 : f32 to vector<16xf32>
        %max3A_311 = arith.maximumf %select_n3A_308, %max3A_310 : vector<16xf32>
        %bitcast_convert_type3A_312 = tpu.bitcast %max3A_311 : vector<16xf32> -> vector<16xi32>
        %shift_right_logical3A_313 = arith.constant 23 : i32
        %shift_right_logical3A_314 = vector.broadcast %shift_right_logical3A_313 : i32 to vector<16xi32>
        %shift_right_logical3A_315 = arith.shrui %bitcast_convert_type3A_312, %shift_right_logical3A_314 : vector<16xi32>
        %convert_element_type3A_316 = arith.sitofp %shift_right_logical3A_315 : vector<16xi32> to vector<16xf32>
        %and3A_317 = arith.constant 8388607 : i32
        %and3A_318 = vector.broadcast %and3A_317 : i32 to vector<16xi32>
        %and3A_319 = arith.andi %bitcast_convert_type3A_312, %and3A_318 : vector<16xi32>
        %or3A_320 = arith.constant 1065353216 : i32
        %or3A_321 = vector.broadcast %or3A_320 : i32 to vector<16xi32>
        %or3A_322 = arith.ori %and3A_319, %or3A_321 : vector<16xi32>
        %bitcast_convert_type3A_323 = tpu.bitcast %or3A_322 : vector<16xi32> -> vector<16xf32>
        %sub3A_324 = arith.constant 1.000000e+00 : f32
        %sub3A_325 = vector.broadcast %sub3A_324 : f32 to vector<16xf32>
        %sub3A_326 = arith.subf %bitcast_convert_type3A_323, %sub3A_325 : vector<16xf32>
        %mul3A_327 = arith.constant 0.0147787211 : f32
        %mul3A_328 = vector.broadcast %mul3A_327 : f32 to vector<16xf32>
        %mul3A_329 = arith.mulf %mul3A_328, %sub3A_326 : vector<16xf32>
        %add3A_330 = arith.constant -0.076848723 : f32
        %add3A_331 = vector.broadcast %add3A_330 : f32 to vector<16xf32>
        %add3A_332 = arith.addf %mul3A_329, %add3A_331 : vector<16xf32>
        %mul3A_333 = arith.mulf %add3A_332, %sub3A_326 : vector<16xf32>
        %add3A_334 = arith.constant 0.190420836 : f32
        %add3A_335 = vector.broadcast %add3A_334 : f32 to vector<16xf32>
        %add3A_336 = arith.addf %mul3A_333, %add3A_335 : vector<16xf32>
        %mul3A_337 = arith.mulf %add3A_336, %sub3A_326 : vector<16xf32>
        %add3A_338 = arith.constant -0.323115945 : f32
        %add3A_339 = vector.broadcast %add3A_338 : f32 to vector<16xf32>
        %add3A_340 = arith.addf %mul3A_337, %add3A_339 : vector<16xf32>
        %mul3A_341 = arith.mulf %add3A_340, %sub3A_326 : vector<16xf32>
        %add3A_342 = arith.constant 0.47249952 : f32
        %add3A_343 = vector.broadcast %add3A_342 : f32 to vector<16xf32>
        %add3A_344 = arith.addf %mul3A_341, %add3A_343 : vector<16xf32>
        %mul3A_345 = arith.mulf %add3A_344, %sub3A_326 : vector<16xf32>
        %add3A_346 = arith.constant -0.720386624 : f32
        %add3A_347 = vector.broadcast %add3A_346 : f32 to vector<16xf32>
        %add3A_348 = arith.addf %mul3A_345, %add3A_347 : vector<16xf32>
        %mul3A_349 = arith.mulf %add3A_348, %sub3A_326 : vector<16xf32>
        %add3A_350 = arith.constant 1.44265211 : f32
        %add3A_351 = vector.broadcast %add3A_350 : f32 to vector<16xf32>
        %add3A_352 = arith.addf %mul3A_349, %add3A_351 : vector<16xf32>
        %mul3A_353 = arith.mulf %add3A_352, %sub3A_326 : vector<16xf32>
        %add3A_354 = arith.constant 3.19697818E-7 : f32
        %add3A_355 = vector.broadcast %add3A_354 : f32 to vector<16xf32>
        %add3A_356 = arith.addf %mul3A_353, %add3A_355 : vector<16xf32>
        %sub3A_357 = arith.constant 1.270000e+02 : f32
        %sub3A_358 = vector.broadcast %sub3A_357 : f32 to vector<16xf32>
        %sub3A_359 = arith.subf %add3A_356, %sub3A_358 : vector<16xf32>
        %add3A_360 = arith.addf %convert_element_type3A_316, %sub3A_359 : vector<16xf32>
        %add3A_361 = arith.addf %add3A_293, %add3A_360 : vector<16xf32>
        %get3A_362 = arith.index_cast %scan3A_28 : i32 to index
        %get3A_363 = arith.constant 80 : index
        %get3A_364 = tpu.vector_load %arg5[%get3A_362, %get3A_363] {strides = array<i32>} : memref<32x512xf32, #tpu.memory_space<vmem>>, vector<1x16xf32>,
        %get3A_365 = vector.shape_cast %get3A_364 : vector<1x16xf32> to vector<16xf32>
        %get3A_366 = arith.index_cast %scan3A_28 : i32 to index
        %get3A_367 = arith.constant 80 : index
        %get3A_368 = tpu.vector_load %arg6[%get3A_366, %get3A_367] {strides = array<i32>} : memref<32x512xi32, #tpu.memory_space<vmem>>, vector<1x16xi32>,
        %get3A_369 = vector.shape_cast %get3A_368 : vector<1x16xi32> to vector<16xi32>
        %eq3A_370 = arith.constant 1 : i32
        %eq3A_371 = vector.broadcast %eq3A_370 : i32 to vector<16xi32>
        %eq3A_372 = arith.cmpi eq, %get3A_369, %eq3A_371 : vector<16xi32>
        %sub3A_373 = arith.constant 1.000000e+00 : f32
        %sub3A_374 = vector.broadcast %sub3A_373 : f32 to vector<16xf32>
        %sub3A_375 = arith.subf %sub3A_374, %get3A_365 : vector<16xf32>
        %select_n3A_376 = arith.select %eq3A_372, %get3A_365, %sub3A_375 : vector<16xi1>, vector<16xf32>
        %max3A_377 = arith.constant 1.000000e-07 : f32
        %max3A_378 = vector.broadcast %max3A_377 : f32 to vector<16xf32>
        %max3A_379 = arith.maximumf %select_n3A_376, %max3A_378 : vector<16xf32>
        %bitcast_convert_type3A_380 = tpu.bitcast %max3A_379 : vector<16xf32> -> vector<16xi32>
        %shift_right_logical3A_381 = arith.constant 23 : i32
        %shift_right_logical3A_382 = vector.broadcast %shift_right_logical3A_381 : i32 to vector<16xi32>
        %shift_right_logical3A_383 = arith.shrui %bitcast_convert_type3A_380, %shift_right_logical3A_382 : vector<16xi32>
        %convert_element_type3A_384 = arith.sitofp %shift_right_logical3A_383 : vector<16xi32> to vector<16xf32>
        %and3A_385 = arith.constant 8388607 : i32
        %and3A_386 = vector.broadcast %and3A_385 : i32 to vector<16xi32>
        %and3A_387 = arith.andi %bitcast_convert_type3A_380, %and3A_386 : vector<16xi32>
        %or3A_388 = arith.constant 1065353216 : i32
        %or3A_389 = vector.broadcast %or3A_388 : i32 to vector<16xi32>
        %or3A_390 = arith.ori %and3A_387, %or3A_389 : vector<16xi32>
        %bitcast_convert_type3A_391 = tpu.bitcast %or3A_390 : vector<16xi32> -> vector<16xf32>
        %sub3A_392 = arith.constant 1.000000e+00 : f32
        %sub3A_393 = vector.broadcast %sub3A_392 : f32 to vector<16xf32>
        %sub3A_394 = arith.subf %bitcast_convert_type3A_391, %sub3A_393 : vector<16xf32>
        %mul3A_395 = arith.constant 0.0147787211 : f32
        %mul3A_396 = vector.broadcast %mul3A_395 : f32 to vector<16xf32>
        %mul3A_397 = arith.mulf %mul3A_396, %sub3A_394 : vector<16xf32>
        %add3A_398 = arith.constant -0.076848723 : f32
        %add3A_399 = vector.broadcast %add3A_398 : f32 to vector<16xf32>
        %add3A_400 = arith.addf %mul3A_397, %add3A_399 : vector<16xf32>
        %mul3A_401 = arith.mulf %add3A_400, %sub3A_394 : vector<16xf32>
        %add3A_402 = arith.constant 0.190420836 : f32
        %add3A_403 = vector.broadcast %add3A_402 : f32 to vector<16xf32>
        %add3A_404 = arith.addf %mul3A_401, %add3A_403 : vector<16xf32>
        %mul3A_405 = arith.mulf %add3A_404, %sub3A_394 : vector<16xf32>
        %add3A_406 = arith.constant -0.323115945 : f32
        %add3A_407 = vector.broadcast %add3A_406 : f32 to vector<16xf32>
        %add3A_408 = arith.addf %mul3A_405, %add3A_407 : vector<16xf32>
        %mul3A_409 = arith.mulf %add3A_408, %sub3A_394 : vector<16xf32>
        %add3A_410 = arith.constant 0.47249952 : f32
        %add3A_411 = vector.broadcast %add3A_410 : f32 to vector<16xf32>
        %add3A_412 = arith.addf %mul3A_409, %add3A_411 : vector<16xf32>
        %mul3A_413 = arith.mulf %add3A_412, %sub3A_394 : vector<16xf32>
        %add3A_414 = arith.constant -0.720386624 : f32
        %add3A_415 = vector.broadcast %add3A_414 : f32 to vector<16xf32>
        %add3A_416 = arith.addf %mul3A_413, %add3A_415 : vector<16xf32>
        %mul3A_417 = arith.mulf %add3A_416, %sub3A_394 : vector<16xf32>
        %add3A_418 = arith.constant 1.44265211 : f32
        %add3A_419 = vector.broadcast %add3A_418 : f32 to vector<16xf32>
        %add3A_420 = arith.addf %mul3A_417, %add3A_419 : vector<16xf32>
        %mul3A_421 = arith.mulf %add3A_420, %sub3A_394 : vector<16xf32>
        %add3A_422 = arith.constant 3.19697818E-7 : f32
        %add3A_423 = vector.broadcast %add3A_422 : f32 to vector<16xf32>
        %add3A_424 = arith.addf %mul3A_421, %add3A_423 : vector<16xf32>
        %sub3A_425 = arith.constant 1.270000e+02 : f32
        %sub3A_426 = vector.broadcast %sub3A_425 : f32 to vector<16xf32>
        %sub3A_427 = arith.subf %add3A_424, %sub3A_426 : vector<16xf32>
        %add3A_428 = arith.addf %convert_element_type3A_384, %sub3A_427 : vector<16xf32>
        %add3A_429 = arith.addf %add3A_361, %add3A_428 : vector<16xf32>
        %get3A_430 = arith.index_cast %scan3A_28 : i32 to index
        %get3A_431 = arith.constant 96 : index
        %get3A_432 = tpu.vector_load %arg5[%get3A_430, %get3A_431] {strides = array<i32>} : memref<32x512xf32, #tpu.memory_space<vmem>>, vector<1x16xf32>,
        %get3A_433 = vector.shape_cast %get3A_432 : vector<1x16xf32> to vector<16xf32>
        %get3A_434 = arith.index_cast %scan3A_28 : i32 to index
        %get3A_435 = arith.constant 96 : index
        %get3A_436 = tpu.vector_load %arg6[%get3A_434, %get3A_435] {strides = array<i32>} : memref<32x512xi32, #tpu.memory_space<vmem>>, vector<1x16xi32>,
        %get3A_437 = vector.shape_cast %get3A_436 : vector<1x16xi32> to vector<16xi32>
        %eq3A_438 = arith.constant 1 : i32
        %eq3A_439 = vector.broadcast %eq3A_438 : i32 to vector<16xi32>
        %eq3A_440 = arith.cmpi eq, %get3A_437, %eq3A_439 : vector<16xi32>
        %sub3A_441 = arith.constant 1.000000e+00 : f32
        %sub3A_442 = vector.broadcast %sub3A_441 : f32 to vector<16xf32>
        %sub3A_443 = arith.subf %sub3A_442, %get3A_433 : vector<16xf32>
        %select_n3A_444 = arith.select %eq3A_440, %get3A_433, %sub3A_443 : vector<16xi1>, vector<16xf32>
        %max3A_445 = arith.constant 1.000000e-07 : f32
        %max3A_446 = vector.broadcast %max3A_445 : f32 to vector<16xf32>
        %max3A_447 = arith.maximumf %select_n3A_444, %max3A_446 : vector<16xf32>
        %bitcast_convert_type3A_448 = tpu.bitcast %max3A_447 : vector<16xf32> -> vector<16xi32>
        %shift_right_logical3A_449 = arith.constant 23 : i32
        %shift_right_logical3A_450 = vector.broadcast %shift_right_logical3A_449 : i32 to vector<16xi32>
        %shift_right_logical3A_451 = arith.shrui %bitcast_convert_type3A_448, %shift_right_logical3A_450 : vector<16xi32>
        %convert_element_type3A_452 = arith.sitofp %shift_right_logical3A_451 : vector<16xi32> to vector<16xf32>
        %and3A_453 = arith.constant 8388607 : i32
        %and3A_454 = vector.broadcast %and3A_453 : i32 to vector<16xi32>
        %and3A_455 = arith.andi %bitcast_convert_type3A_448, %and3A_454 : vector<16xi32>
        %or3A_456 = arith.constant 1065353216 : i32
        %or3A_457 = vector.broadcast %or3A_456 : i32 to vector<16xi32>
        %or3A_458 = arith.ori %and3A_455, %or3A_457 : vector<16xi32>
        %bitcast_convert_type3A_459 = tpu.bitcast %or3A_458 : vector<16xi32> -> vector<16xf32>
        %sub3A_460 = arith.constant 1.000000e+00 : f32
        %sub3A_461 = vector.broadcast %sub3A_460 : f32 to vector<16xf32>
        %sub3A_462 = arith.subf %bitcast_convert_type3A_459, %sub3A_461 : vector<16xf32>
        %mul3A_463 = arith.constant 0.0147787211 : f32
        %mul3A_464 = vector.broadcast %mul3A_463 : f32 to vector<16xf32>
        %mul3A_465 = arith.mulf %mul3A_464, %sub3A_462 : vector<16xf32>
        %add3A_466 = arith.constant -0.076848723 : f32
        %add3A_467 = vector.broadcast %add3A_466 : f32 to vector<16xf32>
        %add3A_468 = arith.addf %mul3A_465, %add3A_467 : vector<16xf32>
        %mul3A_469 = arith.mulf %add3A_468, %sub3A_462 : vector<16xf32>
        %add3A_470 = arith.constant 0.190420836 : f32
        %add3A_471 = vector.broadcast %add3A_470 : f32 to vector<16xf32>
        %add3A_472 = arith.addf %mul3A_469, %add3A_471 : vector<16xf32>
        %mul3A_473 = arith.mulf %add3A_472, %sub3A_462 : vector<16xf32>
        %add3A_474 = arith.constant -0.323115945 : f32
        %add3A_475 = vector.broadcast %add3A_474 : f32 to vector<16xf32>
        %add3A_476 = arith.addf %mul3A_473, %add3A_475 : vector<16xf32>
        %mul3A_477 = arith.mulf %add3A_476, %sub3A_462 : vector<16xf32>
        %add3A_478 = arith.constant 0.47249952 : f32
        %add3A_479 = vector.broadcast %add3A_478 : f32 to vector<16xf32>
        %add3A_480 = arith.addf %mul3A_477, %add3A_479 : vector<16xf32>
        %mul3A_481 = arith.mulf %add3A_480, %sub3A_462 : vector<16xf32>
        %add3A_482 = arith.constant -0.720386624 : f32
        %add3A_483 = vector.broadcast %add3A_482 : f32 to vector<16xf32>
        %add3A_484 = arith.addf %mul3A_481, %add3A_483 : vector<16xf32>
        %mul3A_485 = arith.mulf %add3A_484, %sub3A_462 : vector<16xf32>
        %add3A_486 = arith.constant 1.44265211 : f32
        %add3A_487 = vector.broadcast %add3A_486 : f32 to vector<16xf32>
        %add3A_488 = arith.addf %mul3A_485, %add3A_487 : vector<16xf32>
        %mul3A_489 = arith.mulf %add3A_488, %sub3A_462 : vector<16xf32>
        %add3A_490 = arith.constant 3.19697818E-7 : f32
        %add3A_491 = vector.broadcast %add3A_490 : f32 to vector<16xf32>
        %add3A_492 = arith.addf %mul3A_489, %add3A_491 : vector<16xf32>
        %sub3A_493 = arith.constant 1.270000e+02 : f32
        %sub3A_494 = vector.broadcast %sub3A_493 : f32 to vector<16xf32>
        %sub3A_495 = arith.subf %add3A_492, %sub3A_494 : vector<16xf32>
        %add3A_496 = arith.addf %convert_element_type3A_452, %sub3A_495 : vector<16xf32>
        %add3A_497 = arith.addf %add3A_429, %add3A_496 : vector<16xf32>
        %get3A_498 = arith.index_cast %scan3A_28 : i32 to index
        %get3A_499 = arith.constant 112 : index
        %get3A_500 = tpu.vector_load %arg5[%get3A_498, %get3A_499] {strides = array<i32>} : memref<32x512xf32, #tpu.memory_space<vmem>>, vector<1x16xf32>,
        %get3A_501 = vector.shape_cast %get3A_500 : vector<1x16xf32> to vector<16xf32>
        %get3A_502 = arith.index_cast %scan3A_28 : i32 to index
        %get3A_503 = arith.constant 112 : index
        %get3A_504 = tpu.vector_load %arg6[%get3A_502, %get3A_503] {strides = array<i32>} : memref<32x512xi32, #tpu.memory_space<vmem>>, vector<1x16xi32>,
        %get3A_505 = vector.shape_cast %get3A_504 : vector<1x16xi32> to vector<16xi32>
        %eq3A_506 = arith.constant 1 : i32
        %eq3A_507 = vector.broadcast %eq3A_506 : i32 to vector<16xi32>
        %eq3A_508 = arith.cmpi eq, %get3A_505, %eq3A_507 : vector<16xi32>
        %sub3A_509 = arith.constant 1.000000e+00 : f32
        %sub3A_510 = vector.broadcast %sub3A_509 : f32 to vector<16xf32>
        %sub3A_511 = arith.subf %sub3A_510, %get3A_501 : vector<16xf32>
        %select_n3A_512 = arith.select %eq3A_508, %get3A_501, %sub3A_511 : vector<16xi1>, vector<16xf32>
        %max3A_513 = arith.constant 1.000000e-07 : f32
        %max3A_514 = vector.broadcast %max3A_513 : f32 to vector<16xf32>
        %max3A_515 = arith.maximumf %select_n3A_512, %max3A_514 : vector<16xf32>
        %bitcast_convert_type3A_516 = tpu.bitcast %max3A_515 : vector<16xf32> -> vector<16xi32>
        %shift_right_logical3A_517 = arith.constant 23 : i32
        %shift_right_logical3A_518 = vector.broadcast %shift_right_logical3A_517 : i32 to vector<16xi32>
        %shift_right_logical3A_519 = arith.shrui %bitcast_convert_type3A_516, %shift_right_logical3A_518 : vector<16xi32>
        %convert_element_type3A_520 = arith.sitofp %shift_right_logical3A_519 : vector<16xi32> to vector<16xf32>
        %and3A_521 = arith.constant 8388607 : i32
        %and3A_522 = vector.broadcast %and3A_521 : i32 to vector<16xi32>
        %and3A_523 = arith.andi %bitcast_convert_type3A_516, %and3A_522 : vector<16xi32>
        %or3A_524 = arith.constant 1065353216 : i32
        %or3A_525 = vector.broadcast %or3A_524 : i32 to vector<16xi32>
        %or3A_526 = arith.ori %and3A_523, %or3A_525 : vector<16xi32>
        %bitcast_convert_type3A_527 = tpu.bitcast %or3A_526 : vector<16xi32> -> vector<16xf32>
        %sub3A_528 = arith.constant 1.000000e+00 : f32
        %sub3A_529 = vector.broadcast %sub3A_528 : f32 to vector<16xf32>
        %sub3A_530 = arith.subf %bitcast_convert_type3A_527, %sub3A_529 : vector<16xf32>
        %mul3A_531 = arith.constant 0.0147787211 : f32
        %mul3A_532 = vector.broadcast %mul3A_531 : f32 to vector<16xf32>
        %mul3A_533 = arith.mulf %mul3A_532, %sub3A_530 : vector<16xf32>
        %add3A_534 = arith.constant -0.076848723 : f32
        %add3A_535 = vector.broadcast %add3A_534 : f32 to vector<16xf32>
        %add3A_536 = arith.addf %mul3A_533, %add3A_535 : vector<16xf32>
        %mul3A_537 = arith.mulf %add3A_536, %sub3A_530 : vector<16xf32>
        %add3A_538 = arith.constant 0.190420836 : f32
        %add3A_539 = vector.broadcast %add3A_538 : f32 to vector<16xf32>
        %add3A_540 = arith.addf %mul3A_537, %add3A_539 : vector<16xf32>
        %mul3A_541 = arith.mulf %add3A_540, %sub3A_530 : vector<16xf32>
        %add3A_542 = arith.constant -0.323115945 : f32
        %add3A_543 = vector.broadcast %add3A_542 : f32 to vector<16xf32>
        %add3A_544 = arith.addf %mul3A_541, %add3A_543 : vector<16xf32>
        %mul3A_545 = arith.mulf %add3A_544, %sub3A_530 : vector<16xf32>
        %add3A_546 = arith.constant 0.47249952 : f32
        %add3A_547 = vector.broadcast %add3A_546 : f32 to vector<16xf32>
        %add3A_548 = arith.addf %mul3A_545, %add3A_547 : vector<16xf32>
        %mul3A_549 = arith.mulf %add3A_548, %sub3A_530 : vector<16xf32>
        %add3A_550 = arith.constant -0.720386624 : f32
        %add3A_551 = vector.broadcast %add3A_550 : f32 to vector<16xf32>
        %add3A_552 = arith.addf %mul3A_549, %add3A_551 : vector<16xf32>
        %mul3A_553 = arith.mulf %add3A_552, %sub3A_530 : vector<16xf32>
        %add3A_554 = arith.constant 1.44265211 : f32
        %add3A_555 = vector.broadcast %add3A_554 : f32 to vector<16xf32>
        %add3A_556 = arith.addf %mul3A_553, %add3A_555 : vector<16xf32>
        %mul3A_557 = arith.mulf %add3A_556, %sub3A_530 : vector<16xf32>
        %add3A_558 = arith.constant 3.19697818E-7 : f32
        %add3A_559 = vector.broadcast %add3A_558 : f32 to vector<16xf32>
        %add3A_560 = arith.addf %mul3A_557, %add3A_559 : vector<16xf32>
        %sub3A_561 = arith.constant 1.270000e+02 : f32
        %sub3A_562 = vector.broadcast %sub3A_561 : f32 to vector<16xf32>
        %sub3A_563 = arith.subf %add3A_560, %sub3A_562 : vector<16xf32>
        %add3A_564 = arith.addf %convert_element_type3A_520, %sub3A_563 : vector<16xf32>
        %add3A_565 = arith.addf %add3A_497, %add3A_564 : vector<16xf32>
        %get3A_566 = arith.index_cast %scan3A_28 : i32 to index
        %get3A_567 = arith.constant 128 : index
        %get3A_568 = tpu.vector_load %arg5[%get3A_566, %get3A_567] {strides = array<i32>} : memref<32x512xf32, #tpu.memory_space<vmem>>, vector<1x16xf32>,
        %get3A_569 = vector.shape_cast %get3A_568 : vector<1x16xf32> to vector<16xf32>
        %get3A_570 = arith.index_cast %scan3A_28 : i32 to index
        %get3A_571 = arith.constant 128 : index
        %get3A_572 = tpu.vector_load %arg6[%get3A_570, %get3A_571] {strides = array<i32>} : memref<32x512xi32, #tpu.memory_space<vmem>>, vector<1x16xi32>,
        %get3A_573 = vector.shape_cast %get3A_572 : vector<1x16xi32> to vector<16xi32>
        %eq3A_574 = arith.constant 1 : i32
        %eq3A_575 = vector.broadcast %eq3A_574 : i32 to vector<16xi32>
        %eq3A_576 = arith.cmpi eq, %get3A_573, %eq3A_575 : vector<16xi32>
        %sub3A_577 = arith.constant 1.000000e+00 : f32
        %sub3A_578 = vector.broadcast %sub3A_577 : f32 to vector<16xf32>
        %sub3A_579 = arith.subf %sub3A_578, %get3A_569 : vector<16xf32>
        %select_n3A_580 = arith.select %eq3A_576, %get3A_569, %sub3A_579 : vector<16xi1>, vector<16xf32>
        %max3A_581 = arith.constant 1.000000e-07 : f32
        %max3A_582 = vector.broadcast %max3A_581 : f32 to vector<16xf32>
        %max3A_583 = arith.maximumf %select_n3A_580, %max3A_582 : vector<16xf32>
        %bitcast_convert_type3A_584 = tpu.bitcast %max3A_583 : vector<16xf32> -> vector<16xi32>
        %shift_right_logical3A_585 = arith.constant 23 : i32
        %shift_right_logical3A_586 = vector.broadcast %shift_right_logical3A_585 : i32 to vector<16xi32>
        %shift_right_logical3A_587 = arith.shrui %bitcast_convert_type3A_584, %shift_right_logical3A_586 : vector<16xi32>
        %convert_element_type3A_588 = arith.sitofp %shift_right_logical3A_587 : vector<16xi32> to vector<16xf32>
        %and3A_589 = arith.constant 8388607 : i32
        %and3A_590 = vector.broadcast %and3A_589 : i32 to vector<16xi32>
        %and3A_591 = arith.andi %bitcast_convert_type3A_584, %and3A_590 : vector<16xi32>
        %or3A_592 = arith.constant 1065353216 : i32
        %or3A_593 = vector.broadcast %or3A_592 : i32 to vector<16xi32>
        %or3A_594 = arith.ori %and3A_591, %or3A_593 : vector<16xi32>
        %bitcast_convert_type3A_595 = tpu.bitcast %or3A_594 : vector<16xi32> -> vector<16xf32>
        %sub3A_596 = arith.constant 1.000000e+00 : f32
        %sub3A_597 = vector.broadcast %sub3A_596 : f32 to vector<16xf32>
        %sub3A_598 = arith.subf %bitcast_convert_type3A_595, %sub3A_597 : vector<16xf32>
        %mul3A_599 = arith.constant 0.0147787211 : f32
        %mul3A_600 = vector.broadcast %mul3A_599 : f32 to vector<16xf32>
        %mul3A_601 = arith.mulf %mul3A_600, %sub3A_598 : vector<16xf32>
        %add3A_602 = arith.constant -0.076848723 : f32
        %add3A_603 = vector.broadcast %add3A_602 : f32 to vector<16xf32>
        %add3A_604 = arith.addf %mul3A_601, %add3A_603 : vector<16xf32>
        %mul3A_605 = arith.mulf %add3A_604, %sub3A_598 : vector<16xf32>
        %add3A_606 = arith.constant 0.190420836 : f32
        %add3A_607 = vector.broadcast %add3A_606 : f32 to vector<16xf32>
        %add3A_608 = arith.addf %mul3A_605, %add3A_607 : vector<16xf32>
        %mul3A_609 = arith.mulf %add3A_608, %sub3A_598 : vector<16xf32>
        %add3A_610 = arith.constant -0.323115945 : f32
        %add3A_611 = vector.broadcast %add3A_610 : f32 to vector<16xf32>
        %add3A_612 = arith.addf %mul3A_609, %add3A_611 : vector<16xf32>
        %mul3A_613 = arith.mulf %add3A_612, %sub3A_598 : vector<16xf32>
        %add3A_614 = arith.constant 0.47249952 : f32
        %add3A_615 = vector.broadcast %add3A_614 : f32 to vector<16xf32>
        %add3A_616 = arith.addf %mul3A_613, %add3A_615 : vector<16xf32>
        %mul3A_617 = arith.mulf %add3A_616, %sub3A_598 : vector<16xf32>
        %add3A_618 = arith.constant -0.720386624 : f32
        %add3A_619 = vector.broadcast %add3A_618 : f32 to vector<16xf32>
        %add3A_620 = arith.addf %mul3A_617, %add3A_619 : vector<16xf32>
        %mul3A_621 = arith.mulf %add3A_620, %sub3A_598 : vector<16xf32>
        %add3A_622 = arith.constant 1.44265211 : f32
        %add3A_623 = vector.broadcast %add3A_622 : f32 to vector<16xf32>
        %add3A_624 = arith.addf %mul3A_621, %add3A_623 : vector<16xf32>
        %mul3A_625 = arith.mulf %add3A_624, %sub3A_598 : vector<16xf32>
        %add3A_626 = arith.constant 3.19697818E-7 : f32
        %add3A_627 = vector.broadcast %add3A_626 : f32 to vector<16xf32>
        %add3A_628 = arith.addf %mul3A_625, %add3A_627 : vector<16xf32>
        %sub3A_629 = arith.constant 1.270000e+02 : f32
        %sub3A_630 = vector.broadcast %sub3A_629 : f32 to vector<16xf32>
        %sub3A_631 = arith.subf %add3A_628, %sub3A_630 : vector<16xf32>
        %add3A_632 = arith.addf %convert_element_type3A_588, %sub3A_631 : vector<16xf32>
        %add3A_633 = arith.addf %add3A_565, %add3A_632 : vector<16xf32>
        %get3A_634 = arith.index_cast %scan3A_28 : i32 to index
        %get3A_635 = arith.constant 144 : index
        %get3A_636 = tpu.vector_load %arg5[%get3A_634, %get3A_635] {strides = array<i32>} : memref<32x512xf32, #tpu.memory_space<vmem>>, vector<1x16xf32>,
        %get3A_637 = vector.shape_cast %get3A_636 : vector<1x16xf32> to vector<16xf32>
        %get3A_638 = arith.index_cast %scan3A_28 : i32 to index
        %get3A_639 = arith.constant 144 : index
        %get3A_640 = tpu.vector_load %arg6[%get3A_638, %get3A_639] {strides = array<i32>} : memref<32x512xi32, #tpu.memory_space<vmem>>, vector<1x16xi32>,
        %get3A_641 = vector.shape_cast %get3A_640 : vector<1x16xi32> to vector<16xi32>
        %eq3A_642 = arith.constant 1 : i32
        %eq3A_643 = vector.broadcast %eq3A_642 : i32 to vector<16xi32>
        %eq3A_644 = arith.cmpi eq, %get3A_641, %eq3A_643 : vector<16xi32>
        %sub3A_645 = arith.constant 1.000000e+00 : f32
        %sub3A_646 = vector.broadcast %sub3A_645 : f32 to vector<16xf32>
        %sub3A_647 = arith.subf %sub3A_646, %get3A_637 : vector<16xf32>
        %select_n3A_648 = arith.select %eq3A_644, %get3A_637, %sub3A_647 : vector<16xi1>, vector<16xf32>
        %max3A_649 = arith.constant 1.000000e-07 : f32
        %max3A_650 = vector.broadcast %max3A_649 : f32 to vector<16xf32>
        %max3A_651 = arith.maximumf %select_n3A_648, %max3A_650 : vector<16xf32>
        %bitcast_convert_type3A_652 = tpu.bitcast %max3A_651 : vector<16xf32> -> vector<16xi32>
        %shift_right_logical3A_653 = arith.constant 23 : i32
        %shift_right_logical3A_654 = vector.broadcast %shift_right_logical3A_653 : i32 to vector<16xi32>
        %shift_right_logical3A_655 = arith.shrui %bitcast_convert_type3A_652, %shift_right_logical3A_654 : vector<16xi32>
        %convert_element_type3A_656 = arith.sitofp %shift_right_logical3A_655 : vector<16xi32> to vector<16xf32>
        %and3A_657 = arith.constant 8388607 : i32
        %and3A_658 = vector.broadcast %and3A_657 : i32 to vector<16xi32>
        %and3A_659 = arith.andi %bitcast_convert_type3A_652, %and3A_658 : vector<16xi32>
        %or3A_660 = arith.constant 1065353216 : i32
        %or3A_661 = vector.broadcast %or3A_660 : i32 to vector<16xi32>
        %or3A_662 = arith.ori %and3A_659, %or3A_661 : vector<16xi32>
        %bitcast_convert_type3A_663 = tpu.bitcast %or3A_662 : vector<16xi32> -> vector<16xf32>
        %sub3A_664 = arith.constant 1.000000e+00 : f32
        %sub3A_665 = vector.broadcast %sub3A_664 : f32 to vector<16xf32>
        %sub3A_666 = arith.subf %bitcast_convert_type3A_663, %sub3A_665 : vector<16xf32>
        %mul3A_667 = arith.constant 0.0147787211 : f32
        %mul3A_668 = vector.broadcast %mul3A_667 : f32 to vector<16xf32>
        %mul3A_669 = arith.mulf %mul3A_668, %sub3A_666 : vector<16xf32>
        %add3A_670 = arith.constant -0.076848723 : f32
        %add3A_671 = vector.broadcast %add3A_670 : f32 to vector<16xf32>
        %add3A_672 = arith.addf %mul3A_669, %add3A_671 : vector<16xf32>
        %mul3A_673 = arith.mulf %add3A_672, %sub3A_666 : vector<16xf32>
        %add3A_674 = arith.constant 0.190420836 : f32
        %add3A_675 = vector.broadcast %add3A_674 : f32 to vector<16xf32>
        %add3A_676 = arith.addf %mul3A_673, %add3A_675 : vector<16xf32>
        %mul3A_677 = arith.mulf %add3A_676, %sub3A_666 : vector<16xf32>
        %add3A_678 = arith.constant -0.323115945 : f32
        %add3A_679 = vector.broadcast %add3A_678 : f32 to vector<16xf32>
        %add3A_680 = arith.addf %mul3A_677, %add3A_679 : vector<16xf32>
        %mul3A_681 = arith.mulf %add3A_680, %sub3A_666 : vector<16xf32>
        %add3A_682 = arith.constant 0.47249952 : f32
        %add3A_683 = vector.broadcast %add3A_682 : f32 to vector<16xf32>
        %add3A_684 = arith.addf %mul3A_681, %add3A_683 : vector<16xf32>
        %mul3A_685 = arith.mulf %add3A_684, %sub3A_666 : vector<16xf32>
        %add3A_686 = arith.constant -0.720386624 : f32
        %add3A_687 = vector.broadcast %add3A_686 : f32 to vector<16xf32>
        %add3A_688 = arith.addf %mul3A_685, %add3A_687 : vector<16xf32>
        %mul3A_689 = arith.mulf %add3A_688, %sub3A_666 : vector<16xf32>
        %add3A_690 = arith.constant 1.44265211 : f32
        %add3A_691 = vector.broadcast %add3A_690 : f32 to vector<16xf32>
        %add3A_692 = arith.addf %mul3A_689, %add3A_691 : vector<16xf32>
        %mul3A_693 = arith.mulf %add3A_692, %sub3A_666 : vector<16xf32>
        %add3A_694 = arith.constant 3.19697818E-7 : f32
        %add3A_695 = vector.broadcast %add3A_694 : f32 to vector<16xf32>
        %add3A_696 = arith.addf %mul3A_693, %add3A_695 : vector<16xf32>
        %sub3A_697 = arith.constant 1.270000e+02 : f32
        %sub3A_698 = vector.broadcast %sub3A_697 : f32 to vector<16xf32>
        %sub3A_699 = arith.subf %add3A_696, %sub3A_698 : vector<16xf32>
        %add3A_700 = arith.addf %convert_element_type3A_656, %sub3A_699 : vector<16xf32>
        %add3A_701 = arith.addf %add3A_633, %add3A_700 : vector<16xf32>
        %get3A_702 = arith.index_cast %scan3A_28 : i32 to index
        %get3A_703 = arith.constant 160 : index
        %get3A_704 = tpu.vector_load %arg5[%get3A_702, %get3A_703] {strides = array<i32>} : memref<32x512xf32, #tpu.memory_space<vmem>>, vector<1x16xf32>,
        %get3A_705 = vector.shape_cast %get3A_704 : vector<1x16xf32> to vector<16xf32>
        %get3A_706 = arith.index_cast %scan3A_28 : i32 to index
        %get3A_707 = arith.constant 160 : index
        %get3A_708 = tpu.vector_load %arg6[%get3A_706, %get3A_707] {strides = array<i32>} : memref<32x512xi32, #tpu.memory_space<vmem>>, vector<1x16xi32>,
        %get3A_709 = vector.shape_cast %get3A_708 : vector<1x16xi32> to vector<16xi32>
        %eq3A_710 = arith.constant 1 : i32
        %eq3A_711 = vector.broadcast %eq3A_710 : i32 to vector<16xi32>
        %eq3A_712 = arith.cmpi eq, %get3A_709, %eq3A_711 : vector<16xi32>
        %sub3A_713 = arith.constant 1.000000e+00 : f32
        %sub3A_714 = vector.broadcast %sub3A_713 : f32 to vector<16xf32>
        %sub3A_715 = arith.subf %sub3A_714, %get3A_705 : vector<16xf32>
        %select_n3A_716 = arith.select %eq3A_712, %get3A_705, %sub3A_715 : vector<16xi1>, vector<16xf32>
        %max3A_717 = arith.constant 1.000000e-07 : f32
        %max3A_718 = vector.broadcast %max3A_717 : f32 to vector<16xf32>
        %max3A_719 = arith.maximumf %select_n3A_716, %max3A_718 : vector<16xf32>
        %bitcast_convert_type3A_720 = tpu.bitcast %max3A_719 : vector<16xf32> -> vector<16xi32>
        %shift_right_logical3A_721 = arith.constant 23 : i32
        %shift_right_logical3A_722 = vector.broadcast %shift_right_logical3A_721 : i32 to vector<16xi32>
        %shift_right_logical3A_723 = arith.shrui %bitcast_convert_type3A_720, %shift_right_logical3A_722 : vector<16xi32>
        %convert_element_type3A_724 = arith.sitofp %shift_right_logical3A_723 : vector<16xi32> to vector<16xf32>
        %and3A_725 = arith.constant 8388607 : i32
        %and3A_726 = vector.broadcast %and3A_725 : i32 to vector<16xi32>
        %and3A_727 = arith.andi %bitcast_convert_type3A_720, %and3A_726 : vector<16xi32>
        %or3A_728 = arith.constant 1065353216 : i32
        %or3A_729 = vector.broadcast %or3A_728 : i32 to vector<16xi32>
        %or3A_730 = arith.ori %and3A_727, %or3A_729 : vector<16xi32>
        %bitcast_convert_type3A_731 = tpu.bitcast %or3A_730 : vector<16xi32> -> vector<16xf32>
        %sub3A_732 = arith.constant 1.000000e+00 : f32
        %sub3A_733 = vector.broadcast %sub3A_732 : f32 to vector<16xf32>
        %sub3A_734 = arith.subf %bitcast_convert_type3A_731, %sub3A_733 : vector<16xf32>
        %mul3A_735 = arith.constant 0.0147787211 : f32
        %mul3A_736 = vector.broadcast %mul3A_735 : f32 to vector<16xf32>
        %mul3A_737 = arith.mulf %mul3A_736, %sub3A_734 : vector<16xf32>
        %add3A_738 = arith.constant -0.076848723 : f32
        %add3A_739 = vector.broadcast %add3A_738 : f32 to vector<16xf32>
        %add3A_740 = arith.addf %mul3A_737, %add3A_739 : vector<16xf32>
        %mul3A_741 = arith.mulf %add3A_740, %sub3A_734 : vector<16xf32>
        %add3A_742 = arith.constant 0.190420836 : f32
        %add3A_743 = vector.broadcast %add3A_742 : f32 to vector<16xf32>
        %add3A_744 = arith.addf %mul3A_741, %add3A_743 : vector<16xf32>
        %mul3A_745 = arith.mulf %add3A_744, %sub3A_734 : vector<16xf32>
        %add3A_746 = arith.constant -0.323115945 : f32
        %add3A_747 = vector.broadcast %add3A_746 : f32 to vector<16xf32>
        %add3A_748 = arith.addf %mul3A_745, %add3A_747 : vector<16xf32>
        %mul3A_749 = arith.mulf %add3A_748, %sub3A_734 : vector<16xf32>
        %add3A_750 = arith.constant 0.47249952 : f32
        %add3A_751 = vector.broadcast %add3A_750 : f32 to vector<16xf32>
        %add3A_752 = arith.addf %mul3A_749, %add3A_751 : vector<16xf32>
        %mul3A_753 = arith.mulf %add3A_752, %sub3A_734 : vector<16xf32>
        %add3A_754 = arith.constant -0.720386624 : f32
        %add3A_755 = vector.broadcast %add3A_754 : f32 to vector<16xf32>
        %add3A_756 = arith.addf %mul3A_753, %add3A_755 : vector<16xf32>
        %mul3A_757 = arith.mulf %add3A_756, %sub3A_734 : vector<16xf32>
        %add3A_758 = arith.constant 1.44265211 : f32
        %add3A_759 = vector.broadcast %add3A_758 : f32 to vector<16xf32>
        %add3A_760 = arith.addf %mul3A_757, %add3A_759 : vector<16xf32>
        %mul3A_761 = arith.mulf %add3A_760, %sub3A_734 : vector<16xf32>
        %add3A_762 = arith.constant 3.19697818E-7 : f32
        %add3A_763 = vector.broadcast %add3A_762 : f32 to vector<16xf32>
        %add3A_764 = arith.addf %mul3A_761, %add3A_763 : vector<16xf32>
        %sub3A_765 = arith.constant 1.270000e+02 : f32
        %sub3A_766 = vector.broadcast %sub3A_765 : f32 to vector<16xf32>
        %sub3A_767 = arith.subf %add3A_764, %sub3A_766 : vector<16xf32>
        %add3A_768 = arith.addf %convert_element_type3A_724, %sub3A_767 : vector<16xf32>
        %add3A_769 = arith.addf %add3A_701, %add3A_768 : vector<16xf32>
        %get3A_770 = arith.index_cast %scan3A_28 : i32 to index
        %get3A_771 = arith.constant 176 : index
        %get3A_772 = tpu.vector_load %arg5[%get3A_770, %get3A_771] {strides = array<i32>} : memref<32x512xf32, #tpu.memory_space<vmem>>, vector<1x16xf32>,
        %get3A_773 = vector.shape_cast %get3A_772 : vector<1x16xf32> to vector<16xf32>
        %get3A_774 = arith.index_cast %scan3A_28 : i32 to index
        %get3A_775 = arith.constant 176 : index
        %get3A_776 = tpu.vector_load %arg6[%get3A_774, %get3A_775] {strides = array<i32>} : memref<32x512xi32, #tpu.memory_space<vmem>>, vector<1x16xi32>,
        %get3A_777 = vector.shape_cast %get3A_776 : vector<1x16xi32> to vector<16xi32>
        %eq3A_778 = arith.constant 1 : i32
        %eq3A_779 = vector.broadcast %eq3A_778 : i32 to vector<16xi32>
        %eq3A_780 = arith.cmpi eq, %get3A_777, %eq3A_779 : vector<16xi32>
        %sub3A_781 = arith.constant 1.000000e+00 : f32
        %sub3A_782 = vector.broadcast %sub3A_781 : f32 to vector<16xf32>
        %sub3A_783 = arith.subf %sub3A_782, %get3A_773 : vector<16xf32>
        %select_n3A_784 = arith.select %eq3A_780, %get3A_773, %sub3A_783 : vector<16xi1>, vector<16xf32>
        %max3A_785 = arith.constant 1.000000e-07 : f32
        %max3A_786 = vector.broadcast %max3A_785 : f32 to vector<16xf32>
        %max3A_787 = arith.maximumf %select_n3A_784, %max3A_786 : vector<16xf32>
        %bitcast_convert_type3A_788 = tpu.bitcast %max3A_787 : vector<16xf32> -> vector<16xi32>
        %shift_right_logical3A_789 = arith.constant 23 : i32
        %shift_right_logical3A_790 = vector.broadcast %shift_right_logical3A_789 : i32 to vector<16xi32>
        %shift_right_logical3A_791 = arith.shrui %bitcast_convert_type3A_788, %shift_right_logical3A_790 : vector<16xi32>
        %convert_element_type3A_792 = arith.sitofp %shift_right_logical3A_791 : vector<16xi32> to vector<16xf32>
        %and3A_793 = arith.constant 8388607 : i32
        %and3A_794 = vector.broadcast %and3A_793 : i32 to vector<16xi32>
        %and3A_795 = arith.andi %bitcast_convert_type3A_788, %and3A_794 : vector<16xi32>
        %or3A_796 = arith.constant 1065353216 : i32
        %or3A_797 = vector.broadcast %or3A_796 : i32 to vector<16xi32>
        %or3A_798 = arith.ori %and3A_795, %or3A_797 : vector<16xi32>
        %bitcast_convert_type3A_799 = tpu.bitcast %or3A_798 : vector<16xi32> -> vector<16xf32>
        %sub3A_800 = arith.constant 1.000000e+00 : f32
        %sub3A_801 = vector.broadcast %sub3A_800 : f32 to vector<16xf32>
        %sub3A_802 = arith.subf %bitcast_convert_type3A_799, %sub3A_801 : vector<16xf32>
        %mul3A_803 = arith.constant 0.0147787211 : f32
        %mul3A_804 = vector.broadcast %mul3A_803 : f32 to vector<16xf32>
        %mul3A_805 = arith.mulf %mul3A_804, %sub3A_802 : vector<16xf32>
        %add3A_806 = arith.constant -0.076848723 : f32
        %add3A_807 = vector.broadcast %add3A_806 : f32 to vector<16xf32>
        %add3A_808 = arith.addf %mul3A_805, %add3A_807 : vector<16xf32>
        %mul3A_809 = arith.mulf %add3A_808, %sub3A_802 : vector<16xf32>
        %add3A_810 = arith.constant 0.190420836 : f32
        %add3A_811 = vector.broadcast %add3A_810 : f32 to vector<16xf32>
        %add3A_812 = arith.addf %mul3A_809, %add3A_811 : vector<16xf32>
        %mul3A_813 = arith.mulf %add3A_812, %sub3A_802 : vector<16xf32>
        %add3A_814 = arith.constant -0.323115945 : f32
        %add3A_815 = vector.broadcast %add3A_814 : f32 to vector<16xf32>
        %add3A_816 = arith.addf %mul3A_813, %add3A_815 : vector<16xf32>
        %mul3A_817 = arith.mulf %add3A_816, %sub3A_802 : vector<16xf32>
        %add3A_818 = arith.constant 0.47249952 : f32
        %add3A_819 = vector.broadcast %add3A_818 : f32 to vector<16xf32>
        %add3A_820 = arith.addf %mul3A_817, %add3A_819 : vector<16xf32>
        %mul3A_821 = arith.mulf %add3A_820, %sub3A_802 : vector<16xf32>
        %add3A_822 = arith.constant -0.720386624 : f32
        %add3A_823 = vector.broadcast %add3A_822 : f32 to vector<16xf32>
        %add3A_824 = arith.addf %mul3A_821, %add3A_823 : vector<16xf32>
        %mul3A_825 = arith.mulf %add3A_824, %sub3A_802 : vector<16xf32>
        %add3A_826 = arith.constant 1.44265211 : f32
        %add3A_827 = vector.broadcast %add3A_826 : f32 to vector<16xf32>
        %add3A_828 = arith.addf %mul3A_825, %add3A_827 : vector<16xf32>
        %mul3A_829 = arith.mulf %add3A_828, %sub3A_802 : vector<16xf32>
        %add3A_830 = arith.constant 3.19697818E-7 : f32
        %add3A_831 = vector.broadcast %add3A_830 : f32 to vector<16xf32>
        %add3A_832 = arith.addf %mul3A_829, %add3A_831 : vector<16xf32>
        %sub3A_833 = arith.constant 1.270000e+02 : f32
        %sub3A_834 = vector.broadcast %sub3A_833 : f32 to vector<16xf32>
        %sub3A_835 = arith.subf %add3A_832, %sub3A_834 : vector<16xf32>
        %add3A_836 = arith.addf %convert_element_type3A_792, %sub3A_835 : vector<16xf32>
        %add3A_837 = arith.addf %add3A_769, %add3A_836 : vector<16xf32>
        %get3A_838 = arith.index_cast %scan3A_28 : i32 to index
        %get3A_839 = arith.constant 192 : index
        %get3A_840 = tpu.vector_load %arg5[%get3A_838, %get3A_839] {strides = array<i32>} : memref<32x512xf32, #tpu.memory_space<vmem>>, vector<1x16xf32>,
        %get3A_841 = vector.shape_cast %get3A_840 : vector<1x16xf32> to vector<16xf32>
        %get3A_842 = arith.index_cast %scan3A_28 : i32 to index
        %get3A_843 = arith.constant 192 : index
        %get3A_844 = tpu.vector_load %arg6[%get3A_842, %get3A_843] {strides = array<i32>} : memref<32x512xi32, #tpu.memory_space<vmem>>, vector<1x16xi32>,
        %get3A_845 = vector.shape_cast %get3A_844 : vector<1x16xi32> to vector<16xi32>
        %eq3A_846 = arith.constant 1 : i32
        %eq3A_847 = vector.broadcast %eq3A_846 : i32 to vector<16xi32>
        %eq3A_848 = arith.cmpi eq, %get3A_845, %eq3A_847 : vector<16xi32>
        %sub3A_849 = arith.constant 1.000000e+00 : f32
        %sub3A_850 = vector.broadcast %sub3A_849 : f32 to vector<16xf32>
        %sub3A_851 = arith.subf %sub3A_850, %get3A_841 : vector<16xf32>
        %select_n3A_852 = arith.select %eq3A_848, %get3A_841, %sub3A_851 : vector<16xi1>, vector<16xf32>
        %max3A_853 = arith.constant 1.000000e-07 : f32
        %max3A_854 = vector.broadcast %max3A_853 : f32 to vector<16xf32>
        %max3A_855 = arith.maximumf %select_n3A_852, %max3A_854 : vector<16xf32>
        %bitcast_convert_type3A_856 = tpu.bitcast %max3A_855 : vector<16xf32> -> vector<16xi32>
        %shift_right_logical3A_857 = arith.constant 23 : i32
        %shift_right_logical3A_858 = vector.broadcast %shift_right_logical3A_857 : i32 to vector<16xi32>
        %shift_right_logical3A_859 = arith.shrui %bitcast_convert_type3A_856, %shift_right_logical3A_858 : vector<16xi32>
        %convert_element_type3A_860 = arith.sitofp %shift_right_logical3A_859 : vector<16xi32> to vector<16xf32>
        %and3A_861 = arith.constant 8388607 : i32
        %and3A_862 = vector.broadcast %and3A_861 : i32 to vector<16xi32>
        %and3A_863 = arith.andi %bitcast_convert_type3A_856, %and3A_862 : vector<16xi32>
        %or3A_864 = arith.constant 1065353216 : i32
        %or3A_865 = vector.broadcast %or3A_864 : i32 to vector<16xi32>
        %or3A_866 = arith.ori %and3A_863, %or3A_865 : vector<16xi32>
        %bitcast_convert_type3A_867 = tpu.bitcast %or3A_866 : vector<16xi32> -> vector<16xf32>
        %sub3A_868 = arith.constant 1.000000e+00 : f32
        %sub3A_869 = vector.broadcast %sub3A_868 : f32 to vector<16xf32>
        %sub3A_870 = arith.subf %bitcast_convert_type3A_867, %sub3A_869 : vector<16xf32>
        %mul3A_871 = arith.constant 0.0147787211 : f32
        %mul3A_872 = vector.broadcast %mul3A_871 : f32 to vector<16xf32>
        %mul3A_873 = arith.mulf %mul3A_872, %sub3A_870 : vector<16xf32>
        %add3A_874 = arith.constant -0.076848723 : f32
        %add3A_875 = vector.broadcast %add3A_874 : f32 to vector<16xf32>
        %add3A_876 = arith.addf %mul3A_873, %add3A_875 : vector<16xf32>
        %mul3A_877 = arith.mulf %add3A_876, %sub3A_870 : vector<16xf32>
        %add3A_878 = arith.constant 0.190420836 : f32
        %add3A_879 = vector.broadcast %add3A_878 : f32 to vector<16xf32>
        %add3A_880 = arith.addf %mul3A_877, %add3A_879 : vector<16xf32>
        %mul3A_881 = arith.mulf %add3A_880, %sub3A_870 : vector<16xf32>
        %add3A_882 = arith.constant -0.323115945 : f32
        %add3A_883 = vector.broadcast %add3A_882 : f32 to vector<16xf32>
        %add3A_884 = arith.addf %mul3A_881, %add3A_883 : vector<16xf32>
        %mul3A_885 = arith.mulf %add3A_884, %sub3A_870 : vector<16xf32>
        %add3A_886 = arith.constant 0.47249952 : f32
        %add3A_887 = vector.broadcast %add3A_886 : f32 to vector<16xf32>
        %add3A_888 = arith.addf %mul3A_885, %add3A_887 : vector<16xf32>
        %mul3A_889 = arith.mulf %add3A_888, %sub3A_870 : vector<16xf32>
        %add3A_890 = arith.constant -0.720386624 : f32
        %add3A_891 = vector.broadcast %add3A_890 : f32 to vector<16xf32>
        %add3A_892 = arith.addf %mul3A_889, %add3A_891 : vector<16xf32>
        %mul3A_893 = arith.mulf %add3A_892, %sub3A_870 : vector<16xf32>
        %add3A_894 = arith.constant 1.44265211 : f32
        %add3A_895 = vector.broadcast %add3A_894 : f32 to vector<16xf32>
        %add3A_896 = arith.addf %mul3A_893, %add3A_895 : vector<16xf32>
        %mul3A_897 = arith.mulf %add3A_896, %sub3A_870 : vector<16xf32>
        %add3A_898 = arith.constant 3.19697818E-7 : f32
        %add3A_899 = vector.broadcast %add3A_898 : f32 to vector<16xf32>
        %add3A_900 = arith.addf %mul3A_897, %add3A_899 : vector<16xf32>
        %sub3A_901 = arith.constant 1.270000e+02 : f32
        %sub3A_902 = vector.broadcast %sub3A_901 : f32 to vector<16xf32>
        %sub3A_903 = arith.subf %add3A_900, %sub3A_902 : vector<16xf32>
        %add3A_904 = arith.addf %convert_element_type3A_860, %sub3A_903 : vector<16xf32>
        %add3A_905 = arith.addf %add3A_837, %add3A_904 : vector<16xf32>
        %get3A_906 = arith.index_cast %scan3A_28 : i32 to index
        %get3A_907 = arith.constant 208 : index
        %get3A_908 = tpu.vector_load %arg5[%get3A_906, %get3A_907] {strides = array<i32>} : memref<32x512xf32, #tpu.memory_space<vmem>>, vector<1x16xf32>,
        %get3A_909 = vector.shape_cast %get3A_908 : vector<1x16xf32> to vector<16xf32>
        %get3A_910 = arith.index_cast %scan3A_28 : i32 to index
        %get3A_911 = arith.constant 208 : index
        %get3A_912 = tpu.vector_load %arg6[%get3A_910, %get3A_911] {strides = array<i32>} : memref<32x512xi32, #tpu.memory_space<vmem>>, vector<1x16xi32>,
        %get3A_913 = vector.shape_cast %get3A_912 : vector<1x16xi32> to vector<16xi32>
        %eq3A_914 = arith.constant 1 : i32
        %eq3A_915 = vector.broadcast %eq3A_914 : i32 to vector<16xi32>
        %eq3A_916 = arith.cmpi eq, %get3A_913, %eq3A_915 : vector<16xi32>
        %sub3A_917 = arith.constant 1.000000e+00 : f32
        %sub3A_918 = vector.broadcast %sub3A_917 : f32 to vector<16xf32>
        %sub3A_919 = arith.subf %sub3A_918, %get3A_909 : vector<16xf32>
        %select_n3A_920 = arith.select %eq3A_916, %get3A_909, %sub3A_919 : vector<16xi1>, vector<16xf32>
        %max3A_921 = arith.constant 1.000000e-07 : f32
        %max3A_922 = vector.broadcast %max3A_921 : f32 to vector<16xf32>
        %max3A_923 = arith.maximumf %select_n3A_920, %max3A_922 : vector<16xf32>
        %bitcast_convert_type3A_924 = tpu.bitcast %max3A_923 : vector<16xf32> -> vector<16xi32>
        %shift_right_logical3A_925 = arith.constant 23 : i32
        %shift_right_logical3A_926 = vector.broadcast %shift_right_logical3A_925 : i32 to vector<16xi32>
        %shift_right_logical3A_927 = arith.shrui %bitcast_convert_type3A_924, %shift_right_logical3A_926 : vector<16xi32>
        %convert_element_type3A_928 = arith.sitofp %shift_right_logical3A_927 : vector<16xi32> to vector<16xf32>
        %and3A_929 = arith.constant 8388607 : i32
        %and3A_930 = vector.broadcast %and3A_929 : i32 to vector<16xi32>
        %and3A_931 = arith.andi %bitcast_convert_type3A_924, %and3A_930 : vector<16xi32>
        %or3A_932 = arith.constant 1065353216 : i32
        %or3A_933 = vector.broadcast %or3A_932 : i32 to vector<16xi32>
        %or3A_934 = arith.ori %and3A_931, %or3A_933 : vector<16xi32>
        %bitcast_convert_type3A_935 = tpu.bitcast %or3A_934 : vector<16xi32> -> vector<16xf32>
        %sub3A_936 = arith.constant 1.000000e+00 : f32
        %sub3A_937 = vector.broadcast %sub3A_936 : f32 to vector<16xf32>
        %sub3A_938 = arith.subf %bitcast_convert_type3A_935, %sub3A_937 : vector<16xf32>
        %mul3A_939 = arith.constant 0.0147787211 : f32
        %mul3A_940 = vector.broadcast %mul3A_939 : f32 to vector<16xf32>
        %mul3A_941 = arith.mulf %mul3A_940, %sub3A_938 : vector<16xf32>
        %add3A_942 = arith.constant -0.076848723 : f32
        %add3A_943 = vector.broadcast %add3A_942 : f32 to vector<16xf32>
        %add3A_944 = arith.addf %mul3A_941, %add3A_943 : vector<16xf32>
        %mul3A_945 = arith.mulf %add3A_944, %sub3A_938 : vector<16xf32>
        %add3A_946 = arith.constant 0.190420836 : f32
        %add3A_947 = vector.broadcast %add3A_946 : f32 to vector<16xf32>
        %add3A_948 = arith.addf %mul3A_945, %add3A_947 : vector<16xf32>
        %mul3A_949 = arith.mulf %add3A_948, %sub3A_938 : vector<16xf32>
        %add3A_950 = arith.constant -0.323115945 : f32
        %add3A_951 = vector.broadcast %add3A_950 : f32 to vector<16xf32>
        %add3A_952 = arith.addf %mul3A_949, %add3A_951 : vector<16xf32>
        %mul3A_953 = arith.mulf %add3A_952, %sub3A_938 : vector<16xf32>
        %add3A_954 = arith.constant 0.47249952 : f32
        %add3A_955 = vector.broadcast %add3A_954 : f32 to vector<16xf32>
        %add3A_956 = arith.addf %mul3A_953, %add3A_955 : vector<16xf32>
        %mul3A_957 = arith.mulf %add3A_956, %sub3A_938 : vector<16xf32>
        %add3A_958 = arith.constant -0.720386624 : f32
        %add3A_959 = vector.broadcast %add3A_958 : f32 to vector<16xf32>
        %add3A_960 = arith.addf %mul3A_957, %add3A_959 : vector<16xf32>
        %mul3A_961 = arith.mulf %add3A_960, %sub3A_938 : vector<16xf32>
        %add3A_962 = arith.constant 1.44265211 : f32
        %add3A_963 = vector.broadcast %add3A_962 : f32 to vector<16xf32>
        %add3A_964 = arith.addf %mul3A_961, %add3A_963 : vector<16xf32>
        %mul3A_965 = arith.mulf %add3A_964, %sub3A_938 : vector<16xf32>
        %add3A_966 = arith.constant 3.19697818E-7 : f32
        %add3A_967 = vector.broadcast %add3A_966 : f32 to vector<16xf32>
        %add3A_968 = arith.addf %mul3A_965, %add3A_967 : vector<16xf32>
        %sub3A_969 = arith.constant 1.270000e+02 : f32
        %sub3A_970 = vector.broadcast %sub3A_969 : f32 to vector<16xf32>
        %sub3A_971 = arith.subf %add3A_968, %sub3A_970 : vector<16xf32>
        %add3A_972 = arith.addf %convert_element_type3A_928, %sub3A_971 : vector<16xf32>
        %add3A_973 = arith.addf %add3A_905, %add3A_972 : vector<16xf32>
        %get3A_974 = arith.index_cast %scan3A_28 : i32 to index
        %get3A_975 = arith.constant 224 : index
        %get3A_976 = tpu.vector_load %arg5[%get3A_974, %get3A_975] {strides = array<i32>} : memref<32x512xf32, #tpu.memory_space<vmem>>, vector<1x16xf32>,
        %get3A_977 = vector.shape_cast %get3A_976 : vector<1x16xf32> to vector<16xf32>
        %get3A_978 = arith.index_cast %scan3A_28 : i32 to index
        %get3A_979 = arith.constant 224 : index
        %get3A_980 = tpu.vector_load %arg6[%get3A_978, %get3A_979] {strides = array<i32>} : memref<32x512xi32, #tpu.memory_space<vmem>>, vector<1x16xi32>,
        %get3A_981 = vector.shape_cast %get3A_980 : vector<1x16xi32> to vector<16xi32>
        %eq3A_982 = arith.constant 1 : i32
        %eq3A_983 = vector.broadcast %eq3A_982 : i32 to vector<16xi32>
        %eq3A_984 = arith.cmpi eq, %get3A_981, %eq3A_983 : vector<16xi32>
        %sub3A_985 = arith.constant 1.000000e+00 : f32
        %sub3A_986 = vector.broadcast %sub3A_985 : f32 to vector<16xf32>
        %sub3A_987 = arith.subf %sub3A_986, %get3A_977 : vector<16xf32>
        %select_n3A_988 = arith.select %eq3A_984, %get3A_977, %sub3A_987 : vector<16xi1>, vector<16xf32>
        %max3A_989 = arith.constant 1.000000e-07 : f32
        %max3A_990 = vector.broadcast %max3A_989 : f32 to vector<16xf32>
        %max3A_991 = arith.maximumf %select_n3A_988, %max3A_990 : vector<16xf32>
        %bitcast_convert_type3A_992 = tpu.bitcast %max3A_991 : vector<16xf32> -> vector<16xi32>
        %shift_right_logical3A_993 = arith.constant 23 : i32
        %shift_right_logical3A_994 = vector.broadcast %shift_right_logical3A_993 : i32 to vector<16xi32>
        %shift_right_logical3A_995 = arith.shrui %bitcast_convert_type3A_992, %shift_right_logical3A_994 : vector<16xi32>
        %convert_element_type3A_996 = arith.sitofp %shift_right_logical3A_995 : vector<16xi32> to vector<16xf32>
        %and3A_997 = arith.constant 8388607 : i32
        %and3A_998 = vector.broadcast %and3A_997 : i32 to vector<16xi32>
        %and3A_999 = arith.andi %bitcast_convert_type3A_992, %and3A_998 : vector<16xi32>
        %or3A_1000 = arith.constant 1065353216 : i32
        %or3A_1001 = vector.broadcast %or3A_1000 : i32 to vector<16xi32>
        %or3A_1002 = arith.ori %and3A_999, %or3A_1001 : vector<16xi32>
        %bitcast_convert_type3A_1003 = tpu.bitcast %or3A_1002 : vector<16xi32> -> vector<16xf32>
        %sub3A_1004 = arith.constant 1.000000e+00 : f32
        %sub3A_1005 = vector.broadcast %sub3A_1004 : f32 to vector<16xf32>
        %sub3A_1006 = arith.subf %bitcast_convert_type3A_1003, %sub3A_1005 : vector<16xf32>
        %mul3A_1007 = arith.constant 0.0147787211 : f32
        %mul3A_1008 = vector.broadcast %mul3A_1007 : f32 to vector<16xf32>
        %mul3A_1009 = arith.mulf %mul3A_1008, %sub3A_1006 : vector<16xf32>
        %add3A_1010 = arith.constant -0.076848723 : f32
        %add3A_1011 = vector.broadcast %add3A_1010 : f32 to vector<16xf32>
        %add3A_1012 = arith.addf %mul3A_1009, %add3A_1011 : vector<16xf32>
        %mul3A_1013 = arith.mulf %add3A_1012, %sub3A_1006 : vector<16xf32>
        %add3A_1014 = arith.constant 0.190420836 : f32
        %add3A_1015 = vector.broadcast %add3A_1014 : f32 to vector<16xf32>
        %add3A_1016 = arith.addf %mul3A_1013, %add3A_1015 : vector<16xf32>
        %mul3A_1017 = arith.mulf %add3A_1016, %sub3A_1006 : vector<16xf32>
        %add3A_1018 = arith.constant -0.323115945 : f32
        %add3A_1019 = vector.broadcast %add3A_1018 : f32 to vector<16xf32>
        %add3A_1020 = arith.addf %mul3A_1017, %add3A_1019 : vector<16xf32>
        %mul3A_1021 = arith.mulf %add3A_1020, %sub3A_1006 : vector<16xf32>
        %add3A_1022 = arith.constant 0.47249952 : f32
        %add3A_1023 = vector.broadcast %add3A_1022 : f32 to vector<16xf32>
        %add3A_1024 = arith.addf %mul3A_1021, %add3A_1023 : vector<16xf32>
        %mul3A_1025 = arith.mulf %add3A_1024, %sub3A_1006 : vector<16xf32>
        %add3A_1026 = arith.constant -0.720386624 : f32
        %add3A_1027 = vector.broadcast %add3A_1026 : f32 to vector<16xf32>
        %add3A_1028 = arith.addf %mul3A_1025, %add3A_1027 : vector<16xf32>
        %mul3A_1029 = arith.mulf %add3A_1028, %sub3A_1006 : vector<16xf32>
        %add3A_1030 = arith.constant 1.44265211 : f32
        %add3A_1031 = vector.broadcast %add3A_1030 : f32 to vector<16xf32>
        %add3A_1032 = arith.addf %mul3A_1029, %add3A_1031 : vector<16xf32>
        %mul3A_1033 = arith.mulf %add3A_1032, %sub3A_1006 : vector<16xf32>
        %add3A_1034 = arith.constant 3.19697818E-7 : f32
        %add3A_1035 = vector.broadcast %add3A_1034 : f32 to vector<16xf32>
        %add3A_1036 = arith.addf %mul3A_1033, %add3A_1035 : vector<16xf32>
        %sub3A_1037 = arith.constant 1.270000e+02 : f32
        %sub3A_1038 = vector.broadcast %sub3A_1037 : f32 to vector<16xf32>
        %sub3A_1039 = arith.subf %add3A_1036, %sub3A_1038 : vector<16xf32>
        %add3A_1040 = arith.addf %convert_element_type3A_996, %sub3A_1039 : vector<16xf32>
        %add3A_1041 = arith.addf %add3A_973, %add3A_1040 : vector<16xf32>
        %get3A_1042 = arith.index_cast %scan3A_28 : i32 to index
        %get3A_1043 = arith.constant 240 : index
        %get3A_1044 = tpu.vector_load %arg5[%get3A_1042, %get3A_1043] {strides = array<i32>} : memref<32x512xf32, #tpu.memory_space<vmem>>, vector<1x16xf32>,
        %get3A_1045 = vector.shape_cast %get3A_1044 : vector<1x16xf32> to vector<16xf32>
        %get3A_1046 = arith.index_cast %scan3A_28 : i32 to index
        %get3A_1047 = arith.constant 240 : index
        %get3A_1048 = tpu.vector_load %arg6[%get3A_1046, %get3A_1047] {strides = array<i32>} : memref<32x512xi32, #tpu.memory_space<vmem>>, vector<1x16xi32>,
        %get3A_1049 = vector.shape_cast %get3A_1048 : vector<1x16xi32> to vector<16xi32>
        %eq3A_1050 = arith.constant 1 : i32
        %eq3A_1051 = vector.broadcast %eq3A_1050 : i32 to vector<16xi32>
        %eq3A_1052 = arith.cmpi eq, %get3A_1049, %eq3A_1051 : vector<16xi32>
        %sub3A_1053 = arith.constant 1.000000e+00 : f32
        %sub3A_1054 = vector.broadcast %sub3A_1053 : f32 to vector<16xf32>
        %sub3A_1055 = arith.subf %sub3A_1054, %get3A_1045 : vector<16xf32>
        %select_n3A_1056 = arith.select %eq3A_1052, %get3A_1045, %sub3A_1055 : vector<16xi1>, vector<16xf32>
        %max3A_1057 = arith.constant 1.000000e-07 : f32
        %max3A_1058 = vector.broadcast %max3A_1057 : f32 to vector<16xf32>
        %max3A_1059 = arith.maximumf %select_n3A_1056, %max3A_1058 : vector<16xf32>
        %bitcast_convert_type3A_1060 = tpu.bitcast %max3A_1059 : vector<16xf32> -> vector<16xi32>
        %shift_right_logical3A_1061 = arith.constant 23 : i32
        %shift_right_logical3A_1062 = vector.broadcast %shift_right_logical3A_1061 : i32 to vector<16xi32>
        %shift_right_logical3A_1063 = arith.shrui %bitcast_convert_type3A_1060, %shift_right_logical3A_1062 : vector<16xi32>
        %convert_element_type3A_1064 = arith.sitofp %shift_right_logical3A_1063 : vector<16xi32> to vector<16xf32>
        %and3A_1065 = arith.constant 8388607 : i32
        %and3A_1066 = vector.broadcast %and3A_1065 : i32 to vector<16xi32>
        %and3A_1067 = arith.andi %bitcast_convert_type3A_1060, %and3A_1066 : vector<16xi32>
        %or3A_1068 = arith.constant 1065353216 : i32
        %or3A_1069 = vector.broadcast %or3A_1068 : i32 to vector<16xi32>
        %or3A_1070 = arith.ori %and3A_1067, %or3A_1069 : vector<16xi32>
        %bitcast_convert_type3A_1071 = tpu.bitcast %or3A_1070 : vector<16xi32> -> vector<16xf32>
        %sub3A_1072 = arith.constant 1.000000e+00 : f32
        %sub3A_1073 = vector.broadcast %sub3A_1072 : f32 to vector<16xf32>
        %sub3A_1074 = arith.subf %bitcast_convert_type3A_1071, %sub3A_1073 : vector<16xf32>
        %mul3A_1075 = arith.constant 0.0147787211 : f32
        %mul3A_1076 = vector.broadcast %mul3A_1075 : f32 to vector<16xf32>
        %mul3A_1077 = arith.mulf %mul3A_1076, %sub3A_1074 : vector<16xf32>
        %add3A_1078 = arith.constant -0.076848723 : f32
        %add3A_1079 = vector.broadcast %add3A_1078 : f32 to vector<16xf32>
        %add3A_1080 = arith.addf %mul3A_1077, %add3A_1079 : vector<16xf32>
        %mul3A_1081 = arith.mulf %add3A_1080, %sub3A_1074 : vector<16xf32>
        %add3A_1082 = arith.constant 0.190420836 : f32
        %add3A_1083 = vector.broadcast %add3A_1082 : f32 to vector<16xf32>
        %add3A_1084 = arith.addf %mul3A_1081, %add3A_1083 : vector<16xf32>
        %mul3A_1085 = arith.mulf %add3A_1084, %sub3A_1074 : vector<16xf32>
        %add3A_1086 = arith.constant -0.323115945 : f32
        %add3A_1087 = vector.broadcast %add3A_1086 : f32 to vector<16xf32>
        %add3A_1088 = arith.addf %mul3A_1085, %add3A_1087 : vector<16xf32>
        %mul3A_1089 = arith.mulf %add3A_1088, %sub3A_1074 : vector<16xf32>
        %add3A_1090 = arith.constant 0.47249952 : f32
        %add3A_1091 = vector.broadcast %add3A_1090 : f32 to vector<16xf32>
        %add3A_1092 = arith.addf %mul3A_1089, %add3A_1091 : vector<16xf32>
        %mul3A_1093 = arith.mulf %add3A_1092, %sub3A_1074 : vector<16xf32>
        %add3A_1094 = arith.constant -0.720386624 : f32
        %add3A_1095 = vector.broadcast %add3A_1094 : f32 to vector<16xf32>
        %add3A_1096 = arith.addf %mul3A_1093, %add3A_1095 : vector<16xf32>
        %mul3A_1097 = arith.mulf %add3A_1096, %sub3A_1074 : vector<16xf32>
        %add3A_1098 = arith.constant 1.44265211 : f32
        %add3A_1099 = vector.broadcast %add3A_1098 : f32 to vector<16xf32>
        %add3A_1100 = arith.addf %mul3A_1097, %add3A_1099 : vector<16xf32>
        %mul3A_1101 = arith.mulf %add3A_1100, %sub3A_1074 : vector<16xf32>
        %add3A_1102 = arith.constant 3.19697818E-7 : f32
        %add3A_1103 = vector.broadcast %add3A_1102 : f32 to vector<16xf32>
        %add3A_1104 = arith.addf %mul3A_1101, %add3A_1103 : vector<16xf32>
        %sub3A_1105 = arith.constant 1.270000e+02 : f32
        %sub3A_1106 = vector.broadcast %sub3A_1105 : f32 to vector<16xf32>
        %sub3A_1107 = arith.subf %add3A_1104, %sub3A_1106 : vector<16xf32>
        %add3A_1108 = arith.addf %convert_element_type3A_1064, %sub3A_1107 : vector<16xf32>
        %add3A_1109 = arith.addf %add3A_1041, %add3A_1108 : vector<16xf32>
        %get3A_1110 = arith.index_cast %scan3A_28 : i32 to index
        %get3A_1111 = arith.constant 256 : index
        %get3A_1112 = tpu.vector_load %arg5[%get3A_1110, %get3A_1111] {strides = array<i32>} : memref<32x512xf32, #tpu.memory_space<vmem>>, vector<1x16xf32>,
        %get3A_1113 = vector.shape_cast %get3A_1112 : vector<1x16xf32> to vector<16xf32>
        %get3A_1114 = arith.index_cast %scan3A_28 : i32 to index
        %get3A_1115 = arith.constant 256 : index
        %get3A_1116 = tpu.vector_load %arg6[%get3A_1114, %get3A_1115] {strides = array<i32>} : memref<32x512xi32, #tpu.memory_space<vmem>>, vector<1x16xi32>,
        %get3A_1117 = vector.shape_cast %get3A_1116 : vector<1x16xi32> to vector<16xi32>
        %eq3A_1118 = arith.constant 1 : i32
        %eq3A_1119 = vector.broadcast %eq3A_1118 : i32 to vector<16xi32>
        %eq3A_1120 = arith.cmpi eq, %get3A_1117, %eq3A_1119 : vector<16xi32>
        %sub3A_1121 = arith.constant 1.000000e+00 : f32
        %sub3A_1122 = vector.broadcast %sub3A_1121 : f32 to vector<16xf32>
        %sub3A_1123 = arith.subf %sub3A_1122, %get3A_1113 : vector<16xf32>
        %select_n3A_1124 = arith.select %eq3A_1120, %get3A_1113, %sub3A_1123 : vector<16xi1>, vector<16xf32>
        %max3A_1125 = arith.constant 1.000000e-07 : f32
        %max3A_1126 = vector.broadcast %max3A_1125 : f32 to vector<16xf32>
        %max3A_1127 = arith.maximumf %select_n3A_1124, %max3A_1126 : vector<16xf32>
        %bitcast_convert_type3A_1128 = tpu.bitcast %max3A_1127 : vector<16xf32> -> vector<16xi32>
        %shift_right_logical3A_1129 = arith.constant 23 : i32
        %shift_right_logical3A_1130 = vector.broadcast %shift_right_logical3A_1129 : i32 to vector<16xi32>
        %shift_right_logical3A_1131 = arith.shrui %bitcast_convert_type3A_1128, %shift_right_logical3A_1130 : vector<16xi32>
        %convert_element_type3A_1132 = arith.sitofp %shift_right_logical3A_1131 : vector<16xi32> to vector<16xf32>
        %and3A_1133 = arith.constant 8388607 : i32
        %and3A_1134 = vector.broadcast %and3A_1133 : i32 to vector<16xi32>
        %and3A_1135 = arith.andi %bitcast_convert_type3A_1128, %and3A_1134 : vector<16xi32>
        %or3A_1136 = arith.constant 1065353216 : i32
        %or3A_1137 = vector.broadcast %or3A_1136 : i32 to vector<16xi32>
        %or3A_1138 = arith.ori %and3A_1135, %or3A_1137 : vector<16xi32>
        %bitcast_convert_type3A_1139 = tpu.bitcast %or3A_1138 : vector<16xi32> -> vector<16xf32>
        %sub3A_1140 = arith.constant 1.000000e+00 : f32
        %sub3A_1141 = vector.broadcast %sub3A_1140 : f32 to vector<16xf32>
        %sub3A_1142 = arith.subf %bitcast_convert_type3A_1139, %sub3A_1141 : vector<16xf32>
        %mul3A_1143 = arith.constant 0.0147787211 : f32
        %mul3A_1144 = vector.broadcast %mul3A_1143 : f32 to vector<16xf32>
        %mul3A_1145 = arith.mulf %mul3A_1144, %sub3A_1142 : vector<16xf32>
        %add3A_1146 = arith.constant -0.076848723 : f32
        %add3A_1147 = vector.broadcast %add3A_1146 : f32 to vector<16xf32>
        %add3A_1148 = arith.addf %mul3A_1145, %add3A_1147 : vector<16xf32>
        %mul3A_1149 = arith.mulf %add3A_1148, %sub3A_1142 : vector<16xf32>
        %add3A_1150 = arith.constant 0.190420836 : f32
        %add3A_1151 = vector.broadcast %add3A_1150 : f32 to vector<16xf32>
        %add3A_1152 = arith.addf %mul3A_1149, %add3A_1151 : vector<16xf32>
        %mul3A_1153 = arith.mulf %add3A_1152, %sub3A_1142 : vector<16xf32>
        %add3A_1154 = arith.constant -0.323115945 : f32
        %add3A_1155 = vector.broadcast %add3A_1154 : f32 to vector<16xf32>
        %add3A_1156 = arith.addf %mul3A_1153, %add3A_1155 : vector<16xf32>
        %mul3A_1157 = arith.mulf %add3A_1156, %sub3A_1142 : vector<16xf32>
        %add3A_1158 = arith.constant 0.47249952 : f32
        %add3A_1159 = vector.broadcast %add3A_1158 : f32 to vector<16xf32>
        %add3A_1160 = arith.addf %mul3A_1157, %add3A_1159 : vector<16xf32>
        %mul3A_1161 = arith.mulf %add3A_1160, %sub3A_1142 : vector<16xf32>
        %add3A_1162 = arith.constant -0.720386624 : f32
        %add3A_1163 = vector.broadcast %add3A_1162 : f32 to vector<16xf32>
        %add3A_1164 = arith.addf %mul3A_1161, %add3A_1163 : vector<16xf32>
        %mul3A_1165 = arith.mulf %add3A_1164, %sub3A_1142 : vector<16xf32>
        %add3A_1166 = arith.constant 1.44265211 : f32
        %add3A_1167 = vector.broadcast %add3A_1166 : f32 to vector<16xf32>
        %add3A_1168 = arith.addf %mul3A_1165, %add3A_1167 : vector<16xf32>
        %mul3A_1169 = arith.mulf %add3A_1168, %sub3A_1142 : vector<16xf32>
        %add3A_1170 = arith.constant 3.19697818E-7 : f32
        %add3A_1171 = vector.broadcast %add3A_1170 : f32 to vector<16xf32>
        %add3A_1172 = arith.addf %mul3A_1169, %add3A_1171 : vector<16xf32>
        %sub3A_1173 = arith.constant 1.270000e+02 : f32
        %sub3A_1174 = vector.broadcast %sub3A_1173 : f32 to vector<16xf32>
        %sub3A_1175 = arith.subf %add3A_1172, %sub3A_1174 : vector<16xf32>
        %add3A_1176 = arith.addf %convert_element_type3A_1132, %sub3A_1175 : vector<16xf32>
        %add3A_1177 = arith.addf %add3A_1109, %add3A_1176 : vector<16xf32>
        %get3A_1178 = arith.index_cast %scan3A_28 : i32 to index
        %get3A_1179 = arith.constant 272 : index
        %get3A_1180 = tpu.vector_load %arg5[%get3A_1178, %get3A_1179] {strides = array<i32>} : memref<32x512xf32, #tpu.memory_space<vmem>>, vector<1x16xf32>,
        %get3A_1181 = vector.shape_cast %get3A_1180 : vector<1x16xf32> to vector<16xf32>
        %get3A_1182 = arith.index_cast %scan3A_28 : i32 to index
        %get3A_1183 = arith.constant 272 : index
        %get3A_1184 = tpu.vector_load %arg6[%get3A_1182, %get3A_1183] {strides = array<i32>} : memref<32x512xi32, #tpu.memory_space<vmem>>, vector<1x16xi32>,
        %get3A_1185 = vector.shape_cast %get3A_1184 : vector<1x16xi32> to vector<16xi32>
        %eq3A_1186 = arith.constant 1 : i32
        %eq3A_1187 = vector.broadcast %eq3A_1186 : i32 to vector<16xi32>
        %eq3A_1188 = arith.cmpi eq, %get3A_1185, %eq3A_1187 : vector<16xi32>
        %sub3A_1189 = arith.constant 1.000000e+00 : f32
        %sub3A_1190 = vector.broadcast %sub3A_1189 : f32 to vector<16xf32>
        %sub3A_1191 = arith.subf %sub3A_1190, %get3A_1181 : vector<16xf32>
        %select_n3A_1192 = arith.select %eq3A_1188, %get3A_1181, %sub3A_1191 : vector<16xi1>, vector<16xf32>
        %max3A_1193 = arith.constant 1.000000e-07 : f32
        %max3A_1194 = vector.broadcast %max3A_1193 : f32 to vector<16xf32>
        %max3A_1195 = arith.maximumf %select_n3A_1192, %max3A_1194 : vector<16xf32>
        %bitcast_convert_type3A_1196 = tpu.bitcast %max3A_1195 : vector<16xf32> -> vector<16xi32>
        %shift_right_logical3A_1197 = arith.constant 23 : i32
        %shift_right_logical3A_1198 = vector.broadcast %shift_right_logical3A_1197 : i32 to vector<16xi32>
        %shift_right_logical3A_1199 = arith.shrui %bitcast_convert_type3A_1196, %shift_right_logical3A_1198 : vector<16xi32>
        %convert_element_type3A_1200 = arith.sitofp %shift_right_logical3A_1199 : vector<16xi32> to vector<16xf32>
        %and3A_1201 = arith.constant 8388607 : i32
        %and3A_1202 = vector.broadcast %and3A_1201 : i32 to vector<16xi32>
        %and3A_1203 = arith.andi %bitcast_convert_type3A_1196, %and3A_1202 : vector<16xi32>
        %or3A_1204 = arith.constant 1065353216 : i32
        %or3A_1205 = vector.broadcast %or3A_1204 : i32 to vector<16xi32>
        %or3A_1206 = arith.ori %and3A_1203, %or3A_1205 : vector<16xi32>
        %bitcast_convert_type3A_1207 = tpu.bitcast %or3A_1206 : vector<16xi32> -> vector<16xf32>
        %sub3A_1208 = arith.constant 1.000000e+00 : f32
        %sub3A_1209 = vector.broadcast %sub3A_1208 : f32 to vector<16xf32>
        %sub3A_1210 = arith.subf %bitcast_convert_type3A_1207, %sub3A_1209 : vector<16xf32>
        %mul3A_1211 = arith.constant 0.0147787211 : f32
        %mul3A_1212 = vector.broadcast %mul3A_1211 : f32 to vector<16xf32>
        %mul3A_1213 = arith.mulf %mul3A_1212, %sub3A_1210 : vector<16xf32>
        %add3A_1214 = arith.constant -0.076848723 : f32
        %add3A_1215 = vector.broadcast %add3A_1214 : f32 to vector<16xf32>
        %add3A_1216 = arith.addf %mul3A_1213, %add3A_1215 : vector<16xf32>
        %mul3A_1217 = arith.mulf %add3A_1216, %sub3A_1210 : vector<16xf32>
        %add3A_1218 = arith.constant 0.190420836 : f32
        %add3A_1219 = vector.broadcast %add3A_1218 : f32 to vector<16xf32>
        %add3A_1220 = arith.addf %mul3A_1217, %add3A_1219 : vector<16xf32>
        %mul3A_1221 = arith.mulf %add3A_1220, %sub3A_1210 : vector<16xf32>
        %add3A_1222 = arith.constant -0.323115945 : f32
        %add3A_1223 = vector.broadcast %add3A_1222 : f32 to vector<16xf32>
        %add3A_1224 = arith.addf %mul3A_1221, %add3A_1223 : vector<16xf32>
        %mul3A_1225 = arith.mulf %add3A_1224, %sub3A_1210 : vector<16xf32>
        %add3A_1226 = arith.constant 0.47249952 : f32
        %add3A_1227 = vector.broadcast %add3A_1226 : f32 to vector<16xf32>
        %add3A_1228 = arith.addf %mul3A_1225, %add3A_1227 : vector<16xf32>
        %mul3A_1229 = arith.mulf %add3A_1228, %sub3A_1210 : vector<16xf32>
        %add3A_1230 = arith.constant -0.720386624 : f32
        %add3A_1231 = vector.broadcast %add3A_1230 : f32 to vector<16xf32>
        %add3A_1232 = arith.addf %mul3A_1229, %add3A_1231 : vector<16xf32>
        %mul3A_1233 = arith.mulf %add3A_1232, %sub3A_1210 : vector<16xf32>
        %add3A_1234 = arith.constant 1.44265211 : f32
        %add3A_1235 = vector.broadcast %add3A_1234 : f32 to vector<16xf32>
        %add3A_1236 = arith.addf %mul3A_1233, %add3A_1235 : vector<16xf32>
        %mul3A_1237 = arith.mulf %add3A_1236, %sub3A_1210 : vector<16xf32>
        %add3A_1238 = arith.constant 3.19697818E-7 : f32
        %add3A_1239 = vector.broadcast %add3A_1238 : f32 to vector<16xf32>
        %add3A_1240 = arith.addf %mul3A_1237, %add3A_1239 : vector<16xf32>
        %sub3A_1241 = arith.constant 1.270000e+02 : f32
        %sub3A_1242 = vector.broadcast %sub3A_1241 : f32 to vector<16xf32>
        %sub3A_1243 = arith.subf %add3A_1240, %sub3A_1242 : vector<16xf32>
        %add3A_1244 = arith.addf %convert_element_type3A_1200, %sub3A_1243 : vector<16xf32>
        %add3A_1245 = arith.addf %add3A_1177, %add3A_1244 : vector<16xf32>
        %get3A_1246 = arith.index_cast %scan3A_28 : i32 to index
        %get3A_1247 = arith.constant 288 : index
        %get3A_1248 = tpu.vector_load %arg5[%get3A_1246, %get3A_1247] {strides = array<i32>} : memref<32x512xf32, #tpu.memory_space<vmem>>, vector<1x16xf32>,
        %get3A_1249 = vector.shape_cast %get3A_1248 : vector<1x16xf32> to vector<16xf32>
        %get3A_1250 = arith.index_cast %scan3A_28 : i32 to index
        %get3A_1251 = arith.constant 288 : index
        %get3A_1252 = tpu.vector_load %arg6[%get3A_1250, %get3A_1251] {strides = array<i32>} : memref<32x512xi32, #tpu.memory_space<vmem>>, vector<1x16xi32>,
        %get3A_1253 = vector.shape_cast %get3A_1252 : vector<1x16xi32> to vector<16xi32>
        %eq3A_1254 = arith.constant 1 : i32
        %eq3A_1255 = vector.broadcast %eq3A_1254 : i32 to vector<16xi32>
        %eq3A_1256 = arith.cmpi eq, %get3A_1253, %eq3A_1255 : vector<16xi32>
        %sub3A_1257 = arith.constant 1.000000e+00 : f32
        %sub3A_1258 = vector.broadcast %sub3A_1257 : f32 to vector<16xf32>
        %sub3A_1259 = arith.subf %sub3A_1258, %get3A_1249 : vector<16xf32>
        %select_n3A_1260 = arith.select %eq3A_1256, %get3A_1249, %sub3A_1259 : vector<16xi1>, vector<16xf32>
        %max3A_1261 = arith.constant 1.000000e-07 : f32
        %max3A_1262 = vector.broadcast %max3A_1261 : f32 to vector<16xf32>
        %max3A_1263 = arith.maximumf %select_n3A_1260, %max3A_1262 : vector<16xf32>
        %bitcast_convert_type3A_1264 = tpu.bitcast %max3A_1263 : vector<16xf32> -> vector<16xi32>
        %shift_right_logical3A_1265 = arith.constant 23 : i32
        %shift_right_logical3A_1266 = vector.broadcast %shift_right_logical3A_1265 : i32 to vector<16xi32>
        %shift_right_logical3A_1267 = arith.shrui %bitcast_convert_type3A_1264, %shift_right_logical3A_1266 : vector<16xi32>
        %convert_element_type3A_1268 = arith.sitofp %shift_right_logical3A_1267 : vector<16xi32> to vector<16xf32>
        %and3A_1269 = arith.constant 8388607 : i32
        %and3A_1270 = vector.broadcast %and3A_1269 : i32 to vector<16xi32>
        %and3A_1271 = arith.andi %bitcast_convert_type3A_1264, %and3A_1270 : vector<16xi32>
        %or3A_1272 = arith.constant 1065353216 : i32
        %or3A_1273 = vector.broadcast %or3A_1272 : i32 to vector<16xi32>
        %or3A_1274 = arith.ori %and3A_1271, %or3A_1273 : vector<16xi32>
        %bitcast_convert_type3A_1275 = tpu.bitcast %or3A_1274 : vector<16xi32> -> vector<16xf32>
        %sub3A_1276 = arith.constant 1.000000e+00 : f32
        %sub3A_1277 = vector.broadcast %sub3A_1276 : f32 to vector<16xf32>
        %sub3A_1278 = arith.subf %bitcast_convert_type3A_1275, %sub3A_1277 : vector<16xf32>
        %mul3A_1279 = arith.constant 0.0147787211 : f32
        %mul3A_1280 = vector.broadcast %mul3A_1279 : f32 to vector<16xf32>
        %mul3A_1281 = arith.mulf %mul3A_1280, %sub3A_1278 : vector<16xf32>
        %add3A_1282 = arith.constant -0.076848723 : f32
        %add3A_1283 = vector.broadcast %add3A_1282 : f32 to vector<16xf32>
        %add3A_1284 = arith.addf %mul3A_1281, %add3A_1283 : vector<16xf32>
        %mul3A_1285 = arith.mulf %add3A_1284, %sub3A_1278 : vector<16xf32>
        %add3A_1286 = arith.constant 0.190420836 : f32
        %add3A_1287 = vector.broadcast %add3A_1286 : f32 to vector<16xf32>
        %add3A_1288 = arith.addf %mul3A_1285, %add3A_1287 : vector<16xf32>
        %mul3A_1289 = arith.mulf %add3A_1288, %sub3A_1278 : vector<16xf32>
        %add3A_1290 = arith.constant -0.323115945 : f32
        %add3A_1291 = vector.broadcast %add3A_1290 : f32 to vector<16xf32>
        %add3A_1292 = arith.addf %mul3A_1289, %add3A_1291 : vector<16xf32>
        %mul3A_1293 = arith.mulf %add3A_1292, %sub3A_1278 : vector<16xf32>
        %add3A_1294 = arith.constant 0.47249952 : f32
        %add3A_1295 = vector.broadcast %add3A_1294 : f32 to vector<16xf32>
        %add3A_1296 = arith.addf %mul3A_1293, %add3A_1295 : vector<16xf32>
        %mul3A_1297 = arith.mulf %add3A_1296, %sub3A_1278 : vector<16xf32>
        %add3A_1298 = arith.constant -0.720386624 : f32
        %add3A_1299 = vector.broadcast %add3A_1298 : f32 to vector<16xf32>
        %add3A_1300 = arith.addf %mul3A_1297, %add3A_1299 : vector<16xf32>
        %mul3A_1301 = arith.mulf %add3A_1300, %sub3A_1278 : vector<16xf32>
        %add3A_1302 = arith.constant 1.44265211 : f32
        %add3A_1303 = vector.broadcast %add3A_1302 : f32 to vector<16xf32>
        %add3A_1304 = arith.addf %mul3A_1301, %add3A_1303 : vector<16xf32>
        %mul3A_1305 = arith.mulf %add3A_1304, %sub3A_1278 : vector<16xf32>
        %add3A_1306 = arith.constant 3.19697818E-7 : f32
        %add3A_1307 = vector.broadcast %add3A_1306 : f32 to vector<16xf32>
        %add3A_1308 = arith.addf %mul3A_1305, %add3A_1307 : vector<16xf32>
        %sub3A_1309 = arith.constant 1.270000e+02 : f32
        %sub3A_1310 = vector.broadcast %sub3A_1309 : f32 to vector<16xf32>
        %sub3A_1311 = arith.subf %add3A_1308, %sub3A_1310 : vector<16xf32>
        %add3A_1312 = arith.addf %convert_element_type3A_1268, %sub3A_1311 : vector<16xf32>
        %add3A_1313 = arith.addf %add3A_1245, %add3A_1312 : vector<16xf32>
        %get3A_1314 = arith.index_cast %scan3A_28 : i32 to index
        %get3A_1315 = arith.constant 304 : index
        %get3A_1316 = tpu.vector_load %arg5[%get3A_1314, %get3A_1315] {strides = array<i32>} : memref<32x512xf32, #tpu.memory_space<vmem>>, vector<1x16xf32>,
        %get3A_1317 = vector.shape_cast %get3A_1316 : vector<1x16xf32> to vector<16xf32>
        %get3A_1318 = arith.index_cast %scan3A_28 : i32 to index
        %get3A_1319 = arith.constant 304 : index
        %get3A_1320 = tpu.vector_load %arg6[%get3A_1318, %get3A_1319] {strides = array<i32>} : memref<32x512xi32, #tpu.memory_space<vmem>>, vector<1x16xi32>,
        %get3A_1321 = vector.shape_cast %get3A_1320 : vector<1x16xi32> to vector<16xi32>
        %eq3A_1322 = arith.constant 1 : i32
        %eq3A_1323 = vector.broadcast %eq3A_1322 : i32 to vector<16xi32>
        %eq3A_1324 = arith.cmpi eq, %get3A_1321, %eq3A_1323 : vector<16xi32>
        %sub3A_1325 = arith.constant 1.000000e+00 : f32
        %sub3A_1326 = vector.broadcast %sub3A_1325 : f32 to vector<16xf32>
        %sub3A_1327 = arith.subf %sub3A_1326, %get3A_1317 : vector<16xf32>
        %select_n3A_1328 = arith.select %eq3A_1324, %get3A_1317, %sub3A_1327 : vector<16xi1>, vector<16xf32>
        %max3A_1329 = arith.constant 1.000000e-07 : f32
        %max3A_1330 = vector.broadcast %max3A_1329 : f32 to vector<16xf32>
        %max3A_1331 = arith.maximumf %select_n3A_1328, %max3A_1330 : vector<16xf32>
        %bitcast_convert_type3A_1332 = tpu.bitcast %max3A_1331 : vector<16xf32> -> vector<16xi32>
        %shift_right_logical3A_1333 = arith.constant 23 : i32
        %shift_right_logical3A_1334 = vector.broadcast %shift_right_logical3A_1333 : i32 to vector<16xi32>
        %shift_right_logical3A_1335 = arith.shrui %bitcast_convert_type3A_1332, %shift_right_logical3A_1334 : vector<16xi32>
        %convert_element_type3A_1336 = arith.sitofp %shift_right_logical3A_1335 : vector<16xi32> to vector<16xf32>
        %and3A_1337 = arith.constant 8388607 : i32
        %and3A_1338 = vector.broadcast %and3A_1337 : i32 to vector<16xi32>
        %and3A_1339 = arith.andi %bitcast_convert_type3A_1332, %and3A_1338 : vector<16xi32>
        %or3A_1340 = arith.constant 1065353216 : i32
        %or3A_1341 = vector.broadcast %or3A_1340 : i32 to vector<16xi32>
        %or3A_1342 = arith.ori %and3A_1339, %or3A_1341 : vector<16xi32>
        %bitcast_convert_type3A_1343 = tpu.bitcast %or3A_1342 : vector<16xi32> -> vector<16xf32>
        %sub3A_1344 = arith.constant 1.000000e+00 : f32
        %sub3A_1345 = vector.broadcast %sub3A_1344 : f32 to vector<16xf32>
        %sub3A_1346 = arith.subf %bitcast_convert_type3A_1343, %sub3A_1345 : vector<16xf32>
        %mul3A_1347 = arith.constant 0.0147787211 : f32
        %mul3A_1348 = vector.broadcast %mul3A_1347 : f32 to vector<16xf32>
        %mul3A_1349 = arith.mulf %mul3A_1348, %sub3A_1346 : vector<16xf32>
        %add3A_1350 = arith.constant -0.076848723 : f32
        %add3A_1351 = vector.broadcast %add3A_1350 : f32 to vector<16xf32>
        %add3A_1352 = arith.addf %mul3A_1349, %add3A_1351 : vector<16xf32>
        %mul3A_1353 = arith.mulf %add3A_1352, %sub3A_1346 : vector<16xf32>
        %add3A_1354 = arith.constant 0.190420836 : f32
        %add3A_1355 = vector.broadcast %add3A_1354 : f32 to vector<16xf32>
        %add3A_1356 = arith.addf %mul3A_1353, %add3A_1355 : vector<16xf32>
        %mul3A_1357 = arith.mulf %add3A_1356, %sub3A_1346 : vector<16xf32>
        %add3A_1358 = arith.constant -0.323115945 : f32
        %add3A_1359 = vector.broadcast %add3A_1358 : f32 to vector<16xf32>
        %add3A_1360 = arith.addf %mul3A_1357, %add3A_1359 : vector<16xf32>
        %mul3A_1361 = arith.mulf %add3A_1360, %sub3A_1346 : vector<16xf32>
        %add3A_1362 = arith.constant 0.47249952 : f32
        %add3A_1363 = vector.broadcast %add3A_1362 : f32 to vector<16xf32>
        %add3A_1364 = arith.addf %mul3A_1361, %add3A_1363 : vector<16xf32>
        %mul3A_1365 = arith.mulf %add3A_1364, %sub3A_1346 : vector<16xf32>
        %add3A_1366 = arith.constant -0.720386624 : f32
        %add3A_1367 = vector.broadcast %add3A_1366 : f32 to vector<16xf32>
        %add3A_1368 = arith.addf %mul3A_1365, %add3A_1367 : vector<16xf32>
        %mul3A_1369 = arith.mulf %add3A_1368, %sub3A_1346 : vector<16xf32>
        %add3A_1370 = arith.constant 1.44265211 : f32
        %add3A_1371 = vector.broadcast %add3A_1370 : f32 to vector<16xf32>
        %add3A_1372 = arith.addf %mul3A_1369, %add3A_1371 : vector<16xf32>
        %mul3A_1373 = arith.mulf %add3A_1372, %sub3A_1346 : vector<16xf32>
        %add3A_1374 = arith.constant 3.19697818E-7 : f32
        %add3A_1375 = vector.broadcast %add3A_1374 : f32 to vector<16xf32>
        %add3A_1376 = arith.addf %mul3A_1373, %add3A_1375 : vector<16xf32>
        %sub3A_1377 = arith.constant 1.270000e+02 : f32
        %sub3A_1378 = vector.broadcast %sub3A_1377 : f32 to vector<16xf32>
        %sub3A_1379 = arith.subf %add3A_1376, %sub3A_1378 : vector<16xf32>
        %add3A_1380 = arith.addf %convert_element_type3A_1336, %sub3A_1379 : vector<16xf32>
        %add3A_1381 = arith.addf %add3A_1313, %add3A_1380 : vector<16xf32>
        %get3A_1382 = arith.index_cast %scan3A_28 : i32 to index
        %get3A_1383 = arith.constant 320 : index
        %get3A_1384 = tpu.vector_load %arg5[%get3A_1382, %get3A_1383] {strides = array<i32>} : memref<32x512xf32, #tpu.memory_space<vmem>>, vector<1x16xf32>,
        %get3A_1385 = vector.shape_cast %get3A_1384 : vector<1x16xf32> to vector<16xf32>
        %get3A_1386 = arith.index_cast %scan3A_28 : i32 to index
        %get3A_1387 = arith.constant 320 : index
        %get3A_1388 = tpu.vector_load %arg6[%get3A_1386, %get3A_1387] {strides = array<i32>} : memref<32x512xi32, #tpu.memory_space<vmem>>, vector<1x16xi32>,
        %get3A_1389 = vector.shape_cast %get3A_1388 : vector<1x16xi32> to vector<16xi32>
        %eq3A_1390 = arith.constant 1 : i32
        %eq3A_1391 = vector.broadcast %eq3A_1390 : i32 to vector<16xi32>
        %eq3A_1392 = arith.cmpi eq, %get3A_1389, %eq3A_1391 : vector<16xi32>
        %sub3A_1393 = arith.constant 1.000000e+00 : f32
        %sub3A_1394 = vector.broadcast %sub3A_1393 : f32 to vector<16xf32>
        %sub3A_1395 = arith.subf %sub3A_1394, %get3A_1385 : vector<16xf32>
        %select_n3A_1396 = arith.select %eq3A_1392, %get3A_1385, %sub3A_1395 : vector<16xi1>, vector<16xf32>
        %max3A_1397 = arith.constant 1.000000e-07 : f32
        %max3A_1398 = vector.broadcast %max3A_1397 : f32 to vector<16xf32>
        %max3A_1399 = arith.maximumf %select_n3A_1396, %max3A_1398 : vector<16xf32>
        %bitcast_convert_type3A_1400 = tpu.bitcast %max3A_1399 : vector<16xf32> -> vector<16xi32>
        %shift_right_logical3A_1401 = arith.constant 23 : i32
        %shift_right_logical3A_1402 = vector.broadcast %shift_right_logical3A_1401 : i32 to vector<16xi32>
        %shift_right_logical3A_1403 = arith.shrui %bitcast_convert_type3A_1400, %shift_right_logical3A_1402 : vector<16xi32>
        %convert_element_type3A_1404 = arith.sitofp %shift_right_logical3A_1403 : vector<16xi32> to vector<16xf32>
        %and3A_1405 = arith.constant 8388607 : i32
        %and3A_1406 = vector.broadcast %and3A_1405 : i32 to vector<16xi32>
        %and3A_1407 = arith.andi %bitcast_convert_type3A_1400, %and3A_1406 : vector<16xi32>
        %or3A_1408 = arith.constant 1065353216 : i32
        %or3A_1409 = vector.broadcast %or3A_1408 : i32 to vector<16xi32>
        %or3A_1410 = arith.ori %and3A_1407, %or3A_1409 : vector<16xi32>
        %bitcast_convert_type3A_1411 = tpu.bitcast %or3A_1410 : vector<16xi32> -> vector<16xf32>
        %sub3A_1412 = arith.constant 1.000000e+00 : f32
        %sub3A_1413 = vector.broadcast %sub3A_1412 : f32 to vector<16xf32>
        %sub3A_1414 = arith.subf %bitcast_convert_type3A_1411, %sub3A_1413 : vector<16xf32>
        %mul3A_1415 = arith.constant 0.0147787211 : f32
        %mul3A_1416 = vector.broadcast %mul3A_1415 : f32 to vector<16xf32>
        %mul3A_1417 = arith.mulf %mul3A_1416, %sub3A_1414 : vector<16xf32>
        %add3A_1418 = arith.constant -0.076848723 : f32
        %add3A_1419 = vector.broadcast %add3A_1418 : f32 to vector<16xf32>
        %add3A_1420 = arith.addf %mul3A_1417, %add3A_1419 : vector<16xf32>
        %mul3A_1421 = arith.mulf %add3A_1420, %sub3A_1414 : vector<16xf32>
        %add3A_1422 = arith.constant 0.190420836 : f32
        %add3A_1423 = vector.broadcast %add3A_1422 : f32 to vector<16xf32>
        %add3A_1424 = arith.addf %mul3A_1421, %add3A_1423 : vector<16xf32>
        %mul3A_1425 = arith.mulf %add3A_1424, %sub3A_1414 : vector<16xf32>
        %add3A_1426 = arith.constant -0.323115945 : f32
        %add3A_1427 = vector.broadcast %add3A_1426 : f32 to vector<16xf32>
        %add3A_1428 = arith.addf %mul3A_1425, %add3A_1427 : vector<16xf32>
        %mul3A_1429 = arith.mulf %add3A_1428, %sub3A_1414 : vector<16xf32>
        %add3A_1430 = arith.constant 0.47249952 : f32
        %add3A_1431 = vector.broadcast %add3A_1430 : f32 to vector<16xf32>
        %add3A_1432 = arith.addf %mul3A_1429, %add3A_1431 : vector<16xf32>
        %mul3A_1433 = arith.mulf %add3A_1432, %sub3A_1414 : vector<16xf32>
        %add3A_1434 = arith.constant -0.720386624 : f32
        %add3A_1435 = vector.broadcast %add3A_1434 : f32 to vector<16xf32>
        %add3A_1436 = arith.addf %mul3A_1433, %add3A_1435 : vector<16xf32>
        %mul3A_1437 = arith.mulf %add3A_1436, %sub3A_1414 : vector<16xf32>
        %add3A_1438 = arith.constant 1.44265211 : f32
        %add3A_1439 = vector.broadcast %add3A_1438 : f32 to vector<16xf32>
        %add3A_1440 = arith.addf %mul3A_1437, %add3A_1439 : vector<16xf32>
        %mul3A_1441 = arith.mulf %add3A_1440, %sub3A_1414 : vector<16xf32>
        %add3A_1442 = arith.constant 3.19697818E-7 : f32
        %add3A_1443 = vector.broadcast %add3A_1442 : f32 to vector<16xf32>
        %add3A_1444 = arith.addf %mul3A_1441, %add3A_1443 : vector<16xf32>
        %sub3A_1445 = arith.constant 1.270000e+02 : f32
        %sub3A_1446 = vector.broadcast %sub3A_1445 : f32 to vector<16xf32>
        %sub3A_1447 = arith.subf %add3A_1444, %sub3A_1446 : vector<16xf32>
        %add3A_1448 = arith.addf %convert_element_type3A_1404, %sub3A_1447 : vector<16xf32>
        %add3A_1449 = arith.addf %add3A_1381, %add3A_1448 : vector<16xf32>
        %get3A_1450 = arith.index_cast %scan3A_28 : i32 to index
        %get3A_1451 = arith.constant 336 : index
        %get3A_1452 = tpu.vector_load %arg5[%get3A_1450, %get3A_1451] {strides = array<i32>} : memref<32x512xf32, #tpu.memory_space<vmem>>, vector<1x16xf32>,
        %get3A_1453 = vector.shape_cast %get3A_1452 : vector<1x16xf32> to vector<16xf32>
        %get3A_1454 = arith.index_cast %scan3A_28 : i32 to index
        %get3A_1455 = arith.constant 336 : index
        %get3A_1456 = tpu.vector_load %arg6[%get3A_1454, %get3A_1455] {strides = array<i32>} : memref<32x512xi32, #tpu.memory_space<vmem>>, vector<1x16xi32>,
        %get3A_1457 = vector.shape_cast %get3A_1456 : vector<1x16xi32> to vector<16xi32>
        %eq3A_1458 = arith.constant 1 : i32
        %eq3A_1459 = vector.broadcast %eq3A_1458 : i32 to vector<16xi32>
        %eq3A_1460 = arith.cmpi eq, %get3A_1457, %eq3A_1459 : vector<16xi32>
        %sub3A_1461 = arith.constant 1.000000e+00 : f32
        %sub3A_1462 = vector.broadcast %sub3A_1461 : f32 to vector<16xf32>
        %sub3A_1463 = arith.subf %sub3A_1462, %get3A_1453 : vector<16xf32>
        %select_n3A_1464 = arith.select %eq3A_1460, %get3A_1453, %sub3A_1463 : vector<16xi1>, vector<16xf32>
        %max3A_1465 = arith.constant 1.000000e-07 : f32
        %max3A_1466 = vector.broadcast %max3A_1465 : f32 to vector<16xf32>
        %max3A_1467 = arith.maximumf %select_n3A_1464, %max3A_1466 : vector<16xf32>
        %bitcast_convert_type3A_1468 = tpu.bitcast %max3A_1467 : vector<16xf32> -> vector<16xi32>
        %shift_right_logical3A_1469 = arith.constant 23 : i32
        %shift_right_logical3A_1470 = vector.broadcast %shift_right_logical3A_1469 : i32 to vector<16xi32>
        %shift_right_logical3A_1471 = arith.shrui %bitcast_convert_type3A_1468, %shift_right_logical3A_1470 : vector<16xi32>
        %convert_element_type3A_1472 = arith.sitofp %shift_right_logical3A_1471 : vector<16xi32> to vector<16xf32>
        %and3A_1473 = arith.constant 8388607 : i32
        %and3A_1474 = vector.broadcast %and3A_1473 : i32 to vector<16xi32>
        %and3A_1475 = arith.andi %bitcast_convert_type3A_1468, %and3A_1474 : vector<16xi32>
        %or3A_1476 = arith.constant 1065353216 : i32
        %or3A_1477 = vector.broadcast %or3A_1476 : i32 to vector<16xi32>
        %or3A_1478 = arith.ori %and3A_1475, %or3A_1477 : vector<16xi32>
        %bitcast_convert_type3A_1479 = tpu.bitcast %or3A_1478 : vector<16xi32> -> vector<16xf32>
        %sub3A_1480 = arith.constant 1.000000e+00 : f32
        %sub3A_1481 = vector.broadcast %sub3A_1480 : f32 to vector<16xf32>
        %sub3A_1482 = arith.subf %bitcast_convert_type3A_1479, %sub3A_1481 : vector<16xf32>
        %mul3A_1483 = arith.constant 0.0147787211 : f32
        %mul3A_1484 = vector.broadcast %mul3A_1483 : f32 to vector<16xf32>
        %mul3A_1485 = arith.mulf %mul3A_1484, %sub3A_1482 : vector<16xf32>
        %add3A_1486 = arith.constant -0.076848723 : f32
        %add3A_1487 = vector.broadcast %add3A_1486 : f32 to vector<16xf32>
        %add3A_1488 = arith.addf %mul3A_1485, %add3A_1487 : vector<16xf32>
        %mul3A_1489 = arith.mulf %add3A_1488, %sub3A_1482 : vector<16xf32>
        %add3A_1490 = arith.constant 0.190420836 : f32
        %add3A_1491 = vector.broadcast %add3A_1490 : f32 to vector<16xf32>
        %add3A_1492 = arith.addf %mul3A_1489, %add3A_1491 : vector<16xf32>
        %mul3A_1493 = arith.mulf %add3A_1492, %sub3A_1482 : vector<16xf32>
        %add3A_1494 = arith.constant -0.323115945 : f32
        %add3A_1495 = vector.broadcast %add3A_1494 : f32 to vector<16xf32>
        %add3A_1496 = arith.addf %mul3A_1493, %add3A_1495 : vector<16xf32>
        %mul3A_1497 = arith.mulf %add3A_1496, %sub3A_1482 : vector<16xf32>
        %add3A_1498 = arith.constant 0.47249952 : f32
        %add3A_1499 = vector.broadcast %add3A_1498 : f32 to vector<16xf32>
        %add3A_1500 = arith.addf %mul3A_1497, %add3A_1499 : vector<16xf32>
        %mul3A_1501 = arith.mulf %add3A_1500, %sub3A_1482 : vector<16xf32>
        %add3A_1502 = arith.constant -0.720386624 : f32
        %add3A_1503 = vector.broadcast %add3A_1502 : f32 to vector<16xf32>
        %add3A_1504 = arith.addf %mul3A_1501, %add3A_1503 : vector<16xf32>
        %mul3A_1505 = arith.mulf %add3A_1504, %sub3A_1482 : vector<16xf32>
        %add3A_1506 = arith.constant 1.44265211 : f32
        %add3A_1507 = vector.broadcast %add3A_1506 : f32 to vector<16xf32>
        %add3A_1508 = arith.addf %mul3A_1505, %add3A_1507 : vector<16xf32>
        %mul3A_1509 = arith.mulf %add3A_1508, %sub3A_1482 : vector<16xf32>
        %add3A_1510 = arith.constant 3.19697818E-7 : f32
        %add3A_1511 = vector.broadcast %add3A_1510 : f32 to vector<16xf32>
        %add3A_1512 = arith.addf %mul3A_1509, %add3A_1511 : vector<16xf32>
        %sub3A_1513 = arith.constant 1.270000e+02 : f32
        %sub3A_1514 = vector.broadcast %sub3A_1513 : f32 to vector<16xf32>
        %sub3A_1515 = arith.subf %add3A_1512, %sub3A_1514 : vector<16xf32>
        %add3A_1516 = arith.addf %convert_element_type3A_1472, %sub3A_1515 : vector<16xf32>
        %add3A_1517 = arith.addf %add3A_1449, %add3A_1516 : vector<16xf32>
        %get3A_1518 = arith.index_cast %scan3A_28 : i32 to index
        %get3A_1519 = arith.constant 352 : index
        %get3A_1520 = tpu.vector_load %arg5[%get3A_1518, %get3A_1519] {strides = array<i32>} : memref<32x512xf32, #tpu.memory_space<vmem>>, vector<1x16xf32>,
        %get3A_1521 = vector.shape_cast %get3A_1520 : vector<1x16xf32> to vector<16xf32>
        %get3A_1522 = arith.index_cast %scan3A_28 : i32 to index
        %get3A_1523 = arith.constant 352 : index
        %get3A_1524 = tpu.vector_load %arg6[%get3A_1522, %get3A_1523] {strides = array<i32>} : memref<32x512xi32, #tpu.memory_space<vmem>>, vector<1x16xi32>,
        %get3A_1525 = vector.shape_cast %get3A_1524 : vector<1x16xi32> to vector<16xi32>
        %eq3A_1526 = arith.constant 1 : i32
        %eq3A_1527 = vector.broadcast %eq3A_1526 : i32 to vector<16xi32>
        %eq3A_1528 = arith.cmpi eq, %get3A_1525, %eq3A_1527 : vector<16xi32>
        %sub3A_1529 = arith.constant 1.000000e+00 : f32
        %sub3A_1530 = vector.broadcast %sub3A_1529 : f32 to vector<16xf32>
        %sub3A_1531 = arith.subf %sub3A_1530, %get3A_1521 : vector<16xf32>
        %select_n3A_1532 = arith.select %eq3A_1528, %get3A_1521, %sub3A_1531 : vector<16xi1>, vector<16xf32>
        %max3A_1533 = arith.constant 1.000000e-07 : f32
        %max3A_1534 = vector.broadcast %max3A_1533 : f32 to vector<16xf32>
        %max3A_1535 = arith.maximumf %select_n3A_1532, %max3A_1534 : vector<16xf32>
        %bitcast_convert_type3A_1536 = tpu.bitcast %max3A_1535 : vector<16xf32> -> vector<16xi32>
        %shift_right_logical3A_1537 = arith.constant 23 : i32
        %shift_right_logical3A_1538 = vector.broadcast %shift_right_logical3A_1537 : i32 to vector<16xi32>
        %shift_right_logical3A_1539 = arith.shrui %bitcast_convert_type3A_1536, %shift_right_logical3A_1538 : vector<16xi32>
        %convert_element_type3A_1540 = arith.sitofp %shift_right_logical3A_1539 : vector<16xi32> to vector<16xf32>
        %and3A_1541 = arith.constant 8388607 : i32
        %and3A_1542 = vector.broadcast %and3A_1541 : i32 to vector<16xi32>
        %and3A_1543 = arith.andi %bitcast_convert_type3A_1536, %and3A_1542 : vector<16xi32>
        %or3A_1544 = arith.constant 1065353216 : i32
        %or3A_1545 = vector.broadcast %or3A_1544 : i32 to vector<16xi32>
        %or3A_1546 = arith.ori %and3A_1543, %or3A_1545 : vector<16xi32>
        %bitcast_convert_type3A_1547 = tpu.bitcast %or3A_1546 : vector<16xi32> -> vector<16xf32>
        %sub3A_1548 = arith.constant 1.000000e+00 : f32
        %sub3A_1549 = vector.broadcast %sub3A_1548 : f32 to vector<16xf32>
        %sub3A_1550 = arith.subf %bitcast_convert_type3A_1547, %sub3A_1549 : vector<16xf32>
        %mul3A_1551 = arith.constant 0.0147787211 : f32
        %mul3A_1552 = vector.broadcast %mul3A_1551 : f32 to vector<16xf32>
        %mul3A_1553 = arith.mulf %mul3A_1552, %sub3A_1550 : vector<16xf32>
        %add3A_1554 = arith.constant -0.076848723 : f32
        %add3A_1555 = vector.broadcast %add3A_1554 : f32 to vector<16xf32>
        %add3A_1556 = arith.addf %mul3A_1553, %add3A_1555 : vector<16xf32>
        %mul3A_1557 = arith.mulf %add3A_1556, %sub3A_1550 : vector<16xf32>
        %add3A_1558 = arith.constant 0.190420836 : f32
        %add3A_1559 = vector.broadcast %add3A_1558 : f32 to vector<16xf32>
        %add3A_1560 = arith.addf %mul3A_1557, %add3A_1559 : vector<16xf32>
        %mul3A_1561 = arith.mulf %add3A_1560, %sub3A_1550 : vector<16xf32>
        %add3A_1562 = arith.constant -0.323115945 : f32
        %add3A_1563 = vector.broadcast %add3A_1562 : f32 to vector<16xf32>
        %add3A_1564 = arith.addf %mul3A_1561, %add3A_1563 : vector<16xf32>
        %mul3A_1565 = arith.mulf %add3A_1564, %sub3A_1550 : vector<16xf32>
        %add3A_1566 = arith.constant 0.47249952 : f32
        %add3A_1567 = vector.broadcast %add3A_1566 : f32 to vector<16xf32>
        %add3A_1568 = arith.addf %mul3A_1565, %add3A_1567 : vector<16xf32>
        %mul3A_1569 = arith.mulf %add3A_1568, %sub3A_1550 : vector<16xf32>
        %add3A_1570 = arith.constant -0.720386624 : f32
        %add3A_1571 = vector.broadcast %add3A_1570 : f32 to vector<16xf32>
        %add3A_1572 = arith.addf %mul3A_1569, %add3A_1571 : vector<16xf32>
        %mul3A_1573 = arith.mulf %add3A_1572, %sub3A_1550 : vector<16xf32>
        %add3A_1574 = arith.constant 1.44265211 : f32
        %add3A_1575 = vector.broadcast %add3A_1574 : f32 to vector<16xf32>
        %add3A_1576 = arith.addf %mul3A_1573, %add3A_1575 : vector<16xf32>
        %mul3A_1577 = arith.mulf %add3A_1576, %sub3A_1550 : vector<16xf32>
        %add3A_1578 = arith.constant 3.19697818E-7 : f32
        %add3A_1579 = vector.broadcast %add3A_1578 : f32 to vector<16xf32>
        %add3A_1580 = arith.addf %mul3A_1577, %add3A_1579 : vector<16xf32>
        %sub3A_1581 = arith.constant 1.270000e+02 : f32
        %sub3A_1582 = vector.broadcast %sub3A_1581 : f32 to vector<16xf32>
        %sub3A_1583 = arith.subf %add3A_1580, %sub3A_1582 : vector<16xf32>
        %add3A_1584 = arith.addf %convert_element_type3A_1540, %sub3A_1583 : vector<16xf32>
        %add3A_1585 = arith.addf %add3A_1517, %add3A_1584 : vector<16xf32>
        %get3A_1586 = arith.index_cast %scan3A_28 : i32 to index
        %get3A_1587 = arith.constant 368 : index
        %get3A_1588 = tpu.vector_load %arg5[%get3A_1586, %get3A_1587] {strides = array<i32>} : memref<32x512xf32, #tpu.memory_space<vmem>>, vector<1x16xf32>,
        %get3A_1589 = vector.shape_cast %get3A_1588 : vector<1x16xf32> to vector<16xf32>
        %get3A_1590 = arith.index_cast %scan3A_28 : i32 to index
        %get3A_1591 = arith.constant 368 : index
        %get3A_1592 = tpu.vector_load %arg6[%get3A_1590, %get3A_1591] {strides = array<i32>} : memref<32x512xi32, #tpu.memory_space<vmem>>, vector<1x16xi32>,
        %get3A_1593 = vector.shape_cast %get3A_1592 : vector<1x16xi32> to vector<16xi32>
        %eq3A_1594 = arith.constant 1 : i32
        %eq3A_1595 = vector.broadcast %eq3A_1594 : i32 to vector<16xi32>
        %eq3A_1596 = arith.cmpi eq, %get3A_1593, %eq3A_1595 : vector<16xi32>
        %sub3A_1597 = arith.constant 1.000000e+00 : f32
        %sub3A_1598 = vector.broadcast %sub3A_1597 : f32 to vector<16xf32>
        %sub3A_1599 = arith.subf %sub3A_1598, %get3A_1589 : vector<16xf32>
        %select_n3A_1600 = arith.select %eq3A_1596, %get3A_1589, %sub3A_1599 : vector<16xi1>, vector<16xf32>
        %max3A_1601 = arith.constant 1.000000e-07 : f32
        %max3A_1602 = vector.broadcast %max3A_1601 : f32 to vector<16xf32>
        %max3A_1603 = arith.maximumf %select_n3A_1600, %max3A_1602 : vector<16xf32>
        %bitcast_convert_type3A_1604 = tpu.bitcast %max3A_1603 : vector<16xf32> -> vector<16xi32>
        %shift_right_logical3A_1605 = arith.constant 23 : i32
        %shift_right_logical3A_1606 = vector.broadcast %shift_right_logical3A_1605 : i32 to vector<16xi32>
        %shift_right_logical3A_1607 = arith.shrui %bitcast_convert_type3A_1604, %shift_right_logical3A_1606 : vector<16xi32>
        %convert_element_type3A_1608 = arith.sitofp %shift_right_logical3A_1607 : vector<16xi32> to vector<16xf32>
        %and3A_1609 = arith.constant 8388607 : i32
        %and3A_1610 = vector.broadcast %and3A_1609 : i32 to vector<16xi32>
        %and3A_1611 = arith.andi %bitcast_convert_type3A_1604, %and3A_1610 : vector<16xi32>
        %or3A_1612 = arith.constant 1065353216 : i32
        %or3A_1613 = vector.broadcast %or3A_1612 : i32 to vector<16xi32>
        %or3A_1614 = arith.ori %and3A_1611, %or3A_1613 : vector<16xi32>
        %bitcast_convert_type3A_1615 = tpu.bitcast %or3A_1614 : vector<16xi32> -> vector<16xf32>
        %sub3A_1616 = arith.constant 1.000000e+00 : f32
        %sub3A_1617 = vector.broadcast %sub3A_1616 : f32 to vector<16xf32>
        %sub3A_1618 = arith.subf %bitcast_convert_type3A_1615, %sub3A_1617 : vector<16xf32>
        %mul3A_1619 = arith.constant 0.0147787211 : f32
        %mul3A_1620 = vector.broadcast %mul3A_1619 : f32 to vector<16xf32>
        %mul3A_1621 = arith.mulf %mul3A_1620, %sub3A_1618 : vector<16xf32>
        %add3A_1622 = arith.constant -0.076848723 : f32
        %add3A_1623 = vector.broadcast %add3A_1622 : f32 to vector<16xf32>
        %add3A_1624 = arith.addf %mul3A_1621, %add3A_1623 : vector<16xf32>
        %mul3A_1625 = arith.mulf %add3A_1624, %sub3A_1618 : vector<16xf32>
        %add3A_1626 = arith.constant 0.190420836 : f32
        %add3A_1627 = vector.broadcast %add3A_1626 : f32 to vector<16xf32>
        %add3A_1628 = arith.addf %mul3A_1625, %add3A_1627 : vector<16xf32>
        %mul3A_1629 = arith.mulf %add3A_1628, %sub3A_1618 : vector<16xf32>
        %add3A_1630 = arith.constant -0.323115945 : f32
        %add3A_1631 = vector.broadcast %add3A_1630 : f32 to vector<16xf32>
        %add3A_1632 = arith.addf %mul3A_1629, %add3A_1631 : vector<16xf32>
        %mul3A_1633 = arith.mulf %add3A_1632, %sub3A_1618 : vector<16xf32>
        %add3A_1634 = arith.constant 0.47249952 : f32
        %add3A_1635 = vector.broadcast %add3A_1634 : f32 to vector<16xf32>
        %add3A_1636 = arith.addf %mul3A_1633, %add3A_1635 : vector<16xf32>
        %mul3A_1637 = arith.mulf %add3A_1636, %sub3A_1618 : vector<16xf32>
        %add3A_1638 = arith.constant -0.720386624 : f32
        %add3A_1639 = vector.broadcast %add3A_1638 : f32 to vector<16xf32>
        %add3A_1640 = arith.addf %mul3A_1637, %add3A_1639 : vector<16xf32>
        %mul3A_1641 = arith.mulf %add3A_1640, %sub3A_1618 : vector<16xf32>
        %add3A_1642 = arith.constant 1.44265211 : f32
        %add3A_1643 = vector.broadcast %add3A_1642 : f32 to vector<16xf32>
        %add3A_1644 = arith.addf %mul3A_1641, %add3A_1643 : vector<16xf32>
        %mul3A_1645 = arith.mulf %add3A_1644, %sub3A_1618 : vector<16xf32>
        %add3A_1646 = arith.constant 3.19697818E-7 : f32
        %add3A_1647 = vector.broadcast %add3A_1646 : f32 to vector<16xf32>
        %add3A_1648 = arith.addf %mul3A_1645, %add3A_1647 : vector<16xf32>
        %sub3A_1649 = arith.constant 1.270000e+02 : f32
        %sub3A_1650 = vector.broadcast %sub3A_1649 : f32 to vector<16xf32>
        %sub3A_1651 = arith.subf %add3A_1648, %sub3A_1650 : vector<16xf32>
        %add3A_1652 = arith.addf %convert_element_type3A_1608, %sub3A_1651 : vector<16xf32>
        %add3A_1653 = arith.addf %add3A_1585, %add3A_1652 : vector<16xf32>
        %get3A_1654 = arith.index_cast %scan3A_28 : i32 to index
        %get3A_1655 = arith.constant 384 : index
        %get3A_1656 = tpu.vector_load %arg5[%get3A_1654, %get3A_1655] {strides = array<i32>} : memref<32x512xf32, #tpu.memory_space<vmem>>, vector<1x16xf32>,
        %get3A_1657 = vector.shape_cast %get3A_1656 : vector<1x16xf32> to vector<16xf32>
        %get3A_1658 = arith.index_cast %scan3A_28 : i32 to index
        %get3A_1659 = arith.constant 384 : index
        %get3A_1660 = tpu.vector_load %arg6[%get3A_1658, %get3A_1659] {strides = array<i32>} : memref<32x512xi32, #tpu.memory_space<vmem>>, vector<1x16xi32>,
        %get3A_1661 = vector.shape_cast %get3A_1660 : vector<1x16xi32> to vector<16xi32>
        %eq3A_1662 = arith.constant 1 : i32
        %eq3A_1663 = vector.broadcast %eq3A_1662 : i32 to vector<16xi32>
        %eq3A_1664 = arith.cmpi eq, %get3A_1661, %eq3A_1663 : vector<16xi32>
        %sub3A_1665 = arith.constant 1.000000e+00 : f32
        %sub3A_1666 = vector.broadcast %sub3A_1665 : f32 to vector<16xf32>
        %sub3A_1667 = arith.subf %sub3A_1666, %get3A_1657 : vector<16xf32>
        %select_n3A_1668 = arith.select %eq3A_1664, %get3A_1657, %sub3A_1667 : vector<16xi1>, vector<16xf32>
        %max3A_1669 = arith.constant 1.000000e-07 : f32
        %max3A_1670 = vector.broadcast %max3A_1669 : f32 to vector<16xf32>
        %max3A_1671 = arith.maximumf %select_n3A_1668, %max3A_1670 : vector<16xf32>
        %bitcast_convert_type3A_1672 = tpu.bitcast %max3A_1671 : vector<16xf32> -> vector<16xi32>
        %shift_right_logical3A_1673 = arith.constant 23 : i32
        %shift_right_logical3A_1674 = vector.broadcast %shift_right_logical3A_1673 : i32 to vector<16xi32>
        %shift_right_logical3A_1675 = arith.shrui %bitcast_convert_type3A_1672, %shift_right_logical3A_1674 : vector<16xi32>
        %convert_element_type3A_1676 = arith.sitofp %shift_right_logical3A_1675 : vector<16xi32> to vector<16xf32>
        %and3A_1677 = arith.constant 8388607 : i32
        %and3A_1678 = vector.broadcast %and3A_1677 : i32 to vector<16xi32>
        %and3A_1679 = arith.andi %bitcast_convert_type3A_1672, %and3A_1678 : vector<16xi32>
        %or3A_1680 = arith.constant 1065353216 : i32
        %or3A_1681 = vector.broadcast %or3A_1680 : i32 to vector<16xi32>
        %or3A_1682 = arith.ori %and3A_1679, %or3A_1681 : vector<16xi32>
        %bitcast_convert_type3A_1683 = tpu.bitcast %or3A_1682 : vector<16xi32> -> vector<16xf32>
        %sub3A_1684 = arith.constant 1.000000e+00 : f32
        %sub3A_1685 = vector.broadcast %sub3A_1684 : f32 to vector<16xf32>
        %sub3A_1686 = arith.subf %bitcast_convert_type3A_1683, %sub3A_1685 : vector<16xf32>
        %mul3A_1687 = arith.constant 0.0147787211 : f32
        %mul3A_1688 = vector.broadcast %mul3A_1687 : f32 to vector<16xf32>
        %mul3A_1689 = arith.mulf %mul3A_1688, %sub3A_1686 : vector<16xf32>
        %add3A_1690 = arith.constant -0.076848723 : f32
        %add3A_1691 = vector.broadcast %add3A_1690 : f32 to vector<16xf32>
        %add3A_1692 = arith.addf %mul3A_1689, %add3A_1691 : vector<16xf32>
        %mul3A_1693 = arith.mulf %add3A_1692, %sub3A_1686 : vector<16xf32>
        %add3A_1694 = arith.constant 0.190420836 : f32
        %add3A_1695 = vector.broadcast %add3A_1694 : f32 to vector<16xf32>
        %add3A_1696 = arith.addf %mul3A_1693, %add3A_1695 : vector<16xf32>
        %mul3A_1697 = arith.mulf %add3A_1696, %sub3A_1686 : vector<16xf32>
        %add3A_1698 = arith.constant -0.323115945 : f32
        %add3A_1699 = vector.broadcast %add3A_1698 : f32 to vector<16xf32>
        %add3A_1700 = arith.addf %mul3A_1697, %add3A_1699 : vector<16xf32>
        %mul3A_1701 = arith.mulf %add3A_1700, %sub3A_1686 : vector<16xf32>
        %add3A_1702 = arith.constant 0.47249952 : f32
        %add3A_1703 = vector.broadcast %add3A_1702 : f32 to vector<16xf32>
        %add3A_1704 = arith.addf %mul3A_1701, %add3A_1703 : vector<16xf32>
        %mul3A_1705 = arith.mulf %add3A_1704, %sub3A_1686 : vector<16xf32>
        %add3A_1706 = arith.constant -0.720386624 : f32
        %add3A_1707 = vector.broadcast %add3A_1706 : f32 to vector<16xf32>
        %add3A_1708 = arith.addf %mul3A_1705, %add3A_1707 : vector<16xf32>
        %mul3A_1709 = arith.mulf %add3A_1708, %sub3A_1686 : vector<16xf32>
        %add3A_1710 = arith.constant 1.44265211 : f32
        %add3A_1711 = vector.broadcast %add3A_1710 : f32 to vector<16xf32>
        %add3A_1712 = arith.addf %mul3A_1709, %add3A_1711 : vector<16xf32>
        %mul3A_1713 = arith.mulf %add3A_1712, %sub3A_1686 : vector<16xf32>
        %add3A_1714 = arith.constant 3.19697818E-7 : f32
        %add3A_1715 = vector.broadcast %add3A_1714 : f32 to vector<16xf32>
        %add3A_1716 = arith.addf %mul3A_1713, %add3A_1715 : vector<16xf32>
        %sub3A_1717 = arith.constant 1.270000e+02 : f32
        %sub3A_1718 = vector.broadcast %sub3A_1717 : f32 to vector<16xf32>
        %sub3A_1719 = arith.subf %add3A_1716, %sub3A_1718 : vector<16xf32>
        %add3A_1720 = arith.addf %convert_element_type3A_1676, %sub3A_1719 : vector<16xf32>
        %add3A_1721 = arith.addf %add3A_1653, %add3A_1720 : vector<16xf32>
        %get3A_1722 = arith.index_cast %scan3A_28 : i32 to index
        %get3A_1723 = arith.constant 400 : index
        %get3A_1724 = tpu.vector_load %arg5[%get3A_1722, %get3A_1723] {strides = array<i32>} : memref<32x512xf32, #tpu.memory_space<vmem>>, vector<1x16xf32>,
        %get3A_1725 = vector.shape_cast %get3A_1724 : vector<1x16xf32> to vector<16xf32>
        %get3A_1726 = arith.index_cast %scan3A_28 : i32 to index
        %get3A_1727 = arith.constant 400 : index
        %get3A_1728 = tpu.vector_load %arg6[%get3A_1726, %get3A_1727] {strides = array<i32>} : memref<32x512xi32, #tpu.memory_space<vmem>>, vector<1x16xi32>,
        %get3A_1729 = vector.shape_cast %get3A_1728 : vector<1x16xi32> to vector<16xi32>
        %eq3A_1730 = arith.constant 1 : i32
        %eq3A_1731 = vector.broadcast %eq3A_1730 : i32 to vector<16xi32>
        %eq3A_1732 = arith.cmpi eq, %get3A_1729, %eq3A_1731 : vector<16xi32>
        %sub3A_1733 = arith.constant 1.000000e+00 : f32
        %sub3A_1734 = vector.broadcast %sub3A_1733 : f32 to vector<16xf32>
        %sub3A_1735 = arith.subf %sub3A_1734, %get3A_1725 : vector<16xf32>
        %select_n3A_1736 = arith.select %eq3A_1732, %get3A_1725, %sub3A_1735 : vector<16xi1>, vector<16xf32>
        %max3A_1737 = arith.constant 1.000000e-07 : f32
        %max3A_1738 = vector.broadcast %max3A_1737 : f32 to vector<16xf32>
        %max3A_1739 = arith.maximumf %select_n3A_1736, %max3A_1738 : vector<16xf32>
        %bitcast_convert_type3A_1740 = tpu.bitcast %max3A_1739 : vector<16xf32> -> vector<16xi32>
        %shift_right_logical3A_1741 = arith.constant 23 : i32
        %shift_right_logical3A_1742 = vector.broadcast %shift_right_logical3A_1741 : i32 to vector<16xi32>
        %shift_right_logical3A_1743 = arith.shrui %bitcast_convert_type3A_1740, %shift_right_logical3A_1742 : vector<16xi32>
        %convert_element_type3A_1744 = arith.sitofp %shift_right_logical3A_1743 : vector<16xi32> to vector<16xf32>
        %and3A_1745 = arith.constant 8388607 : i32
        %and3A_1746 = vector.broadcast %and3A_1745 : i32 to vector<16xi32>
        %and3A_1747 = arith.andi %bitcast_convert_type3A_1740, %and3A_1746 : vector<16xi32>
        %or3A_1748 = arith.constant 1065353216 : i32
        %or3A_1749 = vector.broadcast %or3A_1748 : i32 to vector<16xi32>
        %or3A_1750 = arith.ori %and3A_1747, %or3A_1749 : vector<16xi32>
        %bitcast_convert_type3A_1751 = tpu.bitcast %or3A_1750 : vector<16xi32> -> vector<16xf32>
        %sub3A_1752 = arith.constant 1.000000e+00 : f32
        %sub3A_1753 = vector.broadcast %sub3A_1752 : f32 to vector<16xf32>
        %sub3A_1754 = arith.subf %bitcast_convert_type3A_1751, %sub3A_1753 : vector<16xf32>
        %mul3A_1755 = arith.constant 0.0147787211 : f32
        %mul3A_1756 = vector.broadcast %mul3A_1755 : f32 to vector<16xf32>
        %mul3A_1757 = arith.mulf %mul3A_1756, %sub3A_1754 : vector<16xf32>
        %add3A_1758 = arith.constant -0.076848723 : f32
        %add3A_1759 = vector.broadcast %add3A_1758 : f32 to vector<16xf32>
        %add3A_1760 = arith.addf %mul3A_1757, %add3A_1759 : vector<16xf32>
        %mul3A_1761 = arith.mulf %add3A_1760, %sub3A_1754 : vector<16xf32>
        %add3A_1762 = arith.constant 0.190420836 : f32
        %add3A_1763 = vector.broadcast %add3A_1762 : f32 to vector<16xf32>
        %add3A_1764 = arith.addf %mul3A_1761, %add3A_1763 : vector<16xf32>
        %mul3A_1765 = arith.mulf %add3A_1764, %sub3A_1754 : vector<16xf32>
        %add3A_1766 = arith.constant -0.323115945 : f32
        %add3A_1767 = vector.broadcast %add3A_1766 : f32 to vector<16xf32>
        %add3A_1768 = arith.addf %mul3A_1765, %add3A_1767 : vector<16xf32>
        %mul3A_1769 = arith.mulf %add3A_1768, %sub3A_1754 : vector<16xf32>
        %add3A_1770 = arith.constant 0.47249952 : f32
        %add3A_1771 = vector.broadcast %add3A_1770 : f32 to vector<16xf32>
        %add3A_1772 = arith.addf %mul3A_1769, %add3A_1771 : vector<16xf32>
        %mul3A_1773 = arith.mulf %add3A_1772, %sub3A_1754 : vector<16xf32>
        %add3A_1774 = arith.constant -0.720386624 : f32
        %add3A_1775 = vector.broadcast %add3A_1774 : f32 to vector<16xf32>
        %add3A_1776 = arith.addf %mul3A_1773, %add3A_1775 : vector<16xf32>
        %mul3A_1777 = arith.mulf %add3A_1776, %sub3A_1754 : vector<16xf32>
        %add3A_1778 = arith.constant 1.44265211 : f32
        %add3A_1779 = vector.broadcast %add3A_1778 : f32 to vector<16xf32>
        %add3A_1780 = arith.addf %mul3A_1777, %add3A_1779 : vector<16xf32>
        %mul3A_1781 = arith.mulf %add3A_1780, %sub3A_1754 : vector<16xf32>
        %add3A_1782 = arith.constant 3.19697818E-7 : f32
        %add3A_1783 = vector.broadcast %add3A_1782 : f32 to vector<16xf32>
        %add3A_1784 = arith.addf %mul3A_1781, %add3A_1783 : vector<16xf32>
        %sub3A_1785 = arith.constant 1.270000e+02 : f32
        %sub3A_1786 = vector.broadcast %sub3A_1785 : f32 to vector<16xf32>
        %sub3A_1787 = arith.subf %add3A_1784, %sub3A_1786 : vector<16xf32>
        %add3A_1788 = arith.addf %convert_element_type3A_1744, %sub3A_1787 : vector<16xf32>
        %add3A_1789 = arith.addf %add3A_1721, %add3A_1788 : vector<16xf32>
        %get3A_1790 = arith.index_cast %scan3A_28 : i32 to index
        %get3A_1791 = arith.constant 416 : index
        %get3A_1792 = tpu.vector_load %arg5[%get3A_1790, %get3A_1791] {strides = array<i32>} : memref<32x512xf32, #tpu.memory_space<vmem>>, vector<1x16xf32>,
        %get3A_1793 = vector.shape_cast %get3A_1792 : vector<1x16xf32> to vector<16xf32>
        %get3A_1794 = arith.index_cast %scan3A_28 : i32 to index
        %get3A_1795 = arith.constant 416 : index
        %get3A_1796 = tpu.vector_load %arg6[%get3A_1794, %get3A_1795] {strides = array<i32>} : memref<32x512xi32, #tpu.memory_space<vmem>>, vector<1x16xi32>,
        %get3A_1797 = vector.shape_cast %get3A_1796 : vector<1x16xi32> to vector<16xi32>
        %eq3A_1798 = arith.constant 1 : i32
        %eq3A_1799 = vector.broadcast %eq3A_1798 : i32 to vector<16xi32>
        %eq3A_1800 = arith.cmpi eq, %get3A_1797, %eq3A_1799 : vector<16xi32>
        %sub3A_1801 = arith.constant 1.000000e+00 : f32
        %sub3A_1802 = vector.broadcast %sub3A_1801 : f32 to vector<16xf32>
        %sub3A_1803 = arith.subf %sub3A_1802, %get3A_1793 : vector<16xf32>
        %select_n3A_1804 = arith.select %eq3A_1800, %get3A_1793, %sub3A_1803 : vector<16xi1>, vector<16xf32>
        %max3A_1805 = arith.constant 1.000000e-07 : f32
        %max3A_1806 = vector.broadcast %max3A_1805 : f32 to vector<16xf32>
        %max3A_1807 = arith.maximumf %select_n3A_1804, %max3A_1806 : vector<16xf32>
        %bitcast_convert_type3A_1808 = tpu.bitcast %max3A_1807 : vector<16xf32> -> vector<16xi32>
        %shift_right_logical3A_1809 = arith.constant 23 : i32
        %shift_right_logical3A_1810 = vector.broadcast %shift_right_logical3A_1809 : i32 to vector<16xi32>
        %shift_right_logical3A_1811 = arith.shrui %bitcast_convert_type3A_1808, %shift_right_logical3A_1810 : vector<16xi32>
        %convert_element_type3A_1812 = arith.sitofp %shift_right_logical3A_1811 : vector<16xi32> to vector<16xf32>
        %and3A_1813 = arith.constant 8388607 : i32
        %and3A_1814 = vector.broadcast %and3A_1813 : i32 to vector<16xi32>
        %and3A_1815 = arith.andi %bitcast_convert_type3A_1808, %and3A_1814 : vector<16xi32>
        %or3A_1816 = arith.constant 1065353216 : i32
        %or3A_1817 = vector.broadcast %or3A_1816 : i32 to vector<16xi32>
        %or3A_1818 = arith.ori %and3A_1815, %or3A_1817 : vector<16xi32>
        %bitcast_convert_type3A_1819 = tpu.bitcast %or3A_1818 : vector<16xi32> -> vector<16xf32>
        %sub3A_1820 = arith.constant 1.000000e+00 : f32
        %sub3A_1821 = vector.broadcast %sub3A_1820 : f32 to vector<16xf32>
        %sub3A_1822 = arith.subf %bitcast_convert_type3A_1819, %sub3A_1821 : vector<16xf32>
        %mul3A_1823 = arith.constant 0.0147787211 : f32
        %mul3A_1824 = vector.broadcast %mul3A_1823 : f32 to vector<16xf32>
        %mul3A_1825 = arith.mulf %mul3A_1824, %sub3A_1822 : vector<16xf32>
        %add3A_1826 = arith.constant -0.076848723 : f32
        %add3A_1827 = vector.broadcast %add3A_1826 : f32 to vector<16xf32>
        %add3A_1828 = arith.addf %mul3A_1825, %add3A_1827 : vector<16xf32>
        %mul3A_1829 = arith.mulf %add3A_1828, %sub3A_1822 : vector<16xf32>
        %add3A_1830 = arith.constant 0.190420836 : f32
        %add3A_1831 = vector.broadcast %add3A_1830 : f32 to vector<16xf32>
        %add3A_1832 = arith.addf %mul3A_1829, %add3A_1831 : vector<16xf32>
        %mul3A_1833 = arith.mulf %add3A_1832, %sub3A_1822 : vector<16xf32>
        %add3A_1834 = arith.constant -0.323115945 : f32
        %add3A_1835 = vector.broadcast %add3A_1834 : f32 to vector<16xf32>
        %add3A_1836 = arith.addf %mul3A_1833, %add3A_1835 : vector<16xf32>
        %mul3A_1837 = arith.mulf %add3A_1836, %sub3A_1822 : vector<16xf32>
        %add3A_1838 = arith.constant 0.47249952 : f32
        %add3A_1839 = vector.broadcast %add3A_1838 : f32 to vector<16xf32>
        %add3A_1840 = arith.addf %mul3A_1837, %add3A_1839 : vector<16xf32>
        %mul3A_1841 = arith.mulf %add3A_1840, %sub3A_1822 : vector<16xf32>
        %add3A_1842 = arith.constant -0.720386624 : f32
        %add3A_1843 = vector.broadcast %add3A_1842 : f32 to vector<16xf32>
        %add3A_1844 = arith.addf %mul3A_1841, %add3A_1843 : vector<16xf32>
        %mul3A_1845 = arith.mulf %add3A_1844, %sub3A_1822 : vector<16xf32>
        %add3A_1846 = arith.constant 1.44265211 : f32
        %add3A_1847 = vector.broadcast %add3A_1846 : f32 to vector<16xf32>
        %add3A_1848 = arith.addf %mul3A_1845, %add3A_1847 : vector<16xf32>
        %mul3A_1849 = arith.mulf %add3A_1848, %sub3A_1822 : vector<16xf32>
        %add3A_1850 = arith.constant 3.19697818E-7 : f32
        %add3A_1851 = vector.broadcast %add3A_1850 : f32 to vector<16xf32>
        %add3A_1852 = arith.addf %mul3A_1849, %add3A_1851 : vector<16xf32>
        %sub3A_1853 = arith.constant 1.270000e+02 : f32
        %sub3A_1854 = vector.broadcast %sub3A_1853 : f32 to vector<16xf32>
        %sub3A_1855 = arith.subf %add3A_1852, %sub3A_1854 : vector<16xf32>
        %add3A_1856 = arith.addf %convert_element_type3A_1812, %sub3A_1855 : vector<16xf32>
        %add3A_1857 = arith.addf %add3A_1789, %add3A_1856 : vector<16xf32>
        %get3A_1858 = arith.index_cast %scan3A_28 : i32 to index
        %get3A_1859 = arith.constant 432 : index
        %get3A_1860 = tpu.vector_load %arg5[%get3A_1858, %get3A_1859] {strides = array<i32>} : memref<32x512xf32, #tpu.memory_space<vmem>>, vector<1x16xf32>,
        %get3A_1861 = vector.shape_cast %get3A_1860 : vector<1x16xf32> to vector<16xf32>
        %get3A_1862 = arith.index_cast %scan3A_28 : i32 to index
        %get3A_1863 = arith.constant 432 : index
        %get3A_1864 = tpu.vector_load %arg6[%get3A_1862, %get3A_1863] {strides = array<i32>} : memref<32x512xi32, #tpu.memory_space<vmem>>, vector<1x16xi32>,
        %get3A_1865 = vector.shape_cast %get3A_1864 : vector<1x16xi32> to vector<16xi32>
        %eq3A_1866 = arith.constant 1 : i32
        %eq3A_1867 = vector.broadcast %eq3A_1866 : i32 to vector<16xi32>
        %eq3A_1868 = arith.cmpi eq, %get3A_1865, %eq3A_1867 : vector<16xi32>
        %sub3A_1869 = arith.constant 1.000000e+00 : f32
        %sub3A_1870 = vector.broadcast %sub3A_1869 : f32 to vector<16xf32>
        %sub3A_1871 = arith.subf %sub3A_1870, %get3A_1861 : vector<16xf32>
        %select_n3A_1872 = arith.select %eq3A_1868, %get3A_1861, %sub3A_1871 : vector<16xi1>, vector<16xf32>
        %max3A_1873 = arith.constant 1.000000e-07 : f32
        %max3A_1874 = vector.broadcast %max3A_1873 : f32 to vector<16xf32>
        %max3A_1875 = arith.maximumf %select_n3A_1872, %max3A_1874 : vector<16xf32>
        %bitcast_convert_type3A_1876 = tpu.bitcast %max3A_1875 : vector<16xf32> -> vector<16xi32>
        %shift_right_logical3A_1877 = arith.constant 23 : i32
        %shift_right_logical3A_1878 = vector.broadcast %shift_right_logical3A_1877 : i32 to vector<16xi32>
        %shift_right_logical3A_1879 = arith.shrui %bitcast_convert_type3A_1876, %shift_right_logical3A_1878 : vector<16xi32>
        %convert_element_type3A_1880 = arith.sitofp %shift_right_logical3A_1879 : vector<16xi32> to vector<16xf32>
        %and3A_1881 = arith.constant 8388607 : i32
        %and3A_1882 = vector.broadcast %and3A_1881 : i32 to vector<16xi32>
        %and3A_1883 = arith.andi %bitcast_convert_type3A_1876, %and3A_1882 : vector<16xi32>
        %or3A_1884 = arith.constant 1065353216 : i32
        %or3A_1885 = vector.broadcast %or3A_1884 : i32 to vector<16xi32>
        %or3A_1886 = arith.ori %and3A_1883, %or3A_1885 : vector<16xi32>
        %bitcast_convert_type3A_1887 = tpu.bitcast %or3A_1886 : vector<16xi32> -> vector<16xf32>
        %sub3A_1888 = arith.constant 1.000000e+00 : f32
        %sub3A_1889 = vector.broadcast %sub3A_1888 : f32 to vector<16xf32>
        %sub3A_1890 = arith.subf %bitcast_convert_type3A_1887, %sub3A_1889 : vector<16xf32>
        %mul3A_1891 = arith.constant 0.0147787211 : f32
        %mul3A_1892 = vector.broadcast %mul3A_1891 : f32 to vector<16xf32>
        %mul3A_1893 = arith.mulf %mul3A_1892, %sub3A_1890 : vector<16xf32>
        %add3A_1894 = arith.constant -0.076848723 : f32
        %add3A_1895 = vector.broadcast %add3A_1894 : f32 to vector<16xf32>
        %add3A_1896 = arith.addf %mul3A_1893, %add3A_1895 : vector<16xf32>
        %mul3A_1897 = arith.mulf %add3A_1896, %sub3A_1890 : vector<16xf32>
        %add3A_1898 = arith.constant 0.190420836 : f32
        %add3A_1899 = vector.broadcast %add3A_1898 : f32 to vector<16xf32>
        %add3A_1900 = arith.addf %mul3A_1897, %add3A_1899 : vector<16xf32>
        %mul3A_1901 = arith.mulf %add3A_1900, %sub3A_1890 : vector<16xf32>
        %add3A_1902 = arith.constant -0.323115945 : f32
        %add3A_1903 = vector.broadcast %add3A_1902 : f32 to vector<16xf32>
        %add3A_1904 = arith.addf %mul3A_1901, %add3A_1903 : vector<16xf32>
        %mul3A_1905 = arith.mulf %add3A_1904, %sub3A_1890 : vector<16xf32>
        %add3A_1906 = arith.constant 0.47249952 : f32
        %add3A_1907 = vector.broadcast %add3A_1906 : f32 to vector<16xf32>
        %add3A_1908 = arith.addf %mul3A_1905, %add3A_1907 : vector<16xf32>
        %mul3A_1909 = arith.mulf %add3A_1908, %sub3A_1890 : vector<16xf32>
        %add3A_1910 = arith.constant -0.720386624 : f32
        %add3A_1911 = vector.broadcast %add3A_1910 : f32 to vector<16xf32>
        %add3A_1912 = arith.addf %mul3A_1909, %add3A_1911 : vector<16xf32>
        %mul3A_1913 = arith.mulf %add3A_1912, %sub3A_1890 : vector<16xf32>
        %add3A_1914 = arith.constant 1.44265211 : f32
        %add3A_1915 = vector.broadcast %add3A_1914 : f32 to vector<16xf32>
        %add3A_1916 = arith.addf %mul3A_1913, %add3A_1915 : vector<16xf32>
        %mul3A_1917 = arith.mulf %add3A_1916, %sub3A_1890 : vector<16xf32>
        %add3A_1918 = arith.constant 3.19697818E-7 : f32
        %add3A_1919 = vector.broadcast %add3A_1918 : f32 to vector<16xf32>
        %add3A_1920 = arith.addf %mul3A_1917, %add3A_1919 : vector<16xf32>
        %sub3A_1921 = arith.constant 1.270000e+02 : f32
        %sub3A_1922 = vector.broadcast %sub3A_1921 : f32 to vector<16xf32>
        %sub3A_1923 = arith.subf %add3A_1920, %sub3A_1922 : vector<16xf32>
        %add3A_1924 = arith.addf %convert_element_type3A_1880, %sub3A_1923 : vector<16xf32>
        %add3A_1925 = arith.addf %add3A_1857, %add3A_1924 : vector<16xf32>
        %get3A_1926 = arith.index_cast %scan3A_28 : i32 to index
        %get3A_1927 = arith.constant 448 : index
        %get3A_1928 = tpu.vector_load %arg5[%get3A_1926, %get3A_1927] {strides = array<i32>} : memref<32x512xf32, #tpu.memory_space<vmem>>, vector<1x16xf32>,
        %get3A_1929 = vector.shape_cast %get3A_1928 : vector<1x16xf32> to vector<16xf32>
        %get3A_1930 = arith.index_cast %scan3A_28 : i32 to index
        %get3A_1931 = arith.constant 448 : index
        %get3A_1932 = tpu.vector_load %arg6[%get3A_1930, %get3A_1931] {strides = array<i32>} : memref<32x512xi32, #tpu.memory_space<vmem>>, vector<1x16xi32>,
        %get3A_1933 = vector.shape_cast %get3A_1932 : vector<1x16xi32> to vector<16xi32>
        %eq3A_1934 = arith.constant 1 : i32
        %eq3A_1935 = vector.broadcast %eq3A_1934 : i32 to vector<16xi32>
        %eq3A_1936 = arith.cmpi eq, %get3A_1933, %eq3A_1935 : vector<16xi32>
        %sub3A_1937 = arith.constant 1.000000e+00 : f32
        %sub3A_1938 = vector.broadcast %sub3A_1937 : f32 to vector<16xf32>
        %sub3A_1939 = arith.subf %sub3A_1938, %get3A_1929 : vector<16xf32>
        %select_n3A_1940 = arith.select %eq3A_1936, %get3A_1929, %sub3A_1939 : vector<16xi1>, vector<16xf32>
        %max3A_1941 = arith.constant 1.000000e-07 : f32
        %max3A_1942 = vector.broadcast %max3A_1941 : f32 to vector<16xf32>
        %max3A_1943 = arith.maximumf %select_n3A_1940, %max3A_1942 : vector<16xf32>
        %bitcast_convert_type3A_1944 = tpu.bitcast %max3A_1943 : vector<16xf32> -> vector<16xi32>
        %shift_right_logical3A_1945 = arith.constant 23 : i32
        %shift_right_logical3A_1946 = vector.broadcast %shift_right_logical3A_1945 : i32 to vector<16xi32>
        %shift_right_logical3A_1947 = arith.shrui %bitcast_convert_type3A_1944, %shift_right_logical3A_1946 : vector<16xi32>
        %convert_element_type3A_1948 = arith.sitofp %shift_right_logical3A_1947 : vector<16xi32> to vector<16xf32>
        %and3A_1949 = arith.constant 8388607 : i32
        %and3A_1950 = vector.broadcast %and3A_1949 : i32 to vector<16xi32>
        %and3A_1951 = arith.andi %bitcast_convert_type3A_1944, %and3A_1950 : vector<16xi32>
        %or3A_1952 = arith.constant 1065353216 : i32
        %or3A_1953 = vector.broadcast %or3A_1952 : i32 to vector<16xi32>
        %or3A_1954 = arith.ori %and3A_1951, %or3A_1953 : vector<16xi32>
        %bitcast_convert_type3A_1955 = tpu.bitcast %or3A_1954 : vector<16xi32> -> vector<16xf32>
        %sub3A_1956 = arith.constant 1.000000e+00 : f32
        %sub3A_1957 = vector.broadcast %sub3A_1956 : f32 to vector<16xf32>
        %sub3A_1958 = arith.subf %bitcast_convert_type3A_1955, %sub3A_1957 : vector<16xf32>
        %mul3A_1959 = arith.constant 0.0147787211 : f32
        %mul3A_1960 = vector.broadcast %mul3A_1959 : f32 to vector<16xf32>
        %mul3A_1961 = arith.mulf %mul3A_1960, %sub3A_1958 : vector<16xf32>
        %add3A_1962 = arith.constant -0.076848723 : f32
        %add3A_1963 = vector.broadcast %add3A_1962 : f32 to vector<16xf32>
        %add3A_1964 = arith.addf %mul3A_1961, %add3A_1963 : vector<16xf32>
        %mul3A_1965 = arith.mulf %add3A_1964, %sub3A_1958 : vector<16xf32>
        %add3A_1966 = arith.constant 0.190420836 : f32
        %add3A_1967 = vector.broadcast %add3A_1966 : f32 to vector<16xf32>
        %add3A_1968 = arith.addf %mul3A_1965, %add3A_1967 : vector<16xf32>
        %mul3A_1969 = arith.mulf %add3A_1968, %sub3A_1958 : vector<16xf32>
        %add3A_1970 = arith.constant -0.323115945 : f32
        %add3A_1971 = vector.broadcast %add3A_1970 : f32 to vector<16xf32>
        %add3A_1972 = arith.addf %mul3A_1969, %add3A_1971 : vector<16xf32>
        %mul3A_1973 = arith.mulf %add3A_1972, %sub3A_1958 : vector<16xf32>
        %add3A_1974 = arith.constant 0.47249952 : f32
        %add3A_1975 = vector.broadcast %add3A_1974 : f32 to vector<16xf32>
        %add3A_1976 = arith.addf %mul3A_1973, %add3A_1975 : vector<16xf32>
        %mul3A_1977 = arith.mulf %add3A_1976, %sub3A_1958 : vector<16xf32>
        %add3A_1978 = arith.constant -0.720386624 : f32
        %add3A_1979 = vector.broadcast %add3A_1978 : f32 to vector<16xf32>
        %add3A_1980 = arith.addf %mul3A_1977, %add3A_1979 : vector<16xf32>
        %mul3A_1981 = arith.mulf %add3A_1980, %sub3A_1958 : vector<16xf32>
        %add3A_1982 = arith.constant 1.44265211 : f32
        %add3A_1983 = vector.broadcast %add3A_1982 : f32 to vector<16xf32>
        %add3A_1984 = arith.addf %mul3A_1981, %add3A_1983 : vector<16xf32>
        %mul3A_1985 = arith.mulf %add3A_1984, %sub3A_1958 : vector<16xf32>
        %add3A_1986 = arith.constant 3.19697818E-7 : f32
        %add3A_1987 = vector.broadcast %add3A_1986 : f32 to vector<16xf32>
        %add3A_1988 = arith.addf %mul3A_1985, %add3A_1987 : vector<16xf32>
        %sub3A_1989 = arith.constant 1.270000e+02 : f32
        %sub3A_1990 = vector.broadcast %sub3A_1989 : f32 to vector<16xf32>
        %sub3A_1991 = arith.subf %add3A_1988, %sub3A_1990 : vector<16xf32>
        %add3A_1992 = arith.addf %convert_element_type3A_1948, %sub3A_1991 : vector<16xf32>
        %add3A_1993 = arith.addf %add3A_1925, %add3A_1992 : vector<16xf32>
        %get3A_1994 = arith.index_cast %scan3A_28 : i32 to index
        %get3A_1995 = arith.constant 464 : index
        %get3A_1996 = tpu.vector_load %arg5[%get3A_1994, %get3A_1995] {strides = array<i32>} : memref<32x512xf32, #tpu.memory_space<vmem>>, vector<1x16xf32>,
        %get3A_1997 = vector.shape_cast %get3A_1996 : vector<1x16xf32> to vector<16xf32>
        %get3A_1998 = arith.index_cast %scan3A_28 : i32 to index
        %get3A_1999 = arith.constant 464 : index
        %get3A_2000 = tpu.vector_load %arg6[%get3A_1998, %get3A_1999] {strides = array<i32>} : memref<32x512xi32, #tpu.memory_space<vmem>>, vector<1x16xi32>,
        %get3A_2001 = vector.shape_cast %get3A_2000 : vector<1x16xi32> to vector<16xi32>
        %eq3A_2002 = arith.constant 1 : i32
        %eq3A_2003 = vector.broadcast %eq3A_2002 : i32 to vector<16xi32>
        %eq3A_2004 = arith.cmpi eq, %get3A_2001, %eq3A_2003 : vector<16xi32>
        %sub3A_2005 = arith.constant 1.000000e+00 : f32
        %sub3A_2006 = vector.broadcast %sub3A_2005 : f32 to vector<16xf32>
        %sub3A_2007 = arith.subf %sub3A_2006, %get3A_1997 : vector<16xf32>
        %select_n3A_2008 = arith.select %eq3A_2004, %get3A_1997, %sub3A_2007 : vector<16xi1>, vector<16xf32>
        %max3A_2009 = arith.constant 1.000000e-07 : f32
        %max3A_2010 = vector.broadcast %max3A_2009 : f32 to vector<16xf32>
        %max3A_2011 = arith.maximumf %select_n3A_2008, %max3A_2010 : vector<16xf32>
        %bitcast_convert_type3A_2012 = tpu.bitcast %max3A_2011 : vector<16xf32> -> vector<16xi32>
        %shift_right_logical3A_2013 = arith.constant 23 : i32
        %shift_right_logical3A_2014 = vector.broadcast %shift_right_logical3A_2013 : i32 to vector<16xi32>
        %shift_right_logical3A_2015 = arith.shrui %bitcast_convert_type3A_2012, %shift_right_logical3A_2014 : vector<16xi32>
        %convert_element_type3A_2016 = arith.sitofp %shift_right_logical3A_2015 : vector<16xi32> to vector<16xf32>
        %and3A_2017 = arith.constant 8388607 : i32
        %and3A_2018 = vector.broadcast %and3A_2017 : i32 to vector<16xi32>
        %and3A_2019 = arith.andi %bitcast_convert_type3A_2012, %and3A_2018 : vector<16xi32>
        %or3A_2020 = arith.constant 1065353216 : i32
        %or3A_2021 = vector.broadcast %or3A_2020 : i32 to vector<16xi32>
        %or3A_2022 = arith.ori %and3A_2019, %or3A_2021 : vector<16xi32>
        %bitcast_convert_type3A_2023 = tpu.bitcast %or3A_2022 : vector<16xi32> -> vector<16xf32>
        %sub3A_2024 = arith.constant 1.000000e+00 : f32
        %sub3A_2025 = vector.broadcast %sub3A_2024 : f32 to vector<16xf32>
        %sub3A_2026 = arith.subf %bitcast_convert_type3A_2023, %sub3A_2025 : vector<16xf32>
        %mul3A_2027 = arith.constant 0.0147787211 : f32
        %mul3A_2028 = vector.broadcast %mul3A_2027 : f32 to vector<16xf32>
        %mul3A_2029 = arith.mulf %mul3A_2028, %sub3A_2026 : vector<16xf32>
        %add3A_2030 = arith.constant -0.076848723 : f32
        %add3A_2031 = vector.broadcast %add3A_2030 : f32 to vector<16xf32>
        %add3A_2032 = arith.addf %mul3A_2029, %add3A_2031 : vector<16xf32>
        %mul3A_2033 = arith.mulf %add3A_2032, %sub3A_2026 : vector<16xf32>
        %add3A_2034 = arith.constant 0.190420836 : f32
        %add3A_2035 = vector.broadcast %add3A_2034 : f32 to vector<16xf32>
        %add3A_2036 = arith.addf %mul3A_2033, %add3A_2035 : vector<16xf32>
        %mul3A_2037 = arith.mulf %add3A_2036, %sub3A_2026 : vector<16xf32>
        %add3A_2038 = arith.constant -0.323115945 : f32
        %add3A_2039 = vector.broadcast %add3A_2038 : f32 to vector<16xf32>
        %add3A_2040 = arith.addf %mul3A_2037, %add3A_2039 : vector<16xf32>
        %mul3A_2041 = arith.mulf %add3A_2040, %sub3A_2026 : vector<16xf32>
        %add3A_2042 = arith.constant 0.47249952 : f32
        %add3A_2043 = vector.broadcast %add3A_2042 : f32 to vector<16xf32>
        %add3A_2044 = arith.addf %mul3A_2041, %add3A_2043 : vector<16xf32>
        %mul3A_2045 = arith.mulf %add3A_2044, %sub3A_2026 : vector<16xf32>
        %add3A_2046 = arith.constant -0.720386624 : f32
        %add3A_2047 = vector.broadcast %add3A_2046 : f32 to vector<16xf32>
        %add3A_2048 = arith.addf %mul3A_2045, %add3A_2047 : vector<16xf32>
        %mul3A_2049 = arith.mulf %add3A_2048, %sub3A_2026 : vector<16xf32>
        %add3A_2050 = arith.constant 1.44265211 : f32
        %add3A_2051 = vector.broadcast %add3A_2050 : f32 to vector<16xf32>
        %add3A_2052 = arith.addf %mul3A_2049, %add3A_2051 : vector<16xf32>
        %mul3A_2053 = arith.mulf %add3A_2052, %sub3A_2026 : vector<16xf32>
        %add3A_2054 = arith.constant 3.19697818E-7 : f32
        %add3A_2055 = vector.broadcast %add3A_2054 : f32 to vector<16xf32>
        %add3A_2056 = arith.addf %mul3A_2053, %add3A_2055 : vector<16xf32>
        %sub3A_2057 = arith.constant 1.270000e+02 : f32
        %sub3A_2058 = vector.broadcast %sub3A_2057 : f32 to vector<16xf32>
        %sub3A_2059 = arith.subf %add3A_2056, %sub3A_2058 : vector<16xf32>
        %add3A_2060 = arith.addf %convert_element_type3A_2016, %sub3A_2059 : vector<16xf32>
        %add3A_2061 = arith.addf %add3A_1993, %add3A_2060 : vector<16xf32>
        %get3A_2062 = arith.index_cast %scan3A_28 : i32 to index
        %get3A_2063 = arith.constant 480 : index
        %get3A_2064 = tpu.vector_load %arg5[%get3A_2062, %get3A_2063] {strides = array<i32>} : memref<32x512xf32, #tpu.memory_space<vmem>>, vector<1x16xf32>,
        %get3A_2065 = vector.shape_cast %get3A_2064 : vector<1x16xf32> to vector<16xf32>
        %get3A_2066 = arith.index_cast %scan3A_28 : i32 to index
        %get3A_2067 = arith.constant 480 : index
        %get3A_2068 = tpu.vector_load %arg6[%get3A_2066, %get3A_2067] {strides = array<i32>} : memref<32x512xi32, #tpu.memory_space<vmem>>, vector<1x16xi32>,
        %get3A_2069 = vector.shape_cast %get3A_2068 : vector<1x16xi32> to vector<16xi32>
        %eq3A_2070 = arith.constant 1 : i32
        %eq3A_2071 = vector.broadcast %eq3A_2070 : i32 to vector<16xi32>
        %eq3A_2072 = arith.cmpi eq, %get3A_2069, %eq3A_2071 : vector<16xi32>
        %sub3A_2073 = arith.constant 1.000000e+00 : f32
        %sub3A_2074 = vector.broadcast %sub3A_2073 : f32 to vector<16xf32>
        %sub3A_2075 = arith.subf %sub3A_2074, %get3A_2065 : vector<16xf32>
        %select_n3A_2076 = arith.select %eq3A_2072, %get3A_2065, %sub3A_2075 : vector<16xi1>, vector<16xf32>
        %max3A_2077 = arith.constant 1.000000e-07 : f32
        %max3A_2078 = vector.broadcast %max3A_2077 : f32 to vector<16xf32>
        %max3A_2079 = arith.maximumf %select_n3A_2076, %max3A_2078 : vector<16xf32>
        %bitcast_convert_type3A_2080 = tpu.bitcast %max3A_2079 : vector<16xf32> -> vector<16xi32>
        %shift_right_logical3A_2081 = arith.constant 23 : i32
        %shift_right_logical3A_2082 = vector.broadcast %shift_right_logical3A_2081 : i32 to vector<16xi32>
        %shift_right_logical3A_2083 = arith.shrui %bitcast_convert_type3A_2080, %shift_right_logical3A_2082 : vector<16xi32>
        %convert_element_type3A_2084 = arith.sitofp %shift_right_logical3A_2083 : vector<16xi32> to vector<16xf32>
        %and3A_2085 = arith.constant 8388607 : i32
        %and3A_2086 = vector.broadcast %and3A_2085 : i32 to vector<16xi32>
        %and3A_2087 = arith.andi %bitcast_convert_type3A_2080, %and3A_2086 : vector<16xi32>
        %or3A_2088 = arith.constant 1065353216 : i32
        %or3A_2089 = vector.broadcast %or3A_2088 : i32 to vector<16xi32>
        %or3A_2090 = arith.ori %and3A_2087, %or3A_2089 : vector<16xi32>
        %bitcast_convert_type3A_2091 = tpu.bitcast %or3A_2090 : vector<16xi32> -> vector<16xf32>
        %sub3A_2092 = arith.constant 1.000000e+00 : f32
        %sub3A_2093 = vector.broadcast %sub3A_2092 : f32 to vector<16xf32>
        %sub3A_2094 = arith.subf %bitcast_convert_type3A_2091, %sub3A_2093 : vector<16xf32>
        %mul3A_2095 = arith.constant 0.0147787211 : f32
        %mul3A_2096 = vector.broadcast %mul3A_2095 : f32 to vector<16xf32>
        %mul3A_2097 = arith.mulf %mul3A_2096, %sub3A_2094 : vector<16xf32>
        %add3A_2098 = arith.constant -0.076848723 : f32
        %add3A_2099 = vector.broadcast %add3A_2098 : f32 to vector<16xf32>
        %add3A_2100 = arith.addf %mul3A_2097, %add3A_2099 : vector<16xf32>
        %mul3A_2101 = arith.mulf %add3A_2100, %sub3A_2094 : vector<16xf32>
        %add3A_2102 = arith.constant 0.190420836 : f32
        %add3A_2103 = vector.broadcast %add3A_2102 : f32 to vector<16xf32>
        %add3A_2104 = arith.addf %mul3A_2101, %add3A_2103 : vector<16xf32>
        %mul3A_2105 = arith.mulf %add3A_2104, %sub3A_2094 : vector<16xf32>
        %add3A_2106 = arith.constant -0.323115945 : f32
        %add3A_2107 = vector.broadcast %add3A_2106 : f32 to vector<16xf32>
        %add3A_2108 = arith.addf %mul3A_2105, %add3A_2107 : vector<16xf32>
        %mul3A_2109 = arith.mulf %add3A_2108, %sub3A_2094 : vector<16xf32>
        %add3A_2110 = arith.constant 0.47249952 : f32
        %add3A_2111 = vector.broadcast %add3A_2110 : f32 to vector<16xf32>
        %add3A_2112 = arith.addf %mul3A_2109, %add3A_2111 : vector<16xf32>
        %mul3A_2113 = arith.mulf %add3A_2112, %sub3A_2094 : vector<16xf32>
        %add3A_2114 = arith.constant -0.720386624 : f32
        %add3A_2115 = vector.broadcast %add3A_2114 : f32 to vector<16xf32>
        %add3A_2116 = arith.addf %mul3A_2113, %add3A_2115 : vector<16xf32>
        %mul3A_2117 = arith.mulf %add3A_2116, %sub3A_2094 : vector<16xf32>
        %add3A_2118 = arith.constant 1.44265211 : f32
        %add3A_2119 = vector.broadcast %add3A_2118 : f32 to vector<16xf32>
        %add3A_2120 = arith.addf %mul3A_2117, %add3A_2119 : vector<16xf32>
        %mul3A_2121 = arith.mulf %add3A_2120, %sub3A_2094 : vector<16xf32>
        %add3A_2122 = arith.constant 3.19697818E-7 : f32
        %add3A_2123 = vector.broadcast %add3A_2122 : f32 to vector<16xf32>
        %add3A_2124 = arith.addf %mul3A_2121, %add3A_2123 : vector<16xf32>
        %sub3A_2125 = arith.constant 1.270000e+02 : f32
        %sub3A_2126 = vector.broadcast %sub3A_2125 : f32 to vector<16xf32>
        %sub3A_2127 = arith.subf %add3A_2124, %sub3A_2126 : vector<16xf32>
        %add3A_2128 = arith.addf %convert_element_type3A_2084, %sub3A_2127 : vector<16xf32>
        %add3A_2129 = arith.addf %add3A_2061, %add3A_2128 : vector<16xf32>
        %get3A_2130 = arith.index_cast %scan3A_28 : i32 to index
        %get3A_2131 = arith.constant 496 : index
        %get3A_2132 = tpu.vector_load %arg5[%get3A_2130, %get3A_2131] {strides = array<i32>} : memref<32x512xf32, #tpu.memory_space<vmem>>, vector<1x16xf32>,
        %get3A_2133 = vector.shape_cast %get3A_2132 : vector<1x16xf32> to vector<16xf32>
        %get3A_2134 = arith.index_cast %scan3A_28 : i32 to index
        %get3A_2135 = arith.constant 496 : index
        %get3A_2136 = tpu.vector_load %arg6[%get3A_2134, %get3A_2135] {strides = array<i32>} : memref<32x512xi32, #tpu.memory_space<vmem>>, vector<1x16xi32>,
        %get3A_2137 = vector.shape_cast %get3A_2136 : vector<1x16xi32> to vector<16xi32>
        %eq3A_2138 = arith.constant 1 : i32
        %eq3A_2139 = vector.broadcast %eq3A_2138 : i32 to vector<16xi32>
        %eq3A_2140 = arith.cmpi eq, %get3A_2137, %eq3A_2139 : vector<16xi32>
        %sub3A_2141 = arith.constant 1.000000e+00 : f32
        %sub3A_2142 = vector.broadcast %sub3A_2141 : f32 to vector<16xf32>
        %sub3A_2143 = arith.subf %sub3A_2142, %get3A_2133 : vector<16xf32>
        %select_n3A_2144 = arith.select %eq3A_2140, %get3A_2133, %sub3A_2143 : vector<16xi1>, vector<16xf32>
        %max3A_2145 = arith.constant 1.000000e-07 : f32
        %max3A_2146 = vector.broadcast %max3A_2145 : f32 to vector<16xf32>
        %max3A_2147 = arith.maximumf %select_n3A_2144, %max3A_2146 : vector<16xf32>
        %bitcast_convert_type3A_2148 = tpu.bitcast %max3A_2147 : vector<16xf32> -> vector<16xi32>
        %shift_right_logical3A_2149 = arith.constant 23 : i32
        %shift_right_logical3A_2150 = vector.broadcast %shift_right_logical3A_2149 : i32 to vector<16xi32>
        %shift_right_logical3A_2151 = arith.shrui %bitcast_convert_type3A_2148, %shift_right_logical3A_2150 : vector<16xi32>
        %convert_element_type3A_2152 = arith.sitofp %shift_right_logical3A_2151 : vector<16xi32> to vector<16xf32>
        %and3A_2153 = arith.constant 8388607 : i32
        %and3A_2154 = vector.broadcast %and3A_2153 : i32 to vector<16xi32>
        %and3A_2155 = arith.andi %bitcast_convert_type3A_2148, %and3A_2154 : vector<16xi32>
        %or3A_2156 = arith.constant 1065353216 : i32
        %or3A_2157 = vector.broadcast %or3A_2156 : i32 to vector<16xi32>
        %or3A_2158 = arith.ori %and3A_2155, %or3A_2157 : vector<16xi32>
        %bitcast_convert_type3A_2159 = tpu.bitcast %or3A_2158 : vector<16xi32> -> vector<16xf32>
        %sub3A_2160 = arith.constant 1.000000e+00 : f32
        %sub3A_2161 = vector.broadcast %sub3A_2160 : f32 to vector<16xf32>
        %sub3A_2162 = arith.subf %bitcast_convert_type3A_2159, %sub3A_2161 : vector<16xf32>
        %mul3A_2163 = arith.constant 0.0147787211 : f32
        %mul3A_2164 = vector.broadcast %mul3A_2163 : f32 to vector<16xf32>
        %mul3A_2165 = arith.mulf %mul3A_2164, %sub3A_2162 : vector<16xf32>
        %add3A_2166 = arith.constant -0.076848723 : f32
        %add3A_2167 = vector.broadcast %add3A_2166 : f32 to vector<16xf32>
        %add3A_2168 = arith.addf %mul3A_2165, %add3A_2167 : vector<16xf32>
        %mul3A_2169 = arith.mulf %add3A_2168, %sub3A_2162 : vector<16xf32>
        %add3A_2170 = arith.constant 0.190420836 : f32
        %add3A_2171 = vector.broadcast %add3A_2170 : f32 to vector<16xf32>
        %add3A_2172 = arith.addf %mul3A_2169, %add3A_2171 : vector<16xf32>
        %mul3A_2173 = arith.mulf %add3A_2172, %sub3A_2162 : vector<16xf32>
        %add3A_2174 = arith.constant -0.323115945 : f32
        %add3A_2175 = vector.broadcast %add3A_2174 : f32 to vector<16xf32>
        %add3A_2176 = arith.addf %mul3A_2173, %add3A_2175 : vector<16xf32>
        %mul3A_2177 = arith.mulf %add3A_2176, %sub3A_2162 : vector<16xf32>
        %add3A_2178 = arith.constant 0.47249952 : f32
        %add3A_2179 = vector.broadcast %add3A_2178 : f32 to vector<16xf32>
        %add3A_2180 = arith.addf %mul3A_2177, %add3A_2179 : vector<16xf32>
        %mul3A_2181 = arith.mulf %add3A_2180, %sub3A_2162 : vector<16xf32>
        %add3A_2182 = arith.constant -0.720386624 : f32
        %add3A_2183 = vector.broadcast %add3A_2182 : f32 to vector<16xf32>
        %add3A_2184 = arith.addf %mul3A_2181, %add3A_2183 : vector<16xf32>
        %mul3A_2185 = arith.mulf %add3A_2184, %sub3A_2162 : vector<16xf32>
        %add3A_2186 = arith.constant 1.44265211 : f32
        %add3A_2187 = vector.broadcast %add3A_2186 : f32 to vector<16xf32>
        %add3A_2188 = arith.addf %mul3A_2185, %add3A_2187 : vector<16xf32>
        %mul3A_2189 = arith.mulf %add3A_2188, %sub3A_2162 : vector<16xf32>
        %add3A_2190 = arith.constant 3.19697818E-7 : f32
        %add3A_2191 = vector.broadcast %add3A_2190 : f32 to vector<16xf32>
        %add3A_2192 = arith.addf %mul3A_2189, %add3A_2191 : vector<16xf32>
        %sub3A_2193 = arith.constant 1.270000e+02 : f32
        %sub3A_2194 = vector.broadcast %sub3A_2193 : f32 to vector<16xf32>
        %sub3A_2195 = arith.subf %add3A_2192, %sub3A_2194 : vector<16xf32>
        %add3A_2196 = arith.addf %convert_element_type3A_2152, %sub3A_2195 : vector<16xf32>
        %add3A_2197 = arith.addf %add3A_2129, %add3A_2196 : vector<16xf32>
        scf.yield %add3A_2197 : vector<16xf32>
      }
      %scan3A_27 = arith.constant 32 : i32
      scf.yield %scan3A_26 : vector<16xf32>
    }
    %scan3A_10 = arith.constant 2 : i32
    %swap3A = arith.constant 0 : index
    %swap3A_11 = tpu.vector_load %arg7[%swap3A] {strides = array<i32>} : memref<16xf32, #tpu.memory_space<vmem>>, vector<16xf32>,
    %swap3A_12 = vector.shape_cast %swap3A_11 : vector<16xf32> to vector<16xf32>
    %swap3A_13 = vector.shape_cast %scan3A_9 : vector<16xf32> to vector<16xf32>
    tpu.vector_store %arg7[%swap3A], %swap3A_13 {strides = array<i32>} : memref<16xf32, #tpu.memory_space<vmem>>, vector<16xf32>,
    %mul3A_14 = arith.constant 16 : i32
    %mul3A_15 = arith.muli %add3A, %mul3A_14 : i32
    %multiple_of3A = tpu.assume_multiple %mul3A_15, 16 : i32
    "tpu.region"() ({
      %run_scoped3A = tpu.sem_alloc : memref<!tpu.dma_semaphore, #tpu.memory_space<semaphore_mem>>
      %dma_start3A = tpu.memref_slice %arg4[%multiple_of3A] : memref<512xf32, #tpu.memory_space<hbm>> -> memref<16xf32, #tpu.memory_space<hbm>>
      %dma_start3A_16 = tpu.memref_slice %arg4[%multiple_of3A] : memref<512xf32, #tpu.memory_space<hbm>> -> memref<16xf32, #tpu.memory_space<hbm>>
      tpu.enqueue_dma source(%arg7 : memref<16xf32, #tpu.memory_space<vmem>>) target(%dma_start3A_16 : memref<16xf32, #tpu.memory_space<hbm>>) target_semaphore(%run_scoped3A : memref<!tpu.dma_semaphore, #tpu.memory_space<semaphore_mem>>)
      %dma_wait3A = tpu.memref_slice %arg4[%multiple_of3A] : memref<512xf32, #tpu.memory_space<hbm>> -> memref<16xf32, #tpu.memory_space<hbm>>
      %dma_wait3A_17 = tpu.memref_slice %arg4[%multiple_of3A] : memref<512xf32, #tpu.memory_space<hbm>> -> memref<16xf32, #tpu.memory_space<hbm>>
      tpu.wait_dma2 semaphore(%run_scoped3A : memref<!tpu.dma_semaphore, #tpu.memory_space<semaphore_mem>>) src(%arg7 : memref<16xf32, #tpu.memory_space<vmem>>) dst(%dma_wait3A_17 : memref<16xf32, #tpu.memory_space<hbm>>)
      tpu.yield
    }) : () -> ()
    return
  }
}

module attributes {stable_mosaic.version = 14 : i64} {
  func.func @_tc_kernel(%arg0: i32, %arg1: memref<2x1x512x512xf32, #tpu.memory_space<vmem>>, %arg2: memref<2x512x512xi32, #tpu.memory_space<vmem>>, %arg3: memref<1x1xf32, #tpu.memory_space<smem>>, %arg4: memref<512x512xf32, #tpu.memory_space<vmem>>) attributes {dimension_semantics = [#tpu.dimension_semantics<arbitrary>], iteration_bounds = array<i64: 14>, scalar_prefetch = 0 : i64, scratch_operands = 1 : i64, tpu.core_type = #tpu.core_type<tc>, window_params = [{transform_indices = @transform_0, window_bounds = array<i64: 2, 1, 512, 512>}, {transform_indices = @transform_1, window_bounds = array<i64: 2, 512, 512>}, {transform_indices = @transform_2, window_bounds = array<i64: 1, 1>}]} {
    %get3A = arith.constant 0 : index
    %get3A_0 = arith.constant 0 : index
    %get3A_1 = arith.constant 0 : index
    %get3A_2 = arith.constant 0 : index
    %get3A_3 = vector.load %arg1[%get3A, %get3A_0, %get3A_1, %get3A_2] : memref<2x1x512x512xf32, #tpu.memory_space<vmem>>, vector<1x1x512x512xf32>
    %get3A_4 = vector.shape_cast %get3A_3 : vector<1x1x512x512xf32> to vector<512x512xf32>
    %get3A_5 = arith.constant 0 : index
    %get3A_6 = arith.constant 0 : index
    %get3A_7 = arith.constant 0 : index
    %get3A_8 = vector.load %arg2[%get3A_5, %get3A_6, %get3A_7] : memref<2x512x512xi32, #tpu.memory_space<vmem>>, vector<1x512x512xi32>
    %get3A_9 = vector.shape_cast %get3A_8 : vector<1x512x512xi32> to vector<512x512xi32>
    %eq3A = arith.constant 1 : i32
    %eq3A_10 = vector.broadcast %eq3A : i32 to vector<512x512xi32>
    %eq3A_11 = arith.cmpi eq, %get3A_9, %eq3A_10 : vector<512x512xi32>
    %sub3A = arith.constant 1.000000e+00 : f32
    %sub3A_12 = vector.broadcast %sub3A : f32 to vector<512x512xf32>
    %sub3A_13 = arith.subf %sub3A_12, %get3A_4 : vector<512x512xf32>
    %select_n3A = arith.select %eq3A_11, %get3A_4, %sub3A_13 : vector<512x512xi1>, vector<512x512xf32>
    %max3A = arith.constant 1.000000e-07 : f32
    %max3A_14 = vector.broadcast %max3A : f32 to vector<512x512xf32>
    %max3A_15 = arith.maximumf %select_n3A, %max3A_14 : vector<512x512xf32>
    %log3A = math.log %max3A_15 : vector<512x512xf32>
    %log3A_16 = arith.constant 2.000000e+00 : f32
    %log3A_17 = math.log %log3A_16 : f32
    %div3A = vector.broadcast %log3A_17 : f32 to vector<512x512xf32>
    %div3A_18 = arith.divf %log3A, %div3A : vector<512x512xf32>
    %get3A_19 = arith.constant 1 : index
    %get3A_20 = arith.constant 0 : index
    %get3A_21 = arith.constant 0 : index
    %get3A_22 = arith.constant 0 : index
    %get3A_23 = vector.load %arg1[%get3A_19, %get3A_20, %get3A_21, %get3A_22] : memref<2x1x512x512xf32, #tpu.memory_space<vmem>>, vector<1x1x512x512xf32>
    %get3A_24 = vector.shape_cast %get3A_23 : vector<1x1x512x512xf32> to vector<512x512xf32>
    %get3A_25 = arith.constant 1 : index
    %get3A_26 = arith.constant 0 : index
    %get3A_27 = arith.constant 0 : index
    %get3A_28 = vector.load %arg2[%get3A_25, %get3A_26, %get3A_27] : memref<2x512x512xi32, #tpu.memory_space<vmem>>, vector<1x512x512xi32>
    %get3A_29 = vector.shape_cast %get3A_28 : vector<1x512x512xi32> to vector<512x512xi32>
    %eq3A_30 = arith.constant 1 : i32
    %eq3A_31 = vector.broadcast %eq3A_30 : i32 to vector<512x512xi32>
    %eq3A_32 = arith.cmpi eq, %get3A_29, %eq3A_31 : vector<512x512xi32>
    %sub3A_33 = arith.constant 1.000000e+00 : f32
    %sub3A_34 = vector.broadcast %sub3A_33 : f32 to vector<512x512xf32>
    %sub3A_35 = arith.subf %sub3A_34, %get3A_24 : vector<512x512xf32>
    %select_n3A_36 = arith.select %eq3A_32, %get3A_24, %sub3A_35 : vector<512x512xi1>, vector<512x512xf32>
    %max3A_37 = arith.constant 1.000000e-07 : f32
    %max3A_38 = vector.broadcast %max3A_37 : f32 to vector<512x512xf32>
    %max3A_39 = arith.maximumf %select_n3A_36, %max3A_38 : vector<512x512xf32>
    %log3A_40 = math.log %max3A_39 : vector<512x512xf32>
    %log3A_41 = arith.constant 2.000000e+00 : f32
    %log3A_42 = math.log %log3A_41 : f32
    %div3A_43 = vector.broadcast %log3A_42 : f32 to vector<512x512xf32>
    %div3A_44 = arith.divf %log3A_40, %div3A_43 : vector<512x512xf32>
    %add3A = arith.addf %div3A_18, %div3A_44 : vector<512x512xf32>
    %eq3A_45 = arith.constant 0 : i32
    %eq3A_46 = arith.cmpi eq, %arg0, %eq3A_45 : i32
    %convert_element_type3A = arith.extui %eq3A_46 : i1 to i32
    %cond3A = arith.constant 0 : i32
    %cond3A_47 = arith.cmpi ne, %convert_element_type3A, %cond3A : i32
    scf.if %cond3A_47 {
      %swap3A = arith.constant 0 : index
      %swap3A_57 = arith.constant 0 : index
      %swap3A_58 = vector.load %arg4[%swap3A, %swap3A_57] : memref<512x512xf32, #tpu.memory_space<vmem>>, vector<512x512xf32>
      tpu.vector_store %arg4[%swap3A, %swap3A_57], %add3A {strides = array<i32>} : memref<512x512xf32, #tpu.memory_space<vmem>>, vector<512x512xf32>,
    } else {
    }
    %gt3A = arith.constant 0 : i32
    %gt3A_48 = arith.cmpi sgt, %arg0, %gt3A : i32
    %convert_element_type3A_49 = arith.extui %gt3A_48 : i1 to i32
    %cond3A_50 = arith.constant 0 : i32
    %cond3A_51 = arith.cmpi ne, %convert_element_type3A_49, %cond3A_50 : i32
    scf.if %cond3A_51 {
      %get3A_57 = arith.constant 0 : index
      %get3A_58 = arith.constant 0 : index
      %get3A_59 = vector.load %arg4[%get3A_57, %get3A_58] : memref<512x512xf32, #tpu.memory_space<vmem>>, vector<512x512xf32>
      %add3A_60 = arith.addf %get3A_59, %add3A : vector<512x512xf32>
      %swap3A = arith.constant 0 : index
      %swap3A_61 = arith.constant 0 : index
      %swap3A_62 = vector.load %arg4[%swap3A, %swap3A_61] : memref<512x512xf32, #tpu.memory_space<vmem>>, vector<512x512xf32>
      tpu.vector_store %arg4[%swap3A, %swap3A_61], %add3A_60 {strides = array<i32>} : memref<512x512xf32, #tpu.memory_space<vmem>>, vector<512x512xf32>,
    } else {
    }
    %eq3A_52 = arith.constant 13 : i32
    %eq3A_53 = arith.cmpi eq, %arg0, %eq3A_52 : i32
    %convert_element_type3A_54 = arith.extui %eq3A_53 : i1 to i32
    %cond3A_55 = arith.constant 0 : i32
    %cond3A_56 = arith.cmpi ne, %convert_element_type3A_54, %cond3A_55 : i32
    scf.if %cond3A_56 {
      %get3A_57 = arith.constant 0 : index
      %get3A_58 = arith.constant 0 : index
      %get3A_59 = vector.load %arg4[%get3A_57, %get3A_58] : memref<512x512xf32, #tpu.memory_space<vmem>>, vector<512x512xf32>
      %reduce_sum3A = vector.shape_cast %get3A_59 : vector<512x512xf32> to vector<1x512x512xf32>
      %reduce_sum3A_60 = arith.constant dense<0.000000e+00> : vector<1xf32>
      %reduce_sum3A_61 = vector.multi_reduction <add>, %reduce_sum3A, %reduce_sum3A_60 [1, 2] : vector<1x512x512xf32> to vector<1xf32>
      %reduce_sum3A_62 = vector.shape_cast %reduce_sum3A_61 : vector<1xf32> to vector<1x1x1xf32>
      %reduce_sum3A_63 = vector.extract %reduce_sum3A_62[0, 0, 0] : f32 from vector<1x1x1xf32>
      %swap3A = arith.constant 0 : index
      %swap3A_64 = arith.constant 0 : index
      %swap3A_65 = memref.load %arg3[%swap3A, %swap3A_64] : memref<1x1xf32, #tpu.memory_space<smem>>
      memref.store %reduce_sum3A_63, %arg3[%swap3A, %swap3A_64] : memref<1x1xf32, #tpu.memory_space<smem>>
    } else {
    }
    return
  }
  func.func @transform_0(%arg0: i32) -> (i32, i32, i32, i32) {
    %add3A = arith.constant 2 : i32
    %add3A_0 = arith.addi %arg0, %add3A : i32
    %c0_i32 = arith.constant 0 : i32
    %c0_i32_1 = arith.constant 0 : i32
    %c0_i32_2 = arith.constant 0 : i32
    %c0_i32_3 = arith.constant 0 : i32
    return %add3A_0, %c0_i32, %c0_i32_1, %c0_i32_2 : i32, i32, i32, i32
  }
  func.func @transform_1(%arg0: i32) -> (i32, i32, i32) {
    %add3A = arith.constant 2 : i32
    %add3A_0 = arith.addi %arg0, %add3A : i32
    %c0_i32 = arith.constant 0 : i32
    %c0_i32_1 = arith.constant 0 : i32
    %c0_i32_2 = arith.constant 0 : i32
    return %add3A_0, %c0_i32, %c0_i32_1 : i32, i32, i32
  }
  func.func @transform_2(%arg0: i32) -> (i32, i32) {
    %c0_i32 = arith.constant 0 : i32
    %c0_i32_0 = arith.constant 0 : i32
    %c0_i32_1 = arith.constant 0 : i32
    return %c0_i32, %c0_i32_0 : i32, i32
  }
}

</mosaic_0001>

<sc_bundles>
// kernel: _loss.4.cloned.1.call-start
scs
__scs_entry_jumppad:
0x0: {  	(pc) =	sbr.rel $0x88, $3  }
0x1: {  	(tag) =	ssettag $0x0;
	lr =	simm.s32 $0x1  }
0x2: {  	[smem:$0x3F9F] =	sst lr;
	_ =	strace $0xD0000000  }
0x3: {  	_ = 	snop  }
0x4: {  	_ = 	snop  }
0x5: {  	_ = 	snop  }
0x6: {  	_ = 	snop  }
0x7: {  	_ = 	snop  }
__scs_overlays_trampoline_lowered:
0x8: {  	[smem:$0x3FAE] =	sst s0  }
0x9: {  	[smem:$0x3FAF] =	sst s1  }
0xa: {  	[smem:$0x3FB0] =	sst s2  }
0xb: {  	[smem:$0x3FB1] =	sst s3  }
0xc: {  	[smem:$0x3FB2] =	sst s4  }
0xd: {  	[smem:$0x3FB3] =	sst s5  }
0xe: {  	[smem:$0x3FB4] =	sst s6  }
0xf: {  	[smem:$0x3FB5] =	sst s7  }
0x10: {  	[smem:$0x3FB6] =	sst s8  }
0x11: {  	[smem:$0x3FB7] =	sst s9;
	s0 =	simm.s32 @!p0 $0x0  }
0x12: {  	s1 =	sld [smem:$0x3F9D];
	s0 =	simm.s32 @p0 $0x1  }
0x13: {  	[smem:$0x3FB8] =	sst s0;
	s0 =	simm.s32 @!p1 $0x0  }
0x14: {  	s2 =	sld [smem:$0x3F9C];
	s0 =	simm.s32 @p1 $0x1  }
0x15: {  	[smem:$0x3FB9] =	sst s0;
	s0 =	simm.s32 @!p2 $0x0  }
0x16: {  	s3 =	sld [smem:$0x3FDB];
	s0 =	simm.s32 @p2 $0x1  }
0x17: {  	s4 =	simm.s32 $0x1BF5;
	[smem:$0x3FBB] =	sst s0  }
0x18: {  	s0 =	sld [smem:$0x3F9E];
	_ =	swait.ge [sflag:s4], $0x0  }
0x19: {  	s7 =	sld [smem:$0x3F9F]  }
0x1a: {  	s8 =	sadd.s32 $0xFFFFE003, lr  }
0x1b: {  	s9 =	sadd.s32 $0xFFFFFEF7, lr;
	s5 =	simm.s32 $0xFFFFFFFF;
	p2 =	slt.u32 s8, $0xFFFFF086  }
0x1c: {  	p1 =	slt.u32 s9, $0xF7A;
	s5 =	simm.s32 @!p2 $0x0  }
0x1d: {  	s5 =	simm.s32 @p1 $0x1;
	p0 =	seq.s32 s7, s2  }
0x1e: {  	s7 =	smul.u32 @!p0 $0xF7A, s2;
	p2 =	seq.s32 @!p0 s5, $0x0  }
0x1f: {  	s9 =	smul.u32 $0xF7A, s1;
	s8 =	simm.s32 @!p0 $0x1BF5;
	p2 =	por !p2, p0  }
0x20: {  	[sflag:s8] =	ssyncset.s32 @!p0 $0xFFFFF086;
	s6 =	sadd.s32 @!p0 s3, s7;
	s7 =	simm.s32 @!p0 $0x108  }
0x21: {  	s3 =	sadd.s32 s3, s9;
	s6 =	sadd.s32 @!p0 $0x88, s6;
	s7 =	simm.s32 @p2 $0x1082  }
0x22: {  	[simem:s7], [sflag:s8] =	dma.local @!p0 [hbm:s6], $0xF7A  }
0x23: {  	s9 =	sor.u32 $0xD0000000, s2;
	s6 =	simm.s32 $0x108;
	_ =	swait.ge @!p0 [sflag:s8], $0x0  }
0x24: {  	s3 =	sadd.s32 $0x88, s3;
	s6 =	simm.s32 @!p1 $0x1082;
	[sflag:s4] =	ssyncset.s32 $0xFFFFF086  }
0x25: {  	[simem:s6], [sflag:s4] =	dma.local [hbm:s3], $0xF7A  }
0x26: {  	[smem:$0x3F9F] =	sst s1;
	(tag) =	ssettag s2;
	_ =	strace s9  }
0x27: {  	s1 =	sld [smem:$0x3FAF]  }
0x28: {  	s2 =	sld [smem:$0x3FB0]  }
0x29: {  	s4 =	sld [smem:$0x3FB2]  }
0x2a: {  	p0 =	seq.s32 s5, $0x0;
	s5 =	sld [smem:$0x3FB3]  }
0x2b: {  	s6 =	sld [smem:$0x3FB4]  }
0x2c: {  	s7 =	sld [smem:$0x3FB5]  }
0x2d: {  	s3 =	simm.s32 $0x108;
	s8 =	sld [smem:$0x3FB6]  }
0x2e: {  	s3 =	simm.s32 @!p0 $0x1082;
	s9 =	sld [smem:$0x3FB7]  }
0x2f: {  	lr =	sadd.s32 s0, s3;
	s0 =	sld [smem:$0x3FAE]  }
0x30: {  	s3 =	sld [smem:$0x3FB1]  }
0x31: {  	[smem:$0x3FBA] =	sst s10  }
0x32: {  	s10 =	sld [smem:$0x3FB8];
	_ =	sdelay $0x3  }
0x33: {  	p0 =	seq.s32 s10, $0x1;
	s10 =	sld [smem:$0x3FBA];
	_ =	sdelay $0x3  }
0x34: {  	[smem:$0x3FBA] =	sst s10  }
0x35: {  	s10 =	sld [smem:$0x3FB9];
	_ =	sdelay $0x3  }
0x36: {  	p1 =	seq.s32 s10, $0x1;
	s10 =	sld [smem:$0x3FBA];
	_ =	sdelay $0x3  }
0x37: {  	[smem:$0x3FBA] =	sst s10  }
0x38: {  	s10 =	sld [smem:$0x3FBB]  }
0x39: {  	_ = 	snop;
	(pc) =	sbr.ind lr, $3  }
0x3a: {  	_ = 	snop  }
0x3b: {  	_ = 	snop  }
0x3c: {  	p2 =	seq.s32 s10, $0x1;
	s10 =	sld [smem:$0x3FBA]  }
0x3d: {  	_ =	shalt  }
0x3e: {  	_ =	shalt  }
0x3f: {  	_ =	shalt  }
0x40: {  	_ =	shalt  }
0x41: {  	_ =	shalt  }
0x42: {  	_ =	shalt  }
0x43: {  	_ =	shalt  }
0x44: {  	_ =	shalt  }
0x45: {  	_ =	shalt  }
0x46: {  	_ =	shalt  }
0x47: {  	_ =	shalt  }
0x48: {  	_ =	shalt  }
0x49: {  	_ =	shalt  }
0x4a: {  	_ =	shalt  }
0x4b: {  	_ =	shalt  }
0x4c: {  	_ =	shalt  }
0x4d: {  	_ =	shalt  }
0x4e: {  	_ =	shalt  }
0x4f: {  	_ =	shalt  }
0x50: {  	_ =	shalt  }
0x51: {  	_ =	shalt  }
0x52: {  	_ =	shalt  }
0x53: {  	_ =	shalt  }
0x54: {  	_ =	shalt  }
0x55: {  	_ =	shalt  }
0x56: {  	_ =	shalt  }
0x57: {  	_ =	shalt  }
0x58: {  	_ =	shalt  }
0x59: {  	_ =	shalt  }
0x5a: {  	_ =	shalt  }
0x5b: {  	_ =	shalt  }
0x5c: {  	_ =	shalt  }
0x5d: {  	_ =	shalt  }
0x5e: {  	_ =	shalt  }
0x5f: {  	_ =	shalt  }
0x60: {  	_ =	shalt  }
0x61: {  	_ =	shalt  }
0x62: {  	_ =	shalt  }
0x63: {  	_ =	shalt  }
0x64: {  	_ =	shalt  }
0x65: {  	_ =	shalt  }
0x66: {  	_ =	shalt  }
0x67: {  	_ =	shalt  }
0x68: {  	_ =	shalt  }
0x69: {  	_ =	shalt  }
0x6a: {  	_ =	shalt  }
0x6b: {  	_ =	shalt  }
0x6c: {  	_ =	shalt  }
0x6d: {  	_ =	shalt  }
0x6e: {  	_ =	shalt  }
0x6f: {  	_ =	shalt  }
0x70: {  	_ =	shalt  }
0x71: {  	_ =	shalt  }
0x72: {  	_ =	shalt  }
0x73: {  	_ =	shalt  }
0x74: {  	_ =	shalt  }
0x75: {  	_ =	shalt  }
0x76: {  	_ =	shalt  }
0x77: {  	_ =	shalt  }
0x78: {  	_ =	shalt  }
0x79: {  	_ =	shalt  }
0x7a: {  	_ =	shalt  }
0x7b: {  	_ =	shalt  }
0x7c: {  	_ =	shalt  }
0x7d: {  	_ =	shalt  }
0x7e: {  	_ =	shalt  }
0x7f: {  	_ =	shalt  }
0x80: {  	_ =	shalt  }
0x81: {  	_ =	shalt  }
0x82: {  	_ =	shalt  }
0x83: {  	_ =	shalt  }
0x84: {  	_ =	shalt  }
0x85: {  	_ =	shalt  }
0x86: {  	_ =	shalt  }
0x87: {  	_ =	shalt  }
.Lfunc_end0:
.L_simem_size_0:
called_computation_lowered:
.L_overlay_start_0:
0x88: {  	s2 =	sld [smem:$0x3FD9]  }
0x89: {  	s3 =	sld [smem:$0x3FFE];
	_ =	sdelay $0x1  }
0x8a: {  	s1 =	srdreg.scid  }
0x8b: {  	s0 =	sand.u32 $0x1, s1  }
0x8c: {  	s17 =	sshll.u32 s0, $0xA;
	s2 =	sadd.s32 s3, s2  }
0x8d: {  	s2 =	sadd.s32 s2, s17  }
0x8e: {  	[smem:$0x3FC6] =	sst s2  }
0x8f: {  	_ = 	snop  }
0x90: {  	s2 =	sld [smem:$0x3FC9]  }
0x91: {  	s18 =	sld [smem:$0x3FC8];
	(tm) =	ssettm $0x1  }
0x92: {  	s4 =	sld [smem:$0x3FFB];
	_ =	sdelay $0x3  }
0x93: {  	_ =	strace s4  }
0x94: {  	s4 =	sld [smem:$0x3FFC];
	_ =	sdelay $0x3  }
0x95: {  	_ =	strace s4  }
0x96: {  	s4 =	sld [smem:$0x3FFD];
	_ =	sdelay $0x3  }
0x97: {  	_ =	strace s4  }
0x98: {  	_ =	strace $0x8FFFFFFF  }
0x99: {  	s19 =	sld [smem:$0x3FDB];
	_ =	sdelay $0x1  }
0x9a: {  	s5 =	simm.s32 $_scs_section_size  }
0x9b: {  	s6 =	simm.s32 $_size__tile_overlayer_lowered;
	s7 =	simm.s32 $_tile_overlayer_lowered  }
0x9c: {  	s22 =	simm.s32 $0x1BFF;
	s21 =	sshll.u32 s7, $0x1;
	s4 =	sadd.s32 s5, s19  }
0x9d: {  	s8 =	simm.s32 $0x0;
	s20 =	sshll.u32 s6, $0x1;
	s6 =	sadd.s32 s21, s4  }
0x9e: {  	[timem:s8], [sflag:s22] =	dma.local [hbm:s6], s20  }
0x9f: {  	_ =	swait.ge [sflag:s22], s20  }
0xa0: {  	s5 =	ssub.s32 $0x0, s20;
	[sflag:s22] =	ssyncset.done $0x0  }
0xa1: {  	[sflag:s22] =	ssyncadd.s32 s5;
	_ =	sdelay $0x1  }
0xa2: {  	s23 =	simm.s32 $0x1B8B  }
0xa3: {  	_ =	swait.ge [sflag:s23], $0x1  }
0xa4: {  	[sflag:s23] =	ssyncset.done $0x0  }
0xa5: {  	s25 =	simm.s32 $0x1B8E;
	s24 =	sld [smem:$0x3FFE];
	[sflag:s23] =	ssyncadd.s32 $0xFFFFFFFF  }
0xa6: {  	s26 =	simm.s32 $execute0_lowered;
	[smem:$0x3FD2] =	sst s25  }
0xa7: {  	s6 =	sshll.u32 s26, $0x1;
	_ =	strace $0x80000046;
	[dreg:$0x1] =	wrdreg $0xFFFFFFFF  }
0xa8: {  	s28 =	simm.s32 $_size_execute0_lowered;
	s4 =	sadd.s32 s4, s6;
	[dreg:$0x0] =	wrdreg $0x0  }
0xa9: {  	s6 =	sshll.u32 s28, $0x1;
	[dreg:$0x2] =	wrdreg s4  }
0xaa: {  	[dreg:$0x3] =	wrdreg s6  }
0xab: {  	[dreg:$0x4] =	wrdreg $0xC0  }
0xac: {  	_ =	task [dreg:s8], $0x5FFFF  }
0xad: {  	[dreg:$0x1] =	wrdreg $0xFFFFFFFF  }
0xae: {  	[dreg:$0x0] =	wrdreg $0x60  }
0xaf: {  	[dreg:$0x2] =	wrdreg s2  }
0xb0: {  	[dreg:$0x3] =	wrdreg s18  }
0xb1: {  	[dreg:$0x4] =	wrdreg s24  }
0xb2: {  	[dreg:$0x5] =	wrdreg $0x9  }
0xb3: {  	_ =	task.clear_ibuf [dreg:s8], $0x6FFFF;
	_ =	strace $0x90000046  }
0xb4: {  	s29 =	simm.s32 $0x9;
	_ =	strace $0x80000048  }
0xb5: {  	_ =	swait.ge [sflag:s29], $0x1  }
0xb6: {  	[sflag:s29] =	ssyncadd.s32 $0xFFFFFFFF  }
0xb7: {  	_ =	strace $0x90000048  }
0xb8: {  	_ =	sfence  }
0xb9: {  	s30 =	sld [smem:$0x0];
	_ =	sdelay $0x2  }
0xba: {  	s31 =	sshll.u32 s1, $0xD;
	s1 =	sshrl.u32 s1, $0x2  }
0xbb: {  	s3 =	sand.u32 $0x4000, s31;
	s1 =	sadd.s32 s1, s30  }
0xbc: {  	s0 =	sor.u32 s3, s0;
	s1 =	sshll.u32 s1, $0x11  }
0xbd: {  	s0 =	sor.u32 s1, s0  }
0xbe: {  	s0 =	sadd.s32 $0x8F2B, s0  }
0xbf: {  	[sflag:s0] =	ssyncadd.remote.s32 $0x1  }
0xc0: {  	_ =	sfence.sel $0xFFFF  }
0xc1: {  	[dreg:$0x0] =	wrdreg $0xFFFFFFFF;
	(pc) =	sbr.abs _section_cstart, $3  }
0xc2: {  	[dreg:$0x1] =	wrdreg $0xFFFFFFFF  }
0xc3: {  	_ =	task.clear_ibuf [dreg:s8], $0x2FFFF;
	_ =	strace $0x9FFFFFFF  }
0xc4: {  	(tm) =	ssettm $0x7FFFFFFF  }
0xc5: {  	_ =	shalt  }
tec
execute0_lowered:
.L_overlay_start_1:
0x0: {  	(tag) =	ssettag $0x1  }
0x1: {  	s1 =	rddreg [dreg:$0x0]  }
0x2: {  	s2 =	rddreg [dreg:$0x1]  }
0x3: {  	s6 =	rddreg [dreg:$0x2]  }
0x4: {  	s0 =	rddreg [dreg:$0x3];
	s4 =	simm.s32 $0x0;
	s5 =	srdreg.scid  }
0x5: {  	s3 =	stileid.u32;
	s11 =	simm.s32 $0x0;
	[smem:$0x7FF] =	sst s4  }
0x6: {  	s5 =	sand.u32 $0x1, s5;
	s7 =	sshll.u32 s3, $0x1;
	s9 =	sshll.u32 s3, $0xD  }
0x7: {  	_ =	strace $0x80000047;
	s7 =	sor.u32 s5, s7;
	s5 =	ssub.s32 $0x2, s5  }
0x8: {  	s9 =	sand.u32 $0x18000, s9;
	s8 =	sshll.u32 s7, $0xC;
	s10 =	sshrl.u32 s5, $0x1  }
0x9: {  	s7 =	sshll.u32 s7, $0x1;
	s8 =	sand.u32 $0x7000, s8;
	s10 =	ssub.s32 s5, s10  }
0xa: {  	s6 =	sadd.s32 s6, s7;
	s5 =	sor.u32 s9, s8;
	s7 =	smax.u32 s10, $0x1  }
0xb: {  	s8 =	simm.s32 $0x1;
	s9 =	simm.s32 $0x4000;
	s10 =	simm.s32 $0x8000  }
.LBB2_1:
0xc: {  	p1 =	por $0x1, $0x1;
	v0 =	vimm.f32 $0.0e+00;
	s12 =	simm.s32 $0x0  }
.LBB2_2:
0xd: {  	s13 =	sor.u32 s5, s12  }
0xe: {  	[tilespmem:$0x1FC40] =	vst v0;
	s12 =	simm.s32 $0x0;
	s14 =	sadd.s32 s1, s13  }
0xf: {  	[tilespmem:s12], [sflag:$0x1] =	stream.linear.gather [hbm4b:s14+s12], $0x4000, $0x38;
	[tilespmem:$0x8080] =	vst v63  }
0x10: {  	_ =	swait.ge [sflag:s8], $0x4000  }
0x11: {  	[sflag:s8] =	ssyncset.done $0x0  }
0x12: {  	s13 =	sadd.s32 s2, s13;
	[sflag:s8] =	ssyncadd.s32 $0xFFFFC000  }
0x13: {  	[tilespmem:s9], [sflag:$0x1] =	stream.linear.gather [hbm4b:s13+s12], $0x4000, $0x38;
	[tilespmem:$0x8080] =	vst v63  }
0x14: {  	_ =	swait.ge [sflag:s8], $0x4000  }
0x15: {  	s30 =	sand.u32 $0x3000, s12;
	s31 =	sand.u32 $0x380, s12;
	[sflag:s8] =	ssyncset.done $0x0  }
0x16: {  	s13 =	sor.u32 s31, s30;
	[sflag:s8] =	ssyncadd.s32 $0xFFFFC000  }
0x17: {  	v0 =	vld [tilespmem:s13+$0x4C70]  }
0x18: {  	v1 =	vld [tilespmem:s13+$0xC70]  }
0x19: {  	v2 =	vld [tilespmem:s13+$0x4C60]  }
0x1a: {  	v3 =	vld [tilespmem:s13+$0xC60]  }
0x1b: {  	v4 =	vld [tilespmem:s13+$0x4C50]  }
0x1c: {  	v5 =	vld [tilespmem:s13+$0xC50]  }
0x1d: {  	v6 =	vld [tilespmem:s13+$0x4C40]  }
0x1e: {  	v7 =	vld [tilespmem:s13+$0xC40]  }
0x1f: {  	v8 =	vld [tilespmem:s13+$0x4C30]  }
0x20: {  	v9 =	vld [tilespmem:s13+$0xC30]  }
0x21: {  	v10 =	vld [tilespmem:s13+$0x4C20]  }
0x22: {  	v11 =	vld [tilespmem:s13+$0xC20]  }
0x23: {  	v12 =	vld [tilespmem:s13+$0x4C10]  }
0x24: {  	v13 =	vld [tilespmem:s13+$0xC10]  }
0x25: {  	v14 =	vld [tilespmem:s13+$0x4C00]  }
0x26: {  	v15 =	vld [tilespmem:s13+$0xC00]  }
0x27: {  	v16 =	vld [tilespmem:s13+$0x4870]  }
0x28: {  	v17 =	vld [tilespmem:s13+$0x870]  }
0x29: {  	v18 =	vld [tilespmem:s13+$0x4860]  }
0x2a: {  	v19 =	vld [tilespmem:s13+$0x860]  }
0x2b: {  	v20 =	vld [tilespmem:s13+$0x4850]  }
0x2c: {  	v21 =	vld [tilespmem:s13+$0x850]  }
0x2d: {  	v22 =	vld [tilespmem:s13+$0x4840]  }
0x2e: {  	v23 =	vld [tilespmem:s13+$0x840]  }
0x2f: {  	v24 =	vld [tilespmem:s13+$0x4830]  }
0x30: {  	v25 =	vld [tilespmem:s13+$0x830]  }
0x31: {  	v26 =	vld [tilespmem:s13+$0x4820]  }
0x32: {  	v27 =	vld [tilespmem:s13+$0x820]  }
0x33: {  	v28 =	vld [tilespmem:s13+$0x4810]  }
0x34: {  	v30 =	vld [tilespmem:s13+$0x4800];
	vm0 =	veq.s32 v0, $0x1;
	v0 =	vsub.f32 $1.000000000e+00, v1  }
0x35: {  	v31 =	vld [tilespmem:s13+$0x800];
	vm1 =	veq.s32 v2, $0x1;
	v2 =	vsub.f32 $1.000000000e+00, v5;
	v39 =	vsub.f32 $1.000000000e+00, v7  }
0x36: {  	v33 =	vld [tilespmem:s13+$0x470];
	v41 =	vsub.f32 $1.000000000e+00, v3;
	vm10 =	veq.s32 v6, $0x1;
	vm11 =	veq.s32 v4, $0x1  }
0x37: {  	v37 =	vld [tilespmem:s13+$0x450];
	v4 =	vsub.f32 $1.000000000e+00, v13;
	vm12 =	veq.s32 v12, $0x1;
	vm13 =	veq.s32 v10, $0x1  }
0x38: {  	v29 =	vld [tilespmem:s13+$0x810];
	v10 =	vsub.f32 $1.000000000e+00, v11;
	vm14 =	veq.s32 v8, $0x1;
	v8 =	vsub.f32 $1.000000000e+00, v9  }
0x39: {  	v32 =	vld [tilespmem:s13+$0x4470];
	vm15 =	veq.s32 v18, $0x1;
	vm4 =	veq.s32 v16, $0x1;
	vm5 =	veq.s32 v14, $0x1  }
0x3a: {  	v34 =	vld [tilespmem:s13+$0x4460];
	v14 =	vsub.f32 $1.000000000e+00, v15;
	vm6 =	veq.s32 v22, $0x1;
	vm7 =	veq.s32 v24, $0x1  }
0x3b: {  	v36 =	vld [tilespmem:s13+$0x4450];
	vm8 =	veq.s32 v20, $0x1;
	v20 =	vsub.f32 $1.000000000e+00, v31;
	vm9 =	veq.s32 v30, $0x1  }
0x3c: {  	v38 =	vld [tilespmem:s13+$0x4440];
	v30 =	vsub.f32 $1.000000000e+00, v37;
	v51 =	vsub.f32 $1.000000000e+00, v33;
	v0 =	vsel vm0, v1, v0  }
0x3d: {  	v50 =	vld [tilespmem:s13+$0x4040];
	v6 =	vsel vm10, v7, v39;
	v2 =	vsel vm11, v5, v2;
	v3 =	vsel vm1, v3, v41  }
0x3e: {  	v52 =	vld [tilespmem:s13+$0x4030];
	v4 =	vsel vm12, v13, v4;
	v13 =	vsub.f32 $1.000000000e+00, v19;
	v10 =	vsel vm13, v11, v10  }
0x3f: {  	v35 =	vld [tilespmem:s13+$0x460];
	v11 =	vsub.f32 $1.000000000e+00, v17;
	v8 =	vsel vm14, v9, v8;
	v14 =	vsel vm5, v15, v14  }
0x40: {  	v40 =	vld [tilespmem:s13+$0x440];
	v15 =	vsub.f32 $1.000000000e+00, v23;
	vm10 =	veq.s32 v28, $0x1;
	v20 =	vsel vm9, v31, v20  }
0x41: {  	v55 =	vld [tilespmem:s13+$0x4020];
	vm11 =	veq.s32 v26, $0x1;
	v26 =	vsub.f32 $1.000000000e+00, v27;
	vm12 =	veq.s32 v36, $0x1  }
0x42: {  	v12 =	vld [tilespmem:s13+$0x420];
	vm13 =	veq.s32 v34, $0x1;
	vm14 =	veq.s32 v32, $0x1;
	vm5 =	veq.s32 v38, $0x1  }
0x43: {  	v22 =	vld [tilespmem:s13+$0x4070];
	vm9 =	veq.s32 v50, $0x1;
	v32 =	vsel vm14, v33, v51;
	vm14 =	veq.s32 v52, $0x1  }
0x44: {  	v24 =	vld [tilespmem:s13+$0x70];
	v62 =	vmax.f32 v3, $1.000000010e-07;
	v3 =	vmax.f32 v6, $1.000000010e-07;
	v2 =	vmax.f32 v2, $1.000000010e-07  }
0x45: {  	v18 =	vld [tilespmem:s13+$0x410];
	v6 =	vmax.f32 v14, $1.000000010e-07;
	v4 =	vmax.f32 v4, $1.000000010e-07;
	v20 =	vmax.f32 v20, $1.000000010e-07  }
0x46: {  	v49 =	vld [tilespmem:s13+$0x4410];
	v9 =	vsel vm15, v19, v13;
	v11 =	vsel vm4, v17, v11;
	v17 =	vsub.f32 $1.000000000e+00, v21  }
0x47: {  	v1 =	vld [tilespmem:s13+$0x4430];
	v19 =	vsub.f32 $1.000000000e+00, v25;
	v15 =	vsel vm6, v23, v15;
	v23 =	vsub.f32 $1.000000000e+00, v29  }
0x48: {  	v7 =	vld [tilespmem:s13+$0x430];
	v26 =	vsel vm11, v27, v26;
	v27 =	vsel vm12, v37, v30;
	vm12 =	veq.s32 v55, $0x1  }
0x49: {  	v5 =	vld [tilespmem:s13+$0x4420];
	v53 =	vsub.f32 $1.000000000e+00, v12;
	v56 =	vsub.f32 $1.000000000e+00, v24;
	vm6 =	veq.s32 v22, $0x1  }
0x4a: {  	v28 =	vld [tilespmem:s13+$0x4050];
	v58 =	vsub.f32 $1.000000000e+00, v18;
	v9 =	vmax.f32 v9, $1.000000010e-07;
	v11 =	vmax.f32 v11, $1.000000010e-07  }
0x4b: {  	v61 =	vld [tilespmem:s13+$0x4000];
	v14 =	vmax.f32 v26, $1.000000010e-07;
	v15 =	vmax.f32 v15, $1.000000010e-07;
	v26 =	vmax.f32 v27, $1.000000010e-07  }
0x4c: {  	v16 =	vld [tilespmem:s13+$0x400];
	v19 =	vsel vm7, v25, v19;
	v17 =	vsel vm8, v21, v17;
	v23 =	vsel vm10, v29, v23  }
0x4d: {  	v13 =	vld [tilespmem:s13+$0x4400];
	v29 =	vsub.f32 $1.000000000e+00, v35;
	vm8 =	veq.s32 v49, $0x1;
	vm15 =	veq.s32 v1, $0x1  }
0x4e: {  	v30 =	vld [tilespmem:s13+$0x40];
	v1 =	vsub.f32 $1.000000000e+00, v40;
	vm4 =	veq.s32 v5, $0x1;
	v5 =	vsub.f32 $1.000000000e+00, v7  }
0x4f: {  	v22 =	vsel vm6, v24, v56;
	v18 =	vsel vm8, v18, v58;
	vm10 =	veq.s32 v28, $0x1  }
0x50: {  	v23 =	vmax.f32 v23, $1.000000010e-07;
	v29 =	vsel vm13, v35, v29;
	v12 =	vsel vm4, v12, v53  }
0x51: {  	v54 =	vld [tilespmem:s13+$0x30];
	v18 =	vmax.f32 v18, $1.000000010e-07;
	v22 =	vmax.f32 v22, $1.000000010e-07;
	v5 =	vsel vm15, v7, v5  }
0x52: {  	v31 =	vld [tilespmem:s13+$0x50];
	v1 =	vsel vm5, v40, v1;
	vm7 =	veq.s32 v13, $0x1;
	v13 =	vsub.f32 $1.000000000e+00, v16  }
0x53: {  	v25 =	vld [tilespmem:s13+$0x4060];
	v59 =	vsub.f32 $1.000000000e+00, v30;
	vm15 =	veq.s32 v61, $0x1;
	v27 =	vmax.f32 v29, $1.000000010e-07  }
0x54: {  	v21 =	vld [tilespmem:s13+$0x60];
	v12 =	vmax.f32 v12, $1.000000010e-07;
	v40 =	vshrl.u32 v26, $0x17;
	v44 =	vshrl.u32 v18, $0x17  }
0x55: {  	v57 =	vld [tilespmem:s13+$0x20];
	v45 =	vshrl.u32 v22, $0x17;
	v26 =	vand.u32 $0x7FFFFF, v26;
	v36 =	vand.u32 $0x7FFFFF, v22  }
0x56: {  	v24 =	vld [tilespmem:s13+$0x4010];
	v1 =	vmax.f32 v1, $1.000000010e-07;
	v5 =	vmax.f32 v5, $1.000000010e-07;
	v43 =	vshrl.u32 v12, $0x17  }
0x57: {  	v12 =	vand.u32 $0x7FFFFF, v12;
	v26 =	vor.u32 $0x3F800000, v26;
	v13 =	vsel vm7, v16, v13  }
0x58: {  	v60 =	vld [tilespmem:s13+$0x0];
	v16 =	vsub.f32 $1.000000000e+00, v31;
	v28 =	vsel vm9, v30, v59;
	vm11 =	veq.s32 v25, $0x1  }
0x59: {  	v25 =	vsub.f32 $1.000000000e+00, v21;
	v30 =	vsub.f32 $1.000000000e+00, v54;
	v41 =	vshrl.u32 v5, $0x17  }
0x5a: {  	v7 =	vld [tilespmem:s13+$0x10];
	v42 =	vshrl.u32 v1, $0x17;
	v5 =	vand.u32 $0x7FFFFF, v5;
	v1 =	vand.u32 $0x7FFFFF, v1  }
0x5b: {  	vm13 =	veq.s32 v24, $0x1;
	v24 =	vsub.f32 $1.000000000e+00, v57;
	v13 =	vmax.f32 v13, $1.000000010e-07  }
0x5c: {  	v28 =	vmax.f32 v28, $1.000000010e-07;
	v16 =	vsel vm10, v31, v16;
	v21 =	vsel vm11, v21, v25  }
0x5d: {  	v25 =	vsub.f32 $1.000000000e+00, v60;
	v30 =	vsel vm14, v54, v30;
	v48 =	vshrl.u32 v28, $0x17  }
0x5e: {  	v53 =	vand.u32 $0x7FFFFF, v13;
	v54 =	vand.u32 $0x7FFFFF, v18;
	v37 =	vand.u32 $0x7FFFFF, v28  }
0x5f: {  	v31 =	vsub.f32 $1.000000000e+00, v7;
	v24 =	vsel vm12, v57, v24;
	v21 =	vmax.f32 v21, $1.000000010e-07  }
0x60: {  	v29 =	vmax.f32 v30, $1.000000010e-07;
	v16 =	vmax.f32 v16, $1.000000010e-07;
	v25 =	vsel vm15, v60, v25  }
0x61: {  	v24 =	vmax.f32 v24, $1.000000010e-07;
	v46 =	vshrl.u32 v16, $0x17;
	v47 =	vshrl.u32 v21, $0x17  }
0x62: {  	v50 =	vshrl.u32 v29, $0x17;
	v16 =	vand.u32 $0x7FFFFF, v16;
	v35 =	vand.u32 $0x7FFFFF, v21  }
0x63: {  	v29 =	vand.u32 $0x7FFFFF, v29;
	v7 =	vsel vm13, v7, v31;
	v31 =	vmax.f32 v0, $1.000000010e-07  }
0x64: {  	v0 =	vmax.f32 v8, $1.000000010e-07;
	v8 =	vmax.f32 v10, $1.000000010e-07;
	v10 =	vmax.f32 v17, $1.000000010e-07  }
0x65: {  	v17 =	vmax.f32 v19, $1.000000010e-07;
	v19 =	vmax.f32 v32, $1.000000010e-07;
	v25 =	vmax.f32 v25, $1.000000010e-07  }
0x66: {  	[tilespmem:$0x1FD80] =	vst v41;
	v49 =	vshrl.u32 v24, $0x17;
	v24 =	vand.u32 $0x7FFFFF, v24;
	v7 =	vmax.f32 v7, $1.000000010e-07  }
0x67: {  	v30 =	vshrl.u32 v0, $0x17;
	[tilespmem:$0x1FD30] =	vst v31;
	v63 =	vand.u32 $0x7FFFFF, v31;
	v31 =	vshrl.u32 v27, $0x17  }
0x68: {  	v0 =	vand.u32 $0x7FFFFF, v0;
	v52 =	vshrl.u32 v25, $0x17;
	v27 =	vand.u32 $0x7FFFFF, v27;
	[tilespmem:$0x1FC50] =	vst v30  }
0x69: {  	v39 =	vand.u32 $0x7FFFFF, v25;
	v30 =	vshrl.u32 v3, $0x17;
	[tilespmem:$0x1FD40] =	vst v31;
	v31 =	vshrl.u32 v19, $0x17  }
0x6a: {  	v3 =	vand.u32 $0x7FFFFF, v3;
	v51 =	vshrl.u32 v7, $0x17;
	[tilespmem:$0x1FE40] =	vst v52;
	v19 =	vand.u32 $0x7FFFFF, v19  }
0x6b: {  	v7 =	vand.u32 $0x7FFFFF, v7;
	v0 =	vor.u32 $0x3F800000, v0;
	v41 =	vor.u32 $0x3F800000, v27;
	[tilespmem:$0x1FC60] =	vst v30  }
0x6c: {  	v52 =	vadd.f32 $-1.000000000e+00, v26;
	v30 =	vshrl.u32 v2, $0x17;
	[tilespmem:$0x1FD50] =	vst v31;
	v31 =	vand.u32 $0x7FFFFF, v62  }
0x6d: {  	[tilespmem:$0x1FD70] =	vst v40;
	v2 =	vand.u32 $0x7FFFFF, v2;
	v3 =	vor.u32 $0x3F800000, v3;
	v19 =	vor.u32 $0x3F800000, v19  }
0x6e: {  	[tilespmem:$0x1FDD0] =	vst v45;
	v27 =	vadd.f32 $-1.000000000e+00, v0;
	v0 =	vor.u32 $0x3F800000, v1;
	v1 =	vor.u32 $0x3F800000, v54  }
0x6f: {  	v40 =	vadd.f32 $-1.000000000e+00, v41;
	[tilespmem:$0x1FC70] =	vst v30;
	v30 =	vshrl.u32 v6, $0x17;
	v6 =	vand.u32 $0x7FFFFF, v6  }
0x70: {  	[tilespmem:$0x1FD90] =	vst v42;
	v2 =	vor.u32 $0x3F800000, v2;
	v18 =	vor.u32 $0x3F800000, v31;
	v45 =	vadd.f32 $-1.000000000e+00, v3  }
0x71: {  	[tilespmem:$0x1FDE0] =	vst v46;
	v3 =	vor.u32 $0x3F800000, v12;
	v46 =	vadd.f32 $-1.000000000e+00, v19;
	v42 =	vadd.f32 $-1.000000000e+00, v0  }
0x72: {  	[tilespmem:$0x1FE20] =	vst v50;
	v0 =	vor.u32 $0x3F800000, v37;
	v57 =	vadd.f32 $-1.000000000e+00, v1;
	v1 =	vor.u32 $0x3F800000, v24  }
0x73: {  	[tilespmem:$0x1FC80] =	vst v30;
	v30 =	vshrl.u32 v4, $0x17;
	v4 =	vand.u32 $0x7FFFFF, v4;
	v6 =	vor.u32 $0x3F800000, v6  }
0x74: {  	[tilespmem:$0x1FE10] =	vst v49;
	v50 =	vadd.f32 $-1.000000000e+00, v18;
	v49 =	vadd.f32 $-1.000000000e+00, v2;
	v2 =	vor.u32 $0x3F800000, v5  }
0x75: {  	v5 =	vor.u32 $0x3F800000, v36;
	v58 =	vadd.f32 $-1.000000000e+00, v3;
	v3 =	vor.u32 $0x3F800000, v29  }
0x76: {  	v25 =	vadd.f32 $-1.000000000e+00, v0;
	v21 =	vadd.f32 $-1.000000000e+00, v1;
	v29 =	vmul.f32 $1.477872110e-02, v52  }
0x77: {  	[tilespmem:$0x1FC90] =	vst v30;
	v30 =	vshrl.u32 v8, $0x17;
	v8 =	vand.u32 $0x7FFFFF, v8;
	v4 =	vor.u32 $0x3F800000, v4  }
0x78: {  	[tilespmem:$0x1FDF0] =	vst v47;
	v47 =	vadd.f32 $-1.000000000e+00, v6;
	v6 =	vor.u32 $0x3F800000, v35;
	v56 =	vadd.f32 $-1.000000000e+00, v2  }
0x79: {  	v36 =	vadd.f32 $-1.000000000e+00, v5;
	v22 =	vadd.f32 $-1.000000000e+00, v3;
	v3 =	vmul.f32 $1.477872110e-02, v45  }
0x7a: {  	v2 =	vor.u32 $0x3F800000, v7;
	v5 =	vmul.f32 $1.477872110e-02, v27;
	v24 =	vmul.f32 $1.477872110e-02, v46  }
0x7b: {  	v26 =	vmul.f32 $1.477872110e-02, v42;
	v41 =	vmul.f32 $1.477872110e-02, v57;
	[tilespmem:$0x1FCA0] =	vst v30;
	v30 =	vshrl.u32 v10, $0x17  }
0x7c: {  	v10 =	vand.u32 $0x7FFFFF, v10;
	v8 =	vor.u32 $0x3F800000, v8;
	v18 =	vadd.f32 $-1.000000000e+00, v4  }
0x7d: {  	v4 =	vor.u32 $0x3F800000, v53;
	v34 =	vadd.f32 $-1.000000000e+00, v6;
	v1 =	vmul.f32 $1.477872110e-02, v50  }
0x7e: {  	v29 =	vadd.f32 $-7.684872300e-02, v29;
	[tilespmem:$0x1FCB0] =	vst v30;
	v30 =	vshrl.u32 v9, $0x17;
	v9 =	vand.u32 $0x7FFFFF, v9  }
0x7f: {  	v10 =	vor.u32 $0x3F800000, v10;
	v12 =	vadd.f32 $-1.000000000e+00, v8;
	v61 =	vadd.f32 $-1.000000000e+00, v4  }
0x80: {  	v8 =	vor.u32 $0x3F800000, v16;
	v3 =	vadd.f32 $-7.684872300e-02, v3;
	v5 =	vadd.f32 $-7.684872300e-02, v5  }
0x81: {  	v4 =	vor.u32 $0x3F800000, v39;
	v24 =	vadd.f32 $-7.684872300e-02, v24;
	v26 =	vadd.f32 $-7.684872300e-02, v26  }
0x82: {  	v39 =	vmul.f32 $1.477872110e-02, v56;
	v35 =	vadd.f32 $-7.684872300e-02, v41;
	v53 =	vmul.f32 $1.477872110e-02, v22  }
0x83: {  	[tilespmem:$0x1FCC0] =	vst v30;
	v30 =	vshrl.u32 v11, $0x17;
	v11 =	vand.u32 $0x7FFFFF, v11;
	v9 =	vor.u32 $0x3F800000, v9  }
0x84: {  	v54 =	vadd.f32 $-1.000000000e+00, v10;
	v28 =	vadd.f32 $-1.000000000e+00, v4;
	v4 =	vmul.f32 $1.477872110e-02, v49  }
0x85: {  	v1 =	vadd.f32 $-7.684872300e-02, v1;
	v7 =	vmul.f32 $1.477872110e-02, v18;
	v29 =	vmul.f32 v29, v52  }
0x86: {  	[tilespmem:$0x1FCD0] =	vst v30;
	v30 =	vshrl.u32 v14, $0x17;
	v14 =	vand.u32 $0x7FFFFF, v14;
	v6 =	vmul.f32 $1.477872110e-02, v12  }
0x87: {  	[tilespmem:$0x1FDA0] =	vst v43;
	v11 =	vor.u32 $0x3F800000, v11;
	v3 =	vmul.f32 v3, v45;
	v5 =	vmul.f32 v5, v27  }
0x88: {  	[tilespmem:$0x1FE60] =	vst v45;
	v9 =	vadd.f32 $-1.000000000e+00, v9;
	v43 =	vmul.f32 $1.477872110e-02, v61;
	v45 =	vmul.f32 $1.477872110e-02, v36  }
0x89: {  	v33 =	vadd.f32 $-7.684872300e-02, v39;
	v24 =	vmul.f32 v24, v46;
	v26 =	vmul.f32 v26, v42  }
0x8a: {  	v35 =	vmul.f32 v35, v57;
	[tilespmem:$0x1FCE0] =	vst v30;
	v30 =	vshrl.u32 v17, $0x17;
	v17 =	vand.u32 $0x7FFFFF, v17  }
0x8b: {  	v14 =	vor.u32 $0x3F800000, v14;
	v59 =	vadd.f32 $-1.000000000e+00, v11;
	v4 =	vadd.f32 $-7.684872300e-02, v4  }
0x8c: {  	[tilespmem:$0x1FD60] =	vst v62;
	v60 =	vmovc v18;
	v7 =	vadd.f32 $-7.684872300e-02, v7;
	v11 =	vmul.f32 $1.477872110e-02, v54;
	v18 =	vmul.f32 v1, v50  }
0x8d: {  	v29 =	vadd.f32 $1.904208360e-01, v29;
	[tilespmem:$0x1FCF0] =	vst v30;
	v30 =	vshrl.u32 v15, $0x17;
	v62 =	vadd.f32 $-1.000000000e+00, v14  }
0x8e: {  	v31 =	vor.u32 $0x3F800000, v17;
	v17 =	vadd.f32 $-1.000000000e+00, v2;
	v6 =	vadd.f32 $-7.684872300e-02, v6  }
0x8f: {  	v15 =	vand.u32 $0x7FFFFF, v15;
	v37 =	vadd.f32 $-7.684872300e-02, v43;
	v39 =	vadd.f32 $-7.684872300e-02, v45  }
0x90: {  	v32 =	vmovc v9;
	v9 =	vmul.f32 $1.477872110e-02, v9;
	v5 =	vadd.f32 $1.904208360e-01, v5;
	v3 =	vadd.f32 $1.904208360e-01, v3  }
0x91: {  	v33 =	vmul.f32 v33, v56;
	v24 =	vadd.f32 $1.904208360e-01, v24;
	v26 =	vadd.f32 $1.904208360e-01, v26  }
0x92: {  	v35 =	vadd.f32 $1.904208360e-01, v35;
	[tilespmem:$0x1FD00] =	vst v30;
	v30 =	vshrl.u32 v20, $0x17;
	v20 =	vand.u32 $0x7FFFFF, v20  }
0x93: {  	[tilespmem:$0x1FE00] =	vst v48;
	v55 =	vor.u32 $0x3F800000, v15;
	v48 =	vadd.f32 $-1.000000000e+00, v31;
	v10 =	vmul.f32 $1.477872110e-02, v59  }
0x94: {  	v11 =	vadd.f32 $-7.684872300e-02, v11;
	v4 =	vmul.f32 v4, v49;
	v31 =	vmul.f32 $1.477872110e-02, v58  }
0x95: {  	v7 =	vmul.f32 v7, v60;
	v29 =	vmul.f32 v29, v52;
	[tilespmem:$0x1FD10] =	vst v30;
	v30 =	vshrl.u32 v23, $0x17  }
0x96: {  	v2 =	vmovc v12;
	v23 =	vand.u32 $0x7FFFFF, v23;
	v20 =	vor.u32 $0x3F800000, v20;
	v16 =	vmul.f32 $1.477872110e-02, v62  }
0x97: {  	v38 =	vadd.f32 $-1.000000000e+00, v55;
	v6 =	vmul.f32 v6, v2;
	v37 =	vmul.f32 v37, v61  }
0x98: {  	v9 =	vadd.f32 $-7.684872300e-02, v9;
	v39 =	vmul.f32 v39, v36;
	v5 =	vmul.f32 v5, v27  }
0x99: {  	v33 =	vadd.f32 $1.904208360e-01, v33;
	v24 =	vmul.f32 v24, v46;
	v26 =	vmul.f32 v26, v42  }
0x9a: {  	[tilespmem:$0x1FD20] =	vst v30;
	v30 =	vshrl.u32 v13, $0x17;
	v13 =	vor.u32 $0x3F800000, v63;
	v63 =	vadd.f32 $-1.000000000e+00, v20  }
0x9b: {  	v35 =	vmul.f32 v35, v57;
	v10 =	vadd.f32 $-7.684872300e-02, v10;
	v31 =	vadd.f32 $-7.684872300e-02, v31  }
0x9c: {  	v23 =	vor.u32 $0x3F800000, v23;
	v4 =	vadd.f32 $1.904208360e-01, v4;
	v7 =	vadd.f32 $1.904208360e-01, v7  }
0x9d: {  	[tilespmem:$0x1FDC0] =	vst v44;
	v14 =	vmul.f32 $1.477872110e-02, v48;
	v29 =	vadd.f32 $-3.231159450e-01, v29;
	v13 =	vadd.f32 $-1.000000000e+00, v13  }
0x9e: {  	v11 =	vmul.f32 v11, v54;
	[tilespmem:$0x1FDB0] =	vst v30;
	v44 =	vadd.f32 $-1.000000000e+00, v23;
	v30 =	vadd.f32 $-1.000000000e+00, v8  }
0x9f: {  	[tilespmem:$0x1FE30] =	vst v51;
	v8 =	vmul.f32 $1.477872110e-02, v47;
	v12 =	vmul.f32 $1.477872110e-02, v38;
	v51 =	vadd.f32 $-7.684872300e-02, v16  }
0xa0: {  	v23 =	vmul.f32 $1.477872110e-02, v40;
	v9 =	vmul.f32 v9, v32;
	v6 =	vadd.f32 $1.904208360e-01, v6  }
0xa1: {  	v15 =	vmovc v32;
	v32 =	vmul.f32 $1.477872110e-02, v21;
	v37 =	vadd.f32 $1.904208360e-01, v37;
	v39 =	vadd.f32 $1.904208360e-01, v39  }
0xa2: {  	v33 =	vmul.f32 v33, v56;
	v5 =	vadd.f32 $-3.231159450e-01, v5;
	v24 =	vadd.f32 $-3.231159450e-01, v24  }
0xa3: {  	v26 =	vadd.f32 $-3.231159450e-01, v26;
	v35 =	vadd.f32 $-3.231159450e-01, v35;
	v19 =	vmul.f32 $1.477872110e-02, v63  }
0xa4: {  	v60 =	vmovc v60;
	v14 =	vadd.f32 $-7.684872300e-02, v14;
	v10 =	vmul.f32 v10, v59;
	v31 =	vmul.f32 v31, v58  }
0xa5: {  	[tilespmem:$0x1FED0] =	vst v52;
	v11 =	vadd.f32 $1.904208360e-01, v11;
	v7 =	vmul.f32 v7, v60;
	v52 =	vmul.f32 v29, v52  }
0xa6: {  	v0 =	vmul.f32 $1.477872110e-02, v13;
	v8 =	vadd.f32 $-7.684872300e-02, v8;
	v12 =	vadd.f32 $-7.684872300e-02, v12  }
0xa7: {  	v20 =	vmul.f32 $1.477872110e-02, v44;
	v23 =	vadd.f32 $-7.684872300e-02, v23;
	v43 =	vmul.f32 $1.477872110e-02, v30  }
0xa8: {  	v55 =	vmovc v2;
	v2 =	vmul.f32 v51, v62;
	v9 =	vadd.f32 $1.904208360e-01, v9;
	v37 =	vmul.f32 v37, v61  }
0xa9: {  	[tilespmem:$0x1FEB0] =	vst v46;
	v33 =	vadd.f32 $-3.231159450e-01, v33;
	v5 =	vmul.f32 v5, v27;
	v46 =	vmul.f32 v24, v46  }
0xaa: {  	v35 =	vmul.f32 v35, v57;
	v19 =	vadd.f32 $-7.684872300e-02, v19;
	v14 =	vmul.f32 v14, v48  }
0xab: {  	v10 =	vadd.f32 $1.904208360e-01, v10;
	v31 =	vadd.f32 $1.904208360e-01, v31;
	v11 =	vmul.f32 v11, v54  }
0xac: {  	v7 =	vadd.f32 $-3.231159450e-01, v7;
	v0 =	vadd.f32 $-7.684872300e-02, v0;
	v8 =	vmul.f32 v8, v47  }
0xad: {  	[tilespmem:$0x1FE70] =	vst v47;
	v20 =	vadd.f32 $-7.684872300e-02, v20;
	v47 =	vmul.f32 $1.477872110e-02, v34;
	v12 =	vmul.f32 v12, v38  }
0xae: {  	[tilespmem:$0x1FE80] =	vst v38;
	v43 =	vadd.f32 $-7.684872300e-02, v43;
	v38 =	vmul.f32 $1.477872110e-02, v17;
	v23 =	vmul.f32 v23, v40  }
0xaf: {  	v16 =	vadd.f32 $1.904208360e-01, v2;
	v9 =	vmul.f32 v9, v15;
	v37 =	vadd.f32 $-3.231159450e-01, v37  }
0xb0: {  	[tilespmem:$0x1FEF0] =	vst v56;
	v56 =	vmul.f32 v33, v56;
	v35 =	vadd.f32 $4.724995200e-01, v35;
	v19 =	vmul.f32 v19, v63  }
0xb1: {  	v14 =	vadd.f32 $1.904208360e-01, v14;
	v10 =	vmul.f32 v10, v59;
	v31 =	vmul.f32 v31, v58  }
0xb2: {  	v11 =	vadd.f32 $-3.231159450e-01, v11;
	v1 =	vmul.f32 v0, v13;
	v41 =	vadd.f32 $-7.684872300e-02, v47  }
0xb3: {  	[tilespmem:$0x1FE50] =	vst v13;
	v13 =	vmovc v49;
	v49 =	vmul.f32 $1.477872110e-02, v25;
	v47 =	vadd.f32 $-7.684872300e-02, v53;
	v20 =	vmul.f32 v20, v44  }
0xb4: {  	v53 =	vmul.f32 $1.477872110e-02, v28;
	v51 =	vadd.f32 $-7.684872300e-02, v38;
	v8 =	vadd.f32 $1.904208360e-01, v8  }
0xb5: {  	v43 =	vmul.f32 v43, v30;
	v12 =	vadd.f32 $1.904208360e-01, v12;
	v23 =	vadd.f32 $1.904208360e-01, v23  }
0xb6: {  	v16 =	vmul.f32 v16, v62;
	v9 =	vadd.f32 $-3.231159450e-01, v9;
	v37 =	vmul.f32 v37, v61  }
0xb7: {  	v19 =	vadd.f32 $1.904208360e-01, v19;
	v4 =	vmul.f32 v4, v13;
	v10 =	vadd.f32 $-3.231159450e-01, v10  }
0xb8: {  	v2 =	vld [tilespmem:$0x1FE60];
	v14 =	vmul.f32 v14, v48;
	v31 =	vadd.f32 $-3.231159450e-01, v31;
	v45 =	vadd.f32 $-7.684872300e-02, v49  }
0xb9: {  	v11 =	vmul.f32 v11, v54;
	v49 =	vadd.f32 $-7.684872300e-02, v32;
	v53 =	vadd.f32 $-7.684872300e-02, v53  }
0xba: {  	v0 =	vadd.f32 $1.904208360e-01, v1;
	v1 =	vadd.f32 $1.904208360e-01, v18;
	v41 =	vmul.f32 v41, v34  }
0xbb: {  	v47 =	vmul.f32 v47, v22;
	v20 =	vadd.f32 $1.904208360e-01, v20;
	v51 =	vmul.f32 v51, v17  }
0xbc: {  	v43 =	vadd.f32 $1.904208360e-01, v43;
	v23 =	vmul.f32 v23, v40;
	v16 =	vadd.f32 $-3.231159450e-01, v16  }
0xbd: {  	v38 =	vmovc v36;
	v9 =	vmul.f32 v9, v15;
	v37 =	vadd.f32 $4.724995200e-01, v37;
	v3 =	vmul.f32 v3, v2  }
0xbe: {  	[tilespmem:$0x1FF60] =	vst v25;
	v19 =	vmul.f32 v19, v63;
	v4 =	vadd.f32 $-3.231159450e-01, v4;
	v39 =	vmul.f32 v39, v38  }
0xbf: {  	[tilespmem:$0x1FF80] =	vst v21;
	v36 =	vmovc v34;
	v14 =	vadd.f32 $-3.231159450e-01, v14;
	v31 =	vmul.f32 v31, v58;
	v45 =	vmul.f32 v45, v25  }
0xc0: {  	v34 =	vmovc v30;
	v30 =	vmovc v25;
	v11 =	vadd.f32 $4.724995200e-01, v11;
	v49 =	vmul.f32 v49, v21;
	v53 =	vmul.f32 v53, v28  }
0xc1: {  	[tilespmem:$0x1FF70] =	vst v22;
	v25 =	vmovc v22;
	v22 =	vmovc v21;
	v1 =	vmul.f32 v1, v50;
	v41 =	vadd.f32 $1.904208360e-01, v41;
	v47 =	vadd.f32 $1.904208360e-01, v47  }
0xc2: {  	[tilespmem:$0x1FF90] =	vst v28;
	v18 =	vld [tilespmem:$0x1FE50];
	v21 =	vmovc v17;
	v17 =	vmovc v28;
	v28 =	vmul.f32 v6, v55;
	v51 =	vadd.f32 $1.904208360e-01, v51;
	v23 =	vadd.f32 $-3.231159450e-01, v23  }
0xc3: {  	v32 =	vld [tilespmem:$0x1FE70];
	v20 =	vmul.f32 v20, v44;
	v3 =	vadd.f32 $-3.231159450e-01, v3;
	v19 =	vadd.f32 $-3.231159450e-01, v19  }
0xc4: {  	v43 =	vmul.f32 v43, v34;
	v39 =	vadd.f32 $-3.231159450e-01, v39;
	v33 =	vadd.f32 $4.724995200e-01, v31  }
0xc5: {  	v16 =	vmul.f32 v16, v62;
	v31 =	vadd.f32 $4.724995200e-01, v56;
	v45 =	vadd.f32 $1.904208360e-01, v45  }
0xc6: {  	v49 =	vadd.f32 $1.904208360e-01, v49;
	v41 =	vmul.f32 v41, v36;
	v47 =	vmul.f32 v47, v25  }
0xc7: {  	v53 =	vadd.f32 $1.904208360e-01, v53;
	v51 =	vmul.f32 v51, v21;
	v23 =	vmul.f32 v23, v40  }
0xc8: {  	v1 =	vadd.f32 $-3.231159450e-01, v1;
	v0 =	vmul.f32 v0, v18;
	v8 =	vmul.f32 v8, v32  }
0xc9: {  	v28 =	vadd.f32 $-3.231159450e-01, v28;
	v3 =	vmul.f32 v3, v2;
	v39 =	vmul.f32 v39, v38  }
0xca: {  	[tilespmem:$0x1FFF0] =	vst v59;
	v45 =	vmul.f32 v45, v30;
	v49 =	vmul.f32 v49, v22;
	v0 =	vadd.f32 $-3.231159450e-01, v0  }
0xcb: {  	[tilespmem:$0x1FFE0] =	vst v60;
	v20 =	vadd.f32 $-3.231159450e-01, v20;
	v53 =	vmul.f32 v53, v17;
	v17 =	vmul.f32 v4, v13  }
0xcc: {  	v6 =	vmovc v60;
	v60 =	vmovc v59;
	v43 =	vadd.f32 $-3.231159450e-01, v43;
	v1 =	vmul.f32 v1, v50;
	v0 =	vmul.f32 v0, v18  }
0xcd: {  	[tilespmem:$0x1FF40] =	vst v5;
	v59 =	vld [tilespmem:$0x1FE80];
	v30 =	vmovc v13;
	v13 =	vmovc v2;
	v2 =	vmul.f32 v7, v6;
	v41 =	vadd.f32 $-3.231159450e-01, v41;
	v47 =	vadd.f32 $-3.231159450e-01, v47  }
0xce: {  	[tilespmem:$0x1FEE0] =	vst v40;
	v6 =	vmul.f32 v28, v55;
	v51 =	vadd.f32 $-3.231159450e-01, v51;
	v5 =	vadd.f32 $4.724995200e-01, v0;
	v0 =	vld [tilespmem:$0x1FF40]  }
0xcf: {  	[tilespmem:$0x1FFD0] =	vst v27;
	v28 =	vmul.f32 v10, v60;
	v24 =	vadd.f32 $4.724995200e-01, v23;
	v22 =	vadd.f32 $4.724995200e-01, v3;
	v3 =	vld [tilespmem:$0x1FF80]  }
0xd0: {  	[tilespmem:$0x1FF00] =	vst v42;
	v4 =	vmovc v50;
	v50 =	vmovc v48;
	v48 =	vmul.f32 v14, v48;
	v23 =	vadd.f32 $4.724995200e-01, v46;
	v8 =	vadd.f32 $-3.231159450e-01, v8  }
0xd1: {  	[tilespmem:$0x1FF20] =	vst v57;
	v14 =	vmul.f32 v43, v34;
	v39 =	vadd.f32 $4.724995200e-01, v39;
	v45 =	vadd.f32 $-3.231159450e-01, v45  }
0xd2: {  	v12 =	vmul.f32 v12, v59;
	[tilespmem:$0x1FF50] =	vst v2;
	v49 =	vadd.f32 $-3.231159450e-01, v49;
	v53 =	vadd.f32 $-3.231159450e-01, v53;
	v2 =	vld [tilespmem:$0x1FF00]  }
0xd3: {  	[tilespmem:$0x1FF30] =	vst v61;
	v25 =	vadd.f32 $4.724995200e-01, v17;
	v41 =	vmul.f32 v41, v36;
	v61 =	vadd.f32 $4.724995200e-01, v0;
	v0 =	vld [tilespmem:$0x1FF50]  }
0xd4: {  	v60 =	vmovc v38;
	v38 =	vadd.f32 $4.724995200e-01, v28;
	v51 =	vmul.f32 v51, v21;
	v40 =	vmovc v3;
	v49 =	vmul.f32 v49, v3;
	v3 =	vld [tilespmem:$0x1FF90]  }
0xd5: {  	v10 =	vmovc v32;
	v12 =	vadd.f32 $-3.231159450e-01, v12;
	v8 =	vmul.f32 v8, v32;
	v32 =	vmovc v54;
	v54 =	vmul.f32 v20, v44  }
0xd6: {  	[tilespmem:$0x1FF10] =	vst v58;
	v42 =	vmovc v18;
	v18 =	vmovc v15;
	v20 =	vmul.f32 v19, v63;
	v15 =	vadd.f32 $4.724995200e-01, v1;
	v19 =	vadd.f32 $4.724995200e-01, v48  }
0xd7: {  	[tilespmem:$0x1FEA0] =	vst v62;
	v41 =	vadd.f32 $4.724995200e-01, v41;
	v26 =	vmul.f32 v26, v2;
	v2 =	vmovc v36;
	v36 =	vadd.f32 $4.724995200e-01, v9;
	v9 =	vld [tilespmem:$0x1FFE0]  }
0xd8: {  	[tilespmem:$0x1FEC0] =	vst v63;
	v7 =	vmovc v55;
	v55 =	vmovc v59;
	v12 =	vmul.f32 v12, v59;
	v59 =	vadd.f32 $4.724995200e-01, v6;
	v63 =	vadd.f32 $4.724995200e-01, v0;
	v0 =	vld [tilespmem:$0x1FF60]  }
0xd9: {  	v1 =	vld [tilespmem:$0x1FF70];
	v17 =	vmovc v21;
	v62 =	vadd.f32 $4.724995200e-01, v8;
	v21 =	vmovc v3;
	v53 =	vmul.f32 v53, v3;
	v3 =	vmul.f32 v15, v4  }
0xda: {  	[tilespmem:$0x1FFA0] =	vst v4;
	v20 =	vadd.f32 $4.724995200e-01, v20;
	v4 =	vmul.f32 v5, v42;
	v5 =	vmul.f32 v22, v13;
	v13 =	vld [tilespmem:$0x1FFF0]  }
0xdb: {  	[tilespmem:$0x1FE90] =	vst v44;
	v6 =	vmul.f32 v25, v30;
	v12 =	vadd.f32 $4.724995200e-01, v12;
	v8 =	vmul.f32 v59, v7  }
0xdc: {  	[tilespmem:$0x1FFC0] =	vst v7;
	v25 =	vmovc v10;
	v10 =	vmul.f32 v62, v10;
	v29 =	vadd.f32 $4.724995200e-01, v26;
	v7 =	vmul.f32 v61, v27  }
0xdd: {  	v58 =	vmovc v34;
	v26 =	vadd.f32 $4.724995200e-01, v52;
	v28 =	vmovc v9;
	v9 =	vmul.f32 v63, v9;
	v43 =	vmul.f32 v45, v0  }
0xde: {  	[tilespmem:$0x1FFB0] =	vst v30;
	v57 =	vmovc v1;
	v44 =	vmovc v0;
	v0 =	vadd.f32 $4.724995200e-01, v16;
	v45 =	vmul.f32 v47, v1;
	v1 =	vadd.f32 $4.724995200e-01, v54  }
0xdf: {  	p0 =	por p1, p1;
	s13 =	simm.s32 $0x200;
	v27 =	vmovc v18;
	v47 =	vadd.f32 $4.724995200e-01, v14;
	v16 =	vmul.f32 v36, v18;
	v54 =	vmovc v13;
	v14 =	vmul.f32 v38, v13  }
.LBB2_3:
0xe0: {  	v30 =	vmov v2;
	v41 =	vmul.f32 v41, v2;
	v2 =	vld [tilespmem:$0x1FFB0];
	_ =	sdelay $0x2  }
0xe1: {  	v6 =	vadd.f32 $-7.203866240e-01, v6;
	_ =	sdelay $0x1  }
0xe2: {  	v43 =	vadd.f32 $4.724995200e-01, v43;
	[tilespmem:$0x1FFB0] =	vst v2;
	v6 =	vmul.f32 v6, v2;
	v2 =	vld [tilespmem:$0x1FFA0]  }
0xe3: {  	v46 =	vld [tilespmem:$0x1FEA0];
	v49 =	vadd.f32 $4.724995200e-01, v49;
	v51 =	vadd.f32 $4.724995200e-01, v51  }
0xe4: {  	v11 =	vmul.f32 v11, v32;
	v52 =	vld [tilespmem:$0x1FEC0];
	v53 =	vadd.f32 $4.724995200e-01, v53;
	v5 =	vadd.f32 $-7.203866240e-01, v5  }
0xe5: {  	v38 =	vld [tilespmem:$0x1FE90];
	v10 =	vadd.f32 $-7.203866240e-01, v10;
	v12 =	vmul.f32 v12, v55;
	v3 =	vadd.f32 $-7.203866240e-01, v3  }
0xe6: {  	v42 =	vld [tilespmem:$0x1FEB0];
	v19 =	vmul.f32 v19, v50;
	v39 =	vmul.f32 v39, v60;
	v14 =	vadd.f32 $-7.203866240e-01, v14  }
0xe7: {  	v16 =	vadd.f32 $-7.203866240e-01, v16;
	v43 =	vmul.f32 v43, v44;
	[tilespmem:$0x1FFA0] =	vst v2;
	v3 =	vmul.f32 v3, v2;
	v2 =	vld [tilespmem:$0x1FFD0]  }
0xe8: {  	v61 =	vld [tilespmem:$0x1FF00];
	v11 =	vadd.f32 $-7.203866240e-01, v11;
	v49 =	vmul.f32 v49, v40;
	v53 =	vmul.f32 v53, v21  }
0xe9: {  	v15 =	vmovc v32;
	v34 =	vld [tilespmem:$0x1FED0];
	v4 =	vadd.f32 $-7.203866240e-01, v4;
	v13 =	vmul.f32 v14, v54;
	v14 =	vmul.f32 v10, v25  }
0xea: {  	[tilespmem:$0x1FAD0] =	vst v32;
	v32 =	vld [tilespmem:$0x1FE50];
	v7 =	vadd.f32 $-7.203866240e-01, v7;
	v16 =	vmul.f32 v16, v27;
	v10 =	vmul.f32 v11, v15  }
0xeb: {  	v48 =	vmovc v50;
	v50 =	vld [tilespmem:$0x1FEE0];
	v8 =	vadd.f32 $-7.203866240e-01, v8;
	v0 =	vmul.f32 v0, v46;
	v20 =	vmul.f32 v20, v52  }
0xec: {  	v12 =	vadd.f32 $-7.203866240e-01, v12;
	v1 =	vmul.f32 v1, v38;
	[tilespmem:$0x1FFD0] =	vst v2;
	v7 =	vmul.f32 v7, v2;
	v2 =	vld [tilespmem:$0x1FFC0]  }
0xed: {  	v22 =	vmovc v55;
	v49 =	vadd.f32 $-7.203866240e-01, v49;
	v23 =	vmul.f32 v23, v42;
	v29 =	vmul.f32 v29, v61  }
0xee: {  	v36 =	vld [tilespmem:$0x1FE60];
	v26 =	vmul.f32 v26, v34;
	v12 =	vmul.f32 v12, v22;
	v22 =	vadd.f32 $-7.203866240e-01, v53  }
0xef: {  	v4 =	vmul.f32 v4, v32;
	v1 =	vadd.f32 $-7.203866240e-01, v1;
	v23 =	vadd.f32 $-7.203866240e-01, v23  }
0xf0: {  	v24 =	vmul.f32 v24, v50;
	v20 =	vadd.f32 $-7.203866240e-01, v20;
	v26 =	vadd.f32 $-7.203866240e-01, v26  }
0xf1: {  	v11 =	vmul.f32 v1, v38;
	[tilespmem:$0x1FFC0] =	vst v2;
	v8 =	vmul.f32 v8, v2;
	v2 =	vadd.f32 $1.442652110e+00, v3  }
0xf2: {  	v24 =	vadd.f32 $-7.203866240e-01, v24;
	v1 =	vmul.f32 v23, v42;
	v23 =	vmul.f32 v20, v52  }
0xf3: {  	v5 =	vmul.f32 v5, v36;
	v29 =	vadd.f32 $-7.203866240e-01, v29;
	[tilespmem:$0x1FB00] =	vst v2;
	v2 =	vadd.f32 $1.442652110e+00, v4  }
0xf4: {  	[tilespmem:$0x1FE80] =	vst v55;
	v55 =	vld [tilespmem:$0x1FF10];
	v53 =	vmovc v25;
	v25 =	vmul.f32 v26, v34;
	v26 =	vmul.f32 v24, v50;
	v24 =	vadd.f32 $1.442652110e+00, v23  }
0xf5: {  	v62 =	vmovc v60;
	v60 =	vmovc v44;
	v23 =	vadd.f32 $1.442652110e+00, v11;
	v11 =	vmul.f32 v22, v21;
	[tilespmem:$0x1FB10] =	vst v2;
	v2 =	vadd.f32 $1.442652110e+00, v5  }
0xf6: {  	v44 =	vmovc v54;
	v54 =	vmovc v27;
	v18 =	vadd.f32 $-7.203866240e-01, v0;
	v27 =	vmul.f32 v29, v61;
	v29 =	vadd.f32 $1.442652110e+00, v26  }
0xf7: {  	v51 =	vmul.f32 v51, v17;
	v11 =	vadd.f32 $1.442652110e+00, v11;
	[tilespmem:$0x1FAE0] =	vst v2;
	v2 =	vadd.f32 $1.442652110e+00, v6  }
0xf8: {  	v26 =	vadd.f32 $1.442652110e+00, v1;
	v1 =	vadd.f32 $1.442652110e+00, v27;
	v27 =	vmul.f32 v49, v40;
	v49 =	vld [tilespmem:$0x1FE40]  }
0xf9: {  	v63 =	vld [tilespmem:$0x1FEF0];
	v33 =	vmul.f32 v33, v55;
	[tilespmem:$0x1FAF0] =	vst v2;
	v2 =	vmul.f32 v11, v21  }
0xfa: {  	v9 =	vadd.f32 $-7.203866240e-01, v9;
	v0 =	vmovc v17;
	v17 =	vmul.f32 v18, v46;
	v18 =	vadd.f32 $-7.203866240e-01, v51  }
0xfb: {  	v33 =	vadd.f32 $-7.203866240e-01, v33;
	v2 =	vadd.f32 $3.196978180e-07, v2  }
0xfc: {  	v45 =	vadd.f32 $4.724995200e-01, v45;
	[tilespmem:$0x1FFE0] =	vst v28;
	v9 =	vmul.f32 v9, v28;
	v28 =	vld [tilespmem:$0x1FC40];
	v18 =	vmul.f32 v18, v0  }
0xfd: {  	v5 =	vmul.f32 v33, v55;
	v33 =	vcvt.s32.f32 v49;
	v2 =	vadd.f32 $-1.270000000e+02, v2  }
0xfe: {  	v31 =	vmul.f32 v31, v63;
	v11 =	vadd.f32 $1.442652110e+00, v18  }
0xff: {  	v45 =	vmul.f32 v45, v57;
	v43 =	vadd.f32 $-7.203866240e-01, v43;
	v51 =	vld [tilespmem:$0x1FE30];
	v2 =	vadd.f32 v33, v2  }
0x100: {  	v31 =	vadd.f32 $-7.203866240e-01, v31;
	v27 =	vadd.f32 $1.442652110e+00, v27;
	v11 =	vmul.f32 v11, v0  }
0x101: {  	v20 =	vadd.f32 $1.442652110e+00, v17;
	v17 =	vmul.f32 v43, v60;
	v2 =	vadd.f32 v2, v28;
	v28 =	vld [tilespmem:$0x1FE10]  }
0x102: {  	v45 =	vadd.f32 $-7.203866240e-01, v45;
	v27 =	vmul.f32 v27, v40;
	v11 =	vadd.f32 $3.196978180e-07, v11  }
0x103: {  	v31 =	vmul.f32 v31, v63;
	v22 =	vadd.f32 $1.442652110e+00, v25;
	v17 =	vadd.f32 $1.442652110e+00, v17  }
0x104: {  	v27 =	vadd.f32 $3.196978180e-07, v27;
	v33 =	vcvt.s32.f32 v51;
	v11 =	vadd.f32 $-1.270000000e+02, v11  }
0x105: {  	v25 =	vadd.f32 $1.442652110e+00, v31;
	v31 =	vmul.f32 v45, v57;
	v17 =	vmul.f32 v17, v60  }
0x106: {  	v27 =	vadd.f32 $-1.270000000e+02, v27;
	v11 =	vadd.f32 v33, v11;
	v60 =	vcvt.s32.f32 v28  }
0x107: {  	v31 =	vadd.f32 $1.442652110e+00, v31  }
0x108: {  	v2 =	vadd.f32 v11, v2;
	v11 =	vadd.f32 v60, v27;
	v27 =	vld [tilespmem:$0x1FE20]  }
0x109: {  	v31 =	vmul.f32 v31, v57;
	_ =	sdelay $0x1  }
0x10a: {  	v31 =	vadd.f32 $3.196978180e-07, v31;
	_ =	sdelay $0x1  }
0x10b: {  	v31 =	vadd.f32 $-1.270000000e+02, v31;
	v27 =	vcvt.s32.f32 v27  }
0x10c: {  	v19 =	vadd.f32 $-7.203866240e-01, v19  }
0x10d: {  	v47 =	vmul.f32 v47, v58;
	v2 =	vadd.f32 v11, v2;
	v11 =	vadd.f32 v27, v31;
	v27 =	vld [tilespmem:$0x1FE00];
	_ =	sdelay $0x1  }
0x10e: {  	v47 =	vadd.f32 $-7.203866240e-01, v47;
	v15 =	vmul.f32 v19, v48  }
0x10f: {  	v17 =	vadd.f32 $3.196978180e-07, v17;
	v3 =	vadd.f32 $1.442652110e+00, v16  }
0x110: {  	v16 =	vadd.f32 $1.442652110e+00, v12;
	v12 =	vadd.f32 $1.442652110e+00, v15;
	v15 =	vmul.f32 v47, v58  }
0x111: {  	v17 =	vadd.f32 $-1.270000000e+02, v17;
	v27 =	vcvt.s32.f32 v27  }
0x112: {  	v15 =	vadd.f32 $1.442652110e+00, v15  }
0x113: {  	v2 =	vadd.f32 v11, v2;
	v11 =	vadd.f32 v27, v17;
	v17 =	vld [tilespmem:$0x1FDE0]  }
0x114: {  	v15 =	vmul.f32 v15, v58  }
0x115: {  	v41 =	vadd.f32 $-7.203866240e-01, v41  }
0x116: {  	v15 =	vadd.f32 $3.196978180e-07, v15  }
0x117: {  	v59 =	vld [tilespmem:$0x1FF30];
	v19 =	vadd.f32 $1.442652110e+00, v10;
	v10 =	vmul.f32 v41, v30  }
0x118: {  	v15 =	vadd.f32 $-1.270000000e+02, v15;
	v17 =	vcvt.s32.f32 v17  }
0x119: {  	v10 =	vadd.f32 $1.442652110e+00, v10  }
0x11a: {  	v2 =	vadd.f32 v11, v2;
	v11 =	vadd.f32 v17, v15;
	v15 =	vld [tilespmem:$0x1FDF0]  }
0x11b: {  	v10 =	vmul.f32 v10, v30  }
0x11c: {  	v39 =	vadd.f32 $-7.203866240e-01, v39;
	v37 =	vmul.f32 v37, v59  }
0x11d: {  	v10 =	vadd.f32 $3.196978180e-07, v10  }
0x11e: {  	v56 =	vld [tilespmem:$0x1FF20];
	v37 =	vadd.f32 $-7.203866240e-01, v37;
	v4 =	vadd.f32 $1.442652110e+00, v13;
	v13 =	vmul.f32 v39, v62  }
0x11f: {  	v10 =	vadd.f32 $-1.270000000e+02, v10;
	v15 =	vcvt.s32.f32 v15  }
0x120: {  	v37 =	vmul.f32 v37, v59;
	v13 =	vadd.f32 $1.442652110e+00, v13  }
0x121: {  	v2 =	vadd.f32 v11, v2;
	v11 =	vld [tilespmem:$0x1FDD0];
	v10 =	vadd.f32 v15, v10  }
0x122: {  	v13 =	vmul.f32 v13, v62;
	v18 =	vadd.f32 $1.442652110e+00, v37  }
0x123: {  	v35 =	vmul.f32 v35, v56;
	v10 =	vadd.f32 v10, v2;
	v2 =	vld [tilespmem:$0x1FDB0]  }
0x124: {  	v13 =	vadd.f32 $3.196978180e-07, v13;
	v18 =	vmul.f32 v18, v59  }
0x125: {  	v35 =	vadd.f32 $-7.203866240e-01, v35  }
0x126: {  	v13 =	vadd.f32 $-1.270000000e+02, v13;
	v17 =	vadd.f32 $3.196978180e-07, v18;
	v11 =	vcvt.s32.f32 v11  }
0x127: {  	v6 =	vmul.f32 v35, v56  }
0x128: {  	v15 =	vadd.f32 $-1.270000000e+02, v17;
	v11 =	vadd.f32 v11, v13;
	v13 =	vcvt.s32.f32 v2  }
0x129: {  	v6 =	vadd.f32 $1.442652110e+00, v6  }
0x12a: {  	v10 =	vadd.f32 v11, v10;
	v11 =	vadd.f32 v13, v15;
	v13 =	vld [tilespmem:$0x1FDC0]  }
0x12b: {  	v6 =	vmul.f32 v6, v56;
	_ =	sdelay $0x1  }
0x12c: {  	v6 =	vadd.f32 $3.196978180e-07, v6;
	_ =	sdelay $0x1  }
0x12d: {  	v6 =	vadd.f32 $-1.270000000e+02, v6;
	v13 =	vcvt.s32.f32 v13  }
0x12e: {  	v5 =	vadd.f32 $1.442652110e+00, v5  }
0x12f: {  	v10 =	vadd.f32 v11, v10;
	v11 =	vadd.f32 v13, v6;
	v6 =	vld [tilespmem:$0x1FDA0]  }
0x130: {  	v5 =	vmul.f32 v5, v55;
	_ =	sdelay $0x1  }
0x131: {  	v5 =	vadd.f32 $3.196978180e-07, v5;
	_ =	sdelay $0x1  }
0x132: {  	v15 =	vadd.f32 $-1.270000000e+02, v5;
	v13 =	vcvt.s32.f32 v6;
	_ =	sdelay $0x1  }
0x133: {  	v10 =	vadd.f32 v11, v10;
	v11 =	vadd.f32 v13, v15;
	v13 =	vld [tilespmem:$0x1FD80]  }
0x134: {  	v17 =	vmul.f32 v25, v63;
	_ =	sdelay $0x1  }
0x135: {  	v17 =	vadd.f32 $3.196978180e-07, v17;
	_ =	sdelay $0x1  }
0x136: {  	v17 =	vadd.f32 $-1.270000000e+02, v17;
	v13 =	vcvt.s32.f32 v13;
	_ =	sdelay $0x1  }
0x137: {  	v10 =	vadd.f32 v11, v10;
	v11 =	vadd.f32 v13, v17;
	v13 =	vld [tilespmem:$0x1FD90]  }
0x138: {  	v18 =	vmul.f32 v1, v61;
	_ =	sdelay $0x1  }
0x139: {  	v18 =	vadd.f32 $3.196978180e-07, v18;
	_ =	sdelay $0x1  }
0x13a: {  	v15 =	vadd.f32 $-1.270000000e+02, v18;
	v13 =	vcvt.s32.f32 v13;
	_ =	sdelay $0x1  }
0x13b: {  	v10 =	vadd.f32 v11, v10;
	v11 =	vadd.f32 v13, v15;
	v13 =	vld [tilespmem:$0x1FD70]  }
0x13c: {  	v21 =	vmul.f32 v22, v34;
	_ =	sdelay $0x1  }
0x13d: {  	v18 =	vadd.f32 $3.196978180e-07, v21;
	_ =	sdelay $0x1  }
0x13e: {  	v17 =	vadd.f32 $-1.270000000e+02, v18;
	v13 =	vcvt.s32.f32 v13;
	_ =	sdelay $0x1  }
0x13f: {  	v10 =	vadd.f32 v11, v10;
	v11 =	vadd.f32 v13, v17;
	v13 =	vld [tilespmem:$0x1FD40]  }
0x140: {  	v21 =	vmul.f32 v29, v50;
	_ =	sdelay $0x1  }
0x141: {  	v18 =	vadd.f32 $3.196978180e-07, v21;
	_ =	sdelay $0x1  }
0x142: {  	v15 =	vadd.f32 $-1.270000000e+02, v18;
	v13 =	vcvt.s32.f32 v13;
	_ =	sdelay $0x1  }
0x143: {  	v10 =	vadd.f32 v11, v10;
	v11 =	vadd.f32 v13, v15;
	v13 =	vld [tilespmem:$0x1FD50]  }
0x144: {  	v21 =	vmul.f32 v26, v42;
	_ =	sdelay $0x1  }
0x145: {  	v18 =	vadd.f32 $3.196978180e-07, v21;
	_ =	sdelay $0x1  }
0x146: {  	v17 =	vadd.f32 $-1.270000000e+02, v18;
	v13 =	vcvt.s32.f32 v13;
	_ =	sdelay $0x1  }
0x147: {  	v10 =	vadd.f32 v11, v10;
	v11 =	vadd.f32 v13, v17;
	v13 =	vld [tilespmem:$0x1FD10]  }
0x148: {  	v21 =	vmul.f32 v24, v52;
	_ =	sdelay $0x1  }
0x149: {  	v18 =	vadd.f32 $3.196978180e-07, v21;
	_ =	sdelay $0x1  }
0x14a: {  	v15 =	vadd.f32 $-1.270000000e+02, v18;
	v13 =	vcvt.s32.f32 v13;
	_ =	sdelay $0x1  }
0x14b: {  	v10 =	vadd.f32 v11, v10;
	v11 =	vadd.f32 v13, v15;
	v13 =	vld [tilespmem:$0x1FD20]  }
0x14c: {  	v21 =	vmul.f32 v23, v38;
	_ =	sdelay $0x1  }
0x14d: {  	v18 =	vadd.f32 $3.196978180e-07, v21;
	_ =	sdelay $0x1  }
0x14e: {  	v17 =	vadd.f32 $-1.270000000e+02, v18;
	v13 =	vcvt.s32.f32 v13;
	_ =	sdelay $0x1  }
0x14f: {  	v10 =	vadd.f32 v11, v10;
	v11 =	vadd.f32 v13, v17;
	v13 =	vld [tilespmem:$0x1FCE0]  }
0x150: {  	s12 =	sadd.s32 $0x80, s12;
	v20 =	vmul.f32 v20, v46  }
0x151: {  	s14 =	sand.u32 $0x3000, s13;
	s15 =	sand.u32 $0x380, s12  }
0x152: {  	s14 =	sor.u32 s15, s14;
	v18 =	vadd.f32 $3.196978180e-07, v20  }
0x153: {  	v41 =	vld [tilespmem:s14+$0x4C30]  }
0x154: {  	v30 =	vld [tilespmem:s14+$0x4830];
	v15 =	vadd.f32 $-1.270000000e+02, v18;
	v13 =	vcvt.s32.f32 v13  }
0x155: {  	v40 =	vld [tilespmem:s14+$0x4C00]  }
0x156: {  	v10 =	vadd.f32 v11, v10;
	v11 =	vadd.f32 v13, v15;
	v13 =	vld [tilespmem:$0x1FCF0]  }
0x157: {  	v43 =	vld [tilespmem:s14+$0x4C20];
	v20 =	vmul.f32 v12, v48  }
0x158: {  	v45 =	vld [tilespmem:s14+$0x4430]  }
0x159: {  	v0 =	vld [tilespmem:$0x1FE80];
	v18 =	vadd.f32 $3.196978180e-07, v20  }
0x15a: {  	v57 =	vmov v32;
	v32 =	vld [tilespmem:s14+$0x4840]  }
0x15b: {  	vm5 =	veq.s32 v40, $0x1;
	v40 =	vld [tilespmem:s14+$0x50];
	v17 =	vadd.f32 $-1.270000000e+02, v18;
	v13 =	vcvt.s32.f32 v13  }
0x15c: {  	v39 =	vld [tilespmem:s14+$0x4C40]  }
0x15d: {  	v10 =	vadd.f32 v11, v10;
	v11 =	vadd.f32 v13, v17;
	v13 =	vld [tilespmem:$0x1FD00]  }
0x15e: {  	v49 =	vld [tilespmem:s14+$0x4420];
	v20 =	vmul.f32 v16, v0  }
0x15f: {  	v1 =	vmul.f32 v3, v54;
	v3 =	vld [tilespmem:$0x1FFE0]  }
0x160: {  	v0 =	vld [tilespmem:$0x1FAD0];
	v18 =	vadd.f32 $3.196978180e-07, v20  }
0x161: {  	v62 =	vld [tilespmem:s14+$0x4C70]  }
0x162: {  	v55 =	vld [tilespmem:s14+$0x4860];
	v15 =	vadd.f32 $-1.270000000e+02, v18;
	v13 =	vcvt.s32.f32 v13  }
0x163: {  	v9 =	vadd.f32 $1.442652110e+00, v9;
	v34 =	vld [tilespmem:s14+$0x4850]  }
0x164: {  	v10 =	vadd.f32 v11, v10;
	v11 =	vadd.f32 v13, v15;
	v13 =	vld [tilespmem:$0x1FCB0]  }
0x165: {  	v9 =	vmul.f32 v9, v3;
	v3 =	vld [tilespmem:$0x1FFC0];
	v20 =	vmul.f32 v19, v0  }
0x166: {  	v22 =	vld [tilespmem:s14+$0x4470]  }
0x167: {  	v33 =	vld [tilespmem:s14+$0x4C50];
	v18 =	vadd.f32 $3.196978180e-07, v20  }
0x168: {  	v8 =	vadd.f32 $1.442652110e+00, v8;
	v28 =	vld [tilespmem:s14+$0x4820]  }
0x169: {  	v63 =	vld [tilespmem:s14+$0x4C60];
	v17 =	vadd.f32 $-1.270000000e+02, v18;
	v13 =	vcvt.s32.f32 v13  }
0x16a: {  	v8 =	vmul.f32 v8, v3;
	v3 =	vld [tilespmem:$0x1FFD0]  }
0x16b: {  	v10 =	vadd.f32 v11, v10;
	v11 =	vld [tilespmem:$0x1FCC0];
	v13 =	vadd.f32 v13, v17  }
0x16c: {  	v7 =	vadd.f32 $1.442652110e+00, v7;
	vm7 =	veq.s32 v32, $0x1;
	v31 =	vld [tilespmem:s14+$0xC40]  }
0x16d: {  	vm14 =	veq.s32 v62, $0x1;
	v62 =	vimm.s32 $0x0;
	v13 =	vadd.f32 v13, v10;
	v10 =	vld [tilespmem:$0x1FCD0]  }
0x16e: {  	v27 =	vld [tilespmem:s14+$0x4810];
	v1 =	vadd.f32 $3.196978180e-07, v1;
	vm0 =	veq.s32 v63, $0x1;
	v18 =	vmul.f32 v4, v44  }
0x16f: {  	v25 =	vld [tilespmem:s14+$0x4800];
	v35 =	vsel vm0, $0xFFFFFFFF, v62;
	v62 =	vimm.s32 $0x0;
	v7 =	vmul.f32 v7, v3  }
0x170: {  	v3 =	vld [tilespmem:$0x1FAE0];
	v18 =	vadd.f32 $3.196978180e-07, v18;
	v15 =	vadd.f32 $-1.270000000e+02, v1;
	v17 =	vcvt.s32.f32 v11  }
0x171: {  	v2 =	vld [tilespmem:s14+$0xC70];
	v32 =	vsel vm7, $0xFFFFFFFF, v62  }
0x172: {  	v62 =	vld [tilespmem:s14+$0x4000];
	v18 =	vadd.f32 $-1.270000000e+02, v18;
	v15 =	vadd.f32 v17, v15;
	v17 =	vcvt.s32.f32 v10  }
0x173: {  	v14 =	vadd.f32 $1.442652110e+00, v14;
	v5 =	vld [tilespmem:s14+$0xC60]  }
0x174: {  	v13 =	vadd.f32 v15, v13;
	v15 =	vadd.f32 v17, v18;
	v17 =	vld [tilespmem:$0x1FC80]  }
0x175: {  	v14 =	vmul.f32 v14, v53;
	v51 =	vmul.f32 v3, v36;
	v3 =	vld [tilespmem:$0x1FAF0]  }
0x176: {  	v13 =	vadd.f32 v15, v13;
	v15 =	vld [tilespmem:$0x1FC90]  }
0x177: {  	v14 =	vadd.f32 $3.196978180e-07, v14;
	v6 =	vld [tilespmem:s14+$0xC50]  }
0x178: {  	v29 =	vld [tilespmem:s14+$0xC30]  }
0x179: {  	v14 =	vadd.f32 $-1.270000000e+02, v14;
	v9 =	vadd.f32 $3.196978180e-07, v9;
	v50 =	vld [tilespmem:s14+$0x4410];
	v17 =	vcvt.s32.f32 v17  }
0x17a: {  	v26 =	vld [tilespmem:s14+$0xC20]  }
0x17b: {  	v42 =	vld [tilespmem:s14+$0x4C10];
	v18 =	vadd.f32 $-1.270000000e+02, v9;
	v14 =	vadd.f32 v17, v14;
	v15 =	vcvt.s32.f32 v15  }
0x17c: {  	v7 =	vadd.f32 $3.196978180e-07, v7;
	v24 =	vld [tilespmem:s14+$0xC10]  }
0x17d: {  	v13 =	vadd.f32 v14, v13;
	v14 =	vadd.f32 v15, v18;
	v15 =	vld [tilespmem:$0x1FCA0]  }
0x17e: {  	v52 =	vadd.f32 $-1.270000000e+02, v7;
	v7 =	vld [tilespmem:s14+$0x450]  }
0x17f: {  	v4 =	vld [tilespmem:$0x1FFB0]  }
0x180: {  	v8 =	vadd.f32 $3.196978180e-07, v8;
	v23 =	vld [tilespmem:s14+$0xC00]  }
0x181: {  	v38 =	vld [tilespmem:s14+$0x4870]  }
0x182: {  	v21 =	vadd.f32 $-1.270000000e+02, v8;
	v8 =	vld [tilespmem:s14+$0x460];
	v15 =	vcvt.s32.f32 v15  }
0x183: {  	vm13 =	veq.s32 v41, $0x1;
	v44 =	vadd.f32 $3.196978180e-07, v51;
	v51 =	vld [tilespmem:s14+$0x4400]  }
0x184: {  	v4 =	vmul.f32 v3, v4;
	v13 =	vadd.f32 v14, v13;
	v14 =	vadd.f32 v15, v21;
	v15 =	vld [tilespmem:$0x1FC50]  }
0x185: {  	vm9 =	veq.s32 v30, $0x1;
	v30 =	vimm.s32 $0x0;
	vm12 =	veq.s32 v43, $0x1;
	v3 =	vld [tilespmem:$0x1FFA0]  }
0x186: {  	v30 =	vsel vm9, $0xFFFFFFFF, v30;
	vm11 =	veq.s32 v39, $0x1;
	v53 =	vadd.f32 $3.196978180e-07, v4;
	v4 =	vld [tilespmem:$0x1FB00]  }
0x187: {  	vm6 =	veq.s32 v55, $0x1;
	vm8 =	veq.s32 v34, $0x1;
	v37 =	vsub.f32 $1.000000000e+00, v2;
	v0 =	vld [tilespmem:s14+$0x830]  }
0x188: {  	vm10 =	veq.s32 v33, $0x1;
	v39 =	vsub.f32 $1.000000000e+00, v31;
	vm0 =	veq.s32 v62, $0x1;
	v12 =	vld [tilespmem:s14+$0x870]  }
0x189: {  	v2 =	vsel vm14, v2, v37;
	v41 =	vsub.f32 $1.000000000e+00, v29;
	v16 =	vld [tilespmem:s14+$0x860];
	v15 =	vcvt.s32.f32 v15  }
0x18a: {  	vm15 =	veq.s32 v42, $0x1;
	v42 =	vsub.f32 $1.000000000e+00, v24;
	v20 =	vld [tilespmem:s14+$0x840];
	vm9 =	veq.s32 v51, $0x1  }
0x18b: {  	v51 =	vld [tilespmem:s14+$0x0];
	v54 =	vmul.f32 v4, v3;
	v13 =	vadd.f32 v14, v13;
	v14 =	vadd.f32 v15, v52  }
0x18c: {  	[tilespmem:$0x1FBB0] =	vst v30;
	vm4 =	veq.s32 v38, $0x1;
	v38 =	vsub.f32 $1.000000000e+00, v23;
	v30 =	vsub.f32 $1.000000000e+00, v0;
	v3 =	vld [tilespmem:$0x1FB10]  }
0x18d: {  	v47 =	vadd.f32 $3.196978180e-07, v54;
	v54 =	vimm.s32 $0x0;
	v14 =	vadd.f32 v14, v13;
	v13 =	vld [tilespmem:$0x1FC70]  }
0x18e: {  	v1 =	vld [tilespmem:s14+$0x820];
	v46 =	vadd.f32 $-1.270000000e+02, v53;
	v53 =	vimm.s32 $0x0;
	v36 =	vsel vm11, $0xFFFFFFFF, v54  }
0x18f: {  	v33 =	vsel vm10, $0xFFFFFFFF, v53;
	vm10 =	veq.s32 v27, $0x1;
	v27 =	vimm.s32 $0x0;
	[tilespmem:$0x1FB20] =	vst v36;
	v15 =	vld [tilespmem:$0x1FC60]  }
0x190: {  	v55 =	vsub.f32 $1.000000000e+00, v20;
	v44 =	vadd.f32 $-1.270000000e+02, v44;
	v27 =	vsel vm10, $0xFFFFFFFF, v27;
	v37 =	vld [tilespmem:$0x1FB20]  }
0x191: {  	v19 =	vld [tilespmem:s14+$0x850];
	v53 =	vsub.f32 $1.000000000e+00, v12;
	v62 =	vsub.f32 $1.000000000e+00, v51;
	[tilespmem:$0x1FBF0] =	vst v27;
	v27 =	vimm.s32 $0x0  }
0x192: {  	vm11 =	veq.s32 v28, $0x1;
	v56 =	vmul.f32 v3, v57;
	v57 =	vcvt.s32.f32 v13;
	v13 =	vld [tilespmem:$0x1FD60]  }
0x193: {  	[tilespmem:$0x1FB30] =	vst v33;
	v33 =	vsub.f32 $1.000000000e+00, v6;
	vm10 =	veq.s32 v50, $0x1;
	v54 =	vld [tilespmem:s14+$0x4040];
	v27 =	vsel vm11, $0xFFFFFFFF, v27  }
0x194: {  	v28 =	vld [tilespmem:s14+$0x30];
	v47 =	vadd.f32 $-1.270000000e+02, v47;
	[tilespmem:$0x1FC00] =	vst v27;
	v27 =	vsub.f32 $1.000000000e+00, v1;
	v15 =	vcvt.s32.f32 v15  }
0x195: {  	v48 =	vadd.f32 $3.196978180e-07, v56;
	v56 =	vimm.s32 $0x0;
	vm14 =	vnez.u8 v37;
	v37 =	vld [tilespmem:$0x1FB30]  }
0x196: {  	v36 =	vsel vm12, $0xFFFFFFFF, v56;
	v56 =	vld [tilespmem:s14+$0x4030];
	vm12 =	veq.s32 v25, $0x1;
	v15 =	vadd.f32 v15, v44  }
0x197: {  	[tilespmem:$0x1FB40] =	vst v35;
	v10 =	vld [tilespmem:s14+$0x800];
	v44 =	vadd.f32 v57, v46;
	v57 =	vimm.s32 $0x0;
	v58 =	vshrl.u32 v13, $0x17  }
0x198: {  	[tilespmem:$0x1FB60] =	vst v36;
	v18 =	vld [tilespmem:s14+$0x4450];
	v36 =	vsel vm13, $0xFFFFFFFF, v57;
	v59 =	vcvt.s32.f32 v58;
	v58 =	vimm.s32 $0x0  }
0x199: {  	v4 =	vld [tilespmem:s14+$0x440];
	v25 =	vimm.s32 $0x0;
	vm2 =	veq.s32 v54, $0x1;
	[tilespmem:$0x1FB70] =	vst v36;
	v36 =	vsel vm15, $0xFFFFFFFF, v58  }
0x19a: {  	v54 =	vsub.f32 $1.000000000e+00, v40;
	v31 =	vsel vm14, v31, v39;
	vm14 =	vnez.u8 v37;
	v37 =	vld [tilespmem:$0x1FB40];
	[tilespmem:$0x1FB50] =	vst v36  }
0x19b: {  	v48 =	vadd.f32 $-1.270000000e+02, v48;
	v25 =	vsel vm12, $0xFFFFFFFF, v25;
	vm12 =	veq.s32 v45, $0x1;
	v39 =	vld [tilespmem:$0x1FB50]  }
0x19c: {  	vm3 =	veq.s32 v56, $0x1;
	v56 =	vsub.f32 $1.000000000e+00, v28;
	v15 =	vadd.f32 v15, v14;
	v14 =	vld [tilespmem:$0x1FD30]  }
0x19d: {  	[tilespmem:$0x1FBE0] =	vst v25;
	v25 =	vsub.f32 $1.000000000e+00, v10;
	v17 =	vld [tilespmem:s14+$0x4460];
	vm11 =	veq.s32 v18, $0x1;
	v18 =	vsub.f32 $1.000000000e+00, v7  }
0x19e: {  	v11 =	vld [tilespmem:s14+$0x810];
	v28 =	vsel vm3, v28, v56;
	v46 =	vadd.f32 v59, v47;
	v47 =	vsub.f32 $1.000000000e+00, v5  }
0x19f: {  	v3 =	vld [tilespmem:s14+$0x430];
	v6 =	vsel vm14, v6, v33;
	v28 =	vmax.f32 v28, $1.000000010e-07;
	vm14 =	vnez.u8 v37  }
0x1a0: {  	v45 =	vld [tilespmem:s14+$0x10];
	v7 =	vsel vm11, v7, v18;
	v5 =	vsel vm14, v5, v47;
	vm14 =	vnez.u8 v39  }
0x1a1: {  	vm13 =	veq.s32 v22, $0x1;
	v60 =	vshrl.u32 v14, $0x17;
	v24 =	vsel vm14, v24, v42;
	v42 =	vld [tilespmem:$0x1FB60]  }
0x1a2: {  	v21 =	vld [tilespmem:s14+$0x4440];
	v44 =	vadd.f32 v44, v15;
	vm15 =	veq.s32 v17, $0x1;
	v61 =	vcvt.s32.f32 v60  }
0x1a3: {  	v9 =	vld [tilespmem:s14+$0x470];
	v17 =	vimm.s32 $0x0;
	v59 =	vimm.s32 $0x0;
	v60 =	vimm.s32 $0x0  }
0x1a4: {  	v22 =	vld [tilespmem:s14+$0x20];
	v36 =	vsel vm4, $0xFFFFFFFF, v59;
	v63 =	vadd.f32 v46, v44;
	v52 =	vadd.f32 v61, v48  }
0x1a5: {  	v14 =	vld [tilespmem:s14+$0x410];
	v44 =	vsub.f32 $1.000000000e+00, v26;
	[tilespmem:$0x1FB90] =	vst v36;
	v36 =	vsel vm5, $0xFFFFFFFF, v60;
	v61 =	vimm.s32 $0x0  }
0x1a6: {  	v58 =	vld [tilespmem:s14+$0x4020];
	v17 =	vsel vm13, $0xFFFFFFFF, v17;
	[tilespmem:$0x1FBA0] =	vst v36;
	v36 =	vsel vm6, $0xFFFFFFFF, v61;
	vm14 =	vnez.u8 v42  }
0x1a7: {  	vm13 =	veq.s32 v21, $0x1;
	v21 =	vsub.f32 $1.000000000e+00, v4;
	[tilespmem:$0x1FB80] =	vst v36;
	v26 =	vsel vm14, v26, v44;
	v44 =	vld [tilespmem:$0x1FB70]  }
0x1a8: {  	v6 =	vmax.f32 v6, $1.000000010e-07;
	v7 =	vmax.f32 v7, $1.000000010e-07;
	v59 =	vsub.f32 $1.000000000e+00, v8;
	v47 =	vld [tilespmem:$0x1FB80]  }
0x1a9: {  	v57 =	vsub.f32 $1.000000000e+00, v11;
	v15 =	vld [tilespmem:s14+$0x400];
	[tilespmem:$0x1FC10] =	vst v17;
	v17 =	vsub.f32 $1.000000000e+00, v9;
	v4 =	vsel vm13, v4, v21  }
0x1aa: {  	v13 =	vld [tilespmem:s14+$0x420];
	v61 =	vsub.f32 $1.000000000e+00, v3;
	v8 =	vsel vm15, v8, v59;
	v4 =	vmax.f32 v4, $1.000000010e-07  }
0x1ab: {  	v46 =	vld [tilespmem:s14+$0x4070];
	v35 =	vadd.f32 v52, v63;
	v36 =	vsub.f32 $1.000000000e+00, v16;
	v63 =	vimm.s32 $0x0  }
0x1ac: {  	v48 =	vld [tilespmem:s14+$0x70];
	v50 =	vsub.f32 $1.000000000e+00, v14;
	vm4 =	veq.s32 v58, $0x1;
	vm14 =	vnez.u8 v44  }
0x1ad: {  	v60 =	vld [tilespmem:s14+$0x4010];
	v58 =	vsub.f32 $1.000000000e+00, v45;
	v29 =	vsel vm14, v29, v41;
	vm14 =	vnez.u8 v47  }
0x1ae: {  	[tilespmem:$0x1FBC0] =	vst v32;
	v8 =	vmax.f32 v8, $1.000000010e-07;
	v32 =	vsel vm8, $0xFFFFFFFF, v63;
	v16 =	vsel vm14, v16, v36;
	v36 =	vld [tilespmem:$0x1FB90]  }
0x1af: {  	v37 =	vld [tilespmem:$0x1FBA0];
	vm8 =	veq.s32 v49, $0x1;
	v49 =	vsub.f32 $1.000000000e+00, v13;
	v63 =	vsub.f32 $1.000000000e+00, v15  }
0x1b0: {  	v18 =	vld [tilespmem:$0x1FC10];
	v3 =	vsel vm12, v3, v61;
	[tilespmem:$0x1FBD0] =	vst v32;
	v32 =	vsub.f32 $1.000000000e+00, v19;
	v14 =	vsel vm10, v14, v50  }
0x1b1: {  	v39 =	vmax.f32 v5, $1.000000010e-07;
	v5 =	vmax.f32 v31, $1.000000010e-07;
	v3 =	vmax.f32 v3, $1.000000010e-07  }
0x1b2: {  	v34 =	vld [tilespmem:s14+$0x40];
	v31 =	vshrl.u32 v8, $0x17;
	v8 =	vand.u32 $0x7FFFFF, v8;
	vm5 =	veq.s32 v46, $0x1  }
0x1b3: {  	v52 =	vld [tilespmem:s14+$0x4050];
	v46 =	vsub.f32 $1.000000000e+00, v48;
	vm1 =	veq.s32 v60, $0x1;
	vm14 =	vnez.u8 v36  }
0x1b4: {  	v60 =	vsub.f32 $1.000000000e+00, v22;
	v12 =	vsel vm14, v12, v53;
	vm14 =	vnez.u8 v37  }
0x1b5: {  	vm15 =	vnez.u8 v18;
	v13 =	vsel vm8, v13, v49;
	v23 =	vsel vm14, v23, v38;
	v38 =	vld [tilespmem:$0x1FBB0]  }
0x1b6: {  	v15 =	vsel vm9, v15, v63;
	v14 =	vmax.f32 v14, $1.000000010e-07;
	v8 =	vor.u32 $0x3F800000, v8  }
0x1b7: {  	v9 =	vsel vm15, v9, v17;
	v24 =	vmax.f32 v24, $1.000000010e-07;
	v13 =	vmax.f32 v13, $1.000000010e-07  }
0x1b8: {  	v43 =	vld [tilespmem:s14+$0x60];
	v15 =	vmax.f32 v15, $1.000000010e-07;
	vm6 =	veq.s32 v52, $0x1;
	v52 =	vsub.f32 $1.000000000e+00, v34  }
0x1b9: {  	[tilespmem:$0x1FC40] =	vst v35;
	v35 =	vld [tilespmem:s14+$0x4060];
	v17 =	vsel vm5, v48, v46;
	v22 =	vsel vm4, v22, v60;
	v9 =	vmax.f32 v9, $1.000000010e-07  }
0x1ba: {  	v46 =	vshrl.u32 v14, $0x17;
	v14 =	vand.u32 $0x7FFFFF, v14;
	vm14 =	vnez.u8 v38  }
0x1bb: {  	v60 =	vadd.f32 $-1.000000000e+00, v8;
	v21 =	vsel vm6, v40, v54;
	v0 =	vsel vm14, v0, v30;
	v30 =	vld [tilespmem:$0x1FBC0]  }
0x1bc: {  	v40 =	vmax.f32 v2, $1.000000010e-07;
	v17 =	vmax.f32 v17, $1.000000010e-07;
	v22 =	vmax.f32 v22, $1.000000010e-07  }
0x1bd: {  	[tilespmem:$0x1FD40] =	vst v31;
	v31 =	vshrl.u32 v9, $0x17;
	v9 =	vand.u32 $0x7FFFFF, v9;
	v14 =	vor.u32 $0x3F800000, v14  }
0x1be: {  	vm7 =	veq.s32 v35, $0x1;
	v35 =	vsub.f32 $1.000000000e+00, v43;
	v18 =	vsel vm2, v34, v52  }
0x1bf: {  	v21 =	vmax.f32 v21, $1.000000010e-07;
	[tilespmem:$0x1FD50] =	vst v31;
	v31 =	vand.u32 $0x7FFFFF, v39;
	v52 =	vshrl.u32 v28, $0x17  }
0x1c0: {  	v9 =	vor.u32 $0x3F800000, v9;
	v18 =	vmax.f32 v18, $1.000000010e-07;
	vm14 =	vnez.u8 v30;
	v30 =	vld [tilespmem:$0x1FBD0]  }
0x1c1: {  	v42 =	vshrl.u32 v3, $0x17;
	v48 =	vshrl.u32 v21, $0x17;
	v3 =	vand.u32 $0x7FFFFF, v3  }
0x1c2: {  	v21 =	vand.u32 $0x7FFFFF, v21;
	v34 =	vadd.f32 $-1.000000000e+00, v9;
	v50 =	vshrl.u32 v18, $0x17  }
0x1c3: {  	v18 =	vand.u32 $0x7FFFFF, v18;
	v3 =	vor.u32 $0x3F800000, v3;
	v26 =	vmax.f32 v26, $1.000000010e-07  }
0x1c4: {  	v44 =	vshrl.u32 v13, $0x17;
	v13 =	vand.u32 $0x7FFFFF, v13;
	v41 =	vshrl.u32 v7, $0x17  }
0x1c5: {  	v47 =	vshrl.u32 v17, $0x17;
	v20 =	vsel vm14, v20, v55;
	vm14 =	vnez.u8 v30;
	v30 =	vld [tilespmem:$0x1FBE0]  }
0x1c6: {  	v7 =	vand.u32 $0x7FFFFF, v7;
	v17 =	vand.u32 $0x7FFFFF, v17;
	v13 =	vor.u32 $0x3F800000, v13  }
0x1c7: {  	v2 =	vmax.f32 v29, $1.000000010e-07;
	v7 =	vor.u32 $0x3F800000, v7;
	v16 =	vmax.f32 v16, $1.000000010e-07  }
0x1c8: {  	v12 =	vmax.f32 v12, $1.000000010e-07;
	v23 =	vmax.f32 v23, $1.000000010e-07;
	v38 =	vadd.f32 $-1.000000000e+00, v7  }
0x1c9: {  	v0 =	vmax.f32 v0, $1.000000010e-07;
	v55 =	vand.u32 $0x7FFFFF, v28;
	v19 =	vsel vm14, v19, v32  }
0x1ca: {  	v20 =	vmax.f32 v20, $1.000000010e-07;
	v19 =	vmax.f32 v19, $1.000000010e-07;
	vm14 =	vnez.u8 v30  }
0x1cb: {  	v30 =	vsel vm0, v51, v62;
	v51 =	vshrl.u32 v22, $0x17;
	v22 =	vand.u32 $0x7FFFFF, v22  }
0x1cc: {  	v10 =	vsel vm14, v10, v25;
	v29 =	vmax.f32 v30, $1.000000010e-07;
	v30 =	vshrl.u32 v2, $0x17  }
0x1cd: {  	v2 =	vand.u32 $0x7FFFFF, v2;
	v10 =	vmax.f32 v10, $1.000000010e-07;
	[tilespmem:$0x1FC50] =	vst v30;
	v30 =	vshrl.u32 v5, $0x17  }
0x1ce: {  	[tilespmem:$0x1FDE0] =	vst v48;
	v5 =	vand.u32 $0x7FFFFF, v5;
	v54 =	vshrl.u32 v29, $0x17;
	v29 =	vand.u32 $0x7FFFFF, v29  }
0x1cf: {  	v2 =	vor.u32 $0x3F800000, v2;
	[tilespmem:$0x1FC60] =	vst v30;
	v30 =	vshrl.u32 v6, $0x17;
	v6 =	vand.u32 $0x7FFFFF, v6  }
0x1d0: {  	[tilespmem:$0x1FDA0] =	vst v44;
	v25 =	vld [tilespmem:$0x1FBF0];
	v5 =	vor.u32 $0x3F800000, v5;
	v44 =	vadd.f32 $-1.000000000e+00, v2;
	v8 =	vor.u32 $0x3F800000, v29  }
0x1d1: {  	[tilespmem:$0x1FC70] =	vst v30;
	v30 =	vshrl.u32 v23, $0x17;
	v23 =	vand.u32 $0x7FFFFF, v23;
	v6 =	vor.u32 $0x3F800000, v6  }
0x1d2: {  	[tilespmem:$0x1FE00] =	vst v50;
	v48 =	vadd.f32 $-1.000000000e+00, v5;
	v5 =	vor.u32 $0x3F800000, v17;
	v50 =	vadd.f32 $-1.000000000e+00, v8  }
0x1d3: {  	[tilespmem:$0x1FC80] =	vst v30;
	v30 =	vshrl.u32 v24, $0x17;
	v24 =	vand.u32 $0x7FFFFF, v24;
	v23 =	vor.u32 $0x3F800000, v23  }
0x1d4: {  	[tilespmem:$0x1FD70] =	vst v41;
	v41 =	vadd.f32 $-1.000000000e+00, v6;
	v6 =	vor.u32 $0x3F800000, v21;
	v9 =	vmul.f32 $1.477872110e-02, v44  }
0x1d5: {  	v36 =	vadd.f32 $-1.000000000e+00, v5;
	vm14 =	vnez.u8 v25;
	[tilespmem:$0x1FC90] =	vst v30;
	v30 =	vshrl.u32 v26, $0x17  }
0x1d6: {  	[tilespmem:$0x1FE10] =	vst v51;
	v26 =	vand.u32 $0x7FFFFF, v26;
	v24 =	vor.u32 $0x3F800000, v24;
	v51 =	vadd.f32 $-1.000000000e+00, v23  }
0x1d7: {  	v37 =	vmul.f32 $1.477872110e-02, v50;
	v11 =	vsel vm14, v11, v57;
	[tilespmem:$0x1FCA0] =	vst v30;
	v30 =	vshrl.u32 v19, $0x17  }
0x1d8: {  	v25 =	vld [tilespmem:$0x1FC00];
	v19 =	vand.u32 $0x7FFFFF, v19;
	v26 =	vor.u32 $0x3F800000, v26;
	v24 =	vadd.f32 $-1.000000000e+00, v24  }
0x1d9: {  	v9 =	vadd.f32 $-7.684872300e-02, v9;
	v11 =	vmax.f32 v11, $1.000000010e-07;
	[tilespmem:$0x1FCB0] =	vst v30;
	v30 =	vshrl.u32 v16, $0x17  }
0x1da: {  	v16 =	vand.u32 $0x7FFFFF, v16;
	v19 =	vor.u32 $0x3F800000, v19;
	v57 =	vadd.f32 $-1.000000000e+00, v26  }
0x1db: {  	v37 =	vadd.f32 $-7.684872300e-02, v37;
	[tilespmem:$0x1FCC0] =	vst v30;
	v30 =	vshrl.u32 v12, $0x17;
	v12 =	vand.u32 $0x7FFFFF, v12  }
0x1dc: {  	v16 =	vor.u32 $0x3F800000, v16;
	v62 =	vadd.f32 $-1.000000000e+00, v19;
	v5 =	vmul.f32 $1.477872110e-02, v24  }
0x1dd: {  	v9 =	vmul.f32 v9, v44;
	v12 =	vor.u32 $0x3F800000, v12;
	v37 =	vmul.f32 v37, v50  }
0x1de: {  	vm14 =	vnez.u8 v25;
	v25 =	vsel vm7, v43, v35;
	v43 =	vshrl.u32 v4, $0x17  }
0x1df: {  	v4 =	vand.u32 $0x7FFFFF, v4;
	v17 =	vadd.f32 $-1.000000000e+00, v12;
	v12 =	vor.u32 $0x3F800000, v18  }
0x1e0: {  	v5 =	vadd.f32 $-7.684872300e-02, v5;
	v9 =	vadd.f32 $1.904208360e-01, v9;
	v1 =	vsel vm14, v1, v27  }
0x1e1: {  	v27 =	vsel vm1, v45, v58;
	v25 =	vmax.f32 v25, $1.000000010e-07;
	v45 =	vshrl.u32 v15, $0x17  }
0x1e2: {  	v15 =	vand.u32 $0x7FFFFF, v15;
	v4 =	vor.u32 $0x3F800000, v4;
	v58 =	vadd.f32 $-1.000000000e+00, v16  }
0x1e3: {  	[tilespmem:$0x1FD90] =	vst v43;
	v16 =	vor.u32 $0x3F800000, v55;
	v43 =	vadd.f32 $-1.000000000e+00, v6;
	v6 =	vmul.f32 $1.477872110e-02, v62  }
0x1e4: {  	v55 =	vadd.f32 $-1.000000000e+00, v12;
	v37 =	vadd.f32 $1.904208360e-01, v37;
	v1 =	vmax.f32 v1, $1.000000010e-07  }
0x1e5: {  	[tilespmem:$0x1FE40] =	vst v54;
	v27 =	vmax.f32 v27, $1.000000010e-07;
	v49 =	vshrl.u32 v25, $0x17;
	v25 =	vand.u32 $0x7FFFFF, v25  }
0x1e6: {  	[tilespmem:$0x1FDB0] =	vst v45;
	v15 =	vor.u32 $0x3F800000, v15;
	v54 =	vadd.f32 $-1.000000000e+00, v4;
	v45 =	vadd.f32 $-1.000000000e+00, v3  }
0x1e7: {  	v4 =	vmul.f32 $1.477872110e-02, v41;
	v56 =	vadd.f32 $-1.000000000e+00, v16;
	v9 =	vmul.f32 v9, v44  }
0x1e8: {  	[tilespmem:$0x1FCD0] =	vst v30;
	v30 =	vshrl.u32 v1, $0x17;
	v1 =	vand.u32 $0x7FFFFF, v1;
	v53 =	vshrl.u32 v27, $0x17  }
0x1e9: {  	[tilespmem:$0x1FDF0] =	vst v49;
	v27 =	vand.u32 $0x7FFFFF, v27;
	v2 =	vor.u32 $0x3F800000, v25;
	v49 =	vadd.f32 $-1.000000000e+00, v13  }
0x1ea: {  	v61 =	vadd.f32 $-1.000000000e+00, v15;
	v13 =	vmul.f32 $1.477872110e-02, v17;
	v15 =	vmul.f32 $1.477872110e-02, v58  }
0x1eb: {  	v25 =	vmul.f32 $1.477872110e-02, v36;
	v6 =	vadd.f32 $-7.684872300e-02, v6;
	v29 =	vmul.f32 $1.477872110e-02, v55  }
0x1ec: {  	v37 =	vmul.f32 v37, v50;
	[tilespmem:$0x1FCE0] =	vst v30;
	v30 =	vshrl.u32 v0, $0x17;
	v0 =	vand.u32 $0x7FFFFF, v0  }
0x1ed: {  	[tilespmem:$0x1FE30] =	vst v53;
	v1 =	vor.u32 $0x3F800000, v1;
	v53 =	vadd.f32 $-1.000000000e+00, v14;
	v14 =	vmul.f32 $1.477872110e-02, v51  }
0x1ee: {  	v63 =	vadd.f32 $-1.000000000e+00, v2;
	v8 =	vmul.f32 $1.477872110e-02, v45;
	v21 =	vmul.f32 $1.477872110e-02, v54  }
0x1ef: {  	v4 =	vadd.f32 $-7.684872300e-02, v4;
	v9 =	vadd.f32 $-3.231159450e-01, v9;
	[tilespmem:$0x1FCF0] =	vst v30;
	v30 =	vshrl.u32 v20, $0x17  }
0x1f0: {  	v20 =	vand.u32 $0x7FFFFF, v20;
	v15 =	vadd.f32 $-7.684872300e-02, v15;
	v13 =	vadd.f32 $-7.684872300e-02, v13  }
0x1f1: {  	v0 =	vor.u32 $0x3F800000, v0;
	v25 =	vadd.f32 $-7.684872300e-02, v25;
	v29 =	vadd.f32 $-7.684872300e-02, v29  }
0x1f2: {  	v6 =	vmul.f32 v6, v62;
	v37 =	vadd.f32 $-3.231159450e-01, v37;
	[tilespmem:$0x1FD00] =	vst v30;
	v30 =	vshrl.u32 v10, $0x17  }
0x1f3: {  	[tilespmem:$0x1FD80] =	vst v42;
	v10 =	vand.u32 $0x7FFFFF, v10;
	v20 =	vor.u32 $0x3F800000, v20;
	v42 =	vadd.f32 $-1.000000000e+00, v0  }
0x1f4: {  	v0 =	vor.u32 $0x3F800000, v22;
	v22 =	vmul.f32 $1.477872110e-02, v49;
	v23 =	vmul.f32 $1.477872110e-02, v53  }
0x1f5: {  	v14 =	vadd.f32 $-7.684872300e-02, v14;
	v26 =	vmul.f32 $1.477872110e-02, v63;
	v21 =	vadd.f32 $-7.684872300e-02, v21  }
0x1f6: {  	v8 =	vadd.f32 $-7.684872300e-02, v8;
	v4 =	vmul.f32 v4, v41;
	v9 =	vmul.f32 v9, v44  }
0x1f7: {  	[tilespmem:$0x1FD10] =	vst v30;
	v30 =	vshrl.u32 v11, $0x17;
	v11 =	vand.u32 $0x7FFFFF, v11;
	v59 =	vadd.f32 $-1.000000000e+00, v20  }
0x1f8: {  	[tilespmem:$0x1FE20] =	vst v52;
	v2 =	vmovc v17;
	v52 =	vadd.f32 $-1.000000000e+00, v0;
	v0 =	vmul.f32 $1.477872110e-02, v34;
	v20 =	vmul.f32 $1.477872110e-02, v60  }
0x1f9: {  	v10 =	vor.u32 $0x3F800000, v10;
	v15 =	vmul.f32 v15, v58;
	v13 =	vmul.f32 v13, v2  }
0x1fa: {  	v25 =	vmul.f32 v25, v36;
	v6 =	vadd.f32 $1.904208360e-01, v6;
	v29 =	vmul.f32 v29, v55  }
0x1fb: {  	[tilespmem:$0x1FD20] =	vst v30;
	v30 =	vand.u32 $0x7FFFFF, v40;
	v32 =	vadd.f32 $-1.000000000e+00, v10;
	v10 =	vmul.f32 $1.477872110e-02, v48  }
0x1fc: {  	[tilespmem:$0x1FD30] =	vst v40;
	v11 =	vor.u32 $0x3F800000, v11;
	v40 =	vmovc v24;
	v12 =	vmul.f32 $1.477872110e-02, v42;
	v24 =	vmul.f32 $1.477872110e-02, v61  }
0x1fd: {  	v22 =	vadd.f32 $-7.684872300e-02, v22;
	v23 =	vadd.f32 $-7.684872300e-02, v23;
	v14 =	vmul.f32 v14, v51  }
0x1fe: {  	v26 =	vadd.f32 $-7.684872300e-02, v26;
	v21 =	vmul.f32 v21, v54;
	v8 =	vmul.f32 v8, v45  }
0x1ff: {  	v4 =	vadd.f32 $1.904208360e-01, v4;
	v9 =	vadd.f32 $4.724995200e-01, v9;
	v28 =	vor.u32 $0x3F800000, v30  }
0x200: {  	v30 =	vor.u32 $0x3F800000, v31;
	v17 =	vmul.f32 $1.477872110e-02, v59;
	v20 =	vadd.f32 $-7.684872300e-02, v20  }
0x201: {  	v31 =	vmul.f32 $1.477872110e-02, v56;
	v0 =	vadd.f32 $-7.684872300e-02, v0;
	v13 =	vadd.f32 $1.904208360e-01, v13  }
0x202: {  	v33 =	vmul.f32 $1.477872110e-02, v52;
	v15 =	vadd.f32 $1.904208360e-01, v15;
	v25 =	vadd.f32 $1.904208360e-01, v25  }
0x203: {  	[tilespmem:$0x1FDD0] =	vst v47;
	v5 =	vmul.f32 v5, v40;
	v29 =	vadd.f32 $1.904208360e-01, v29;
	v47 =	vadd.f32 $-1.000000000e+00, v30  }
0x204: {  	[tilespmem:$0x1FD60] =	vst v39;
	v6 =	vmul.f32 v6, v62;
	v39 =	vadd.f32 $-1.000000000e+00, v28;
	v28 =	vadd.f32 $-1.000000000e+00, v1  }
0x205: {  	v30 =	vadd.f32 $-1.000000000e+00, v11;
	v1 =	vor.u32 $0x3F800000, v27;
	v11 =	vmul.f32 $1.477872110e-02, v57  }
0x206: {  	v19 =	vmul.f32 $1.477872110e-02, v32;
	v10 =	vadd.f32 $-7.684872300e-02, v10;
	v27 =	vmul.f32 $1.477872110e-02, v43  }
0x207: {  	v12 =	vadd.f32 $-7.684872300e-02, v12;
	v24 =	vadd.f32 $-7.684872300e-02, v24;
	v22 =	vmul.f32 v22, v49  }
0x208: {  	v23 =	vmul.f32 v23, v53;
	v26 =	vmul.f32 v26, v63;
	v14 =	vadd.f32 $1.904208360e-01, v14  }
0x209: {  	v8 =	vadd.f32 $1.904208360e-01, v8;
	v21 =	vadd.f32 $1.904208360e-01, v21;
	v4 =	vmul.f32 v4, v41  }
0x20a: {  	[tilespmem:$0x1FDC0] =	vst v46;
	v46 =	vadd.f32 $-1.000000000e+00, v1;
	v1 =	vmul.f32 $1.477872110e-02, v38;
	v17 =	vadd.f32 $-7.684872300e-02, v17  }
0x20b: {  	v31 =	vadd.f32 $-7.684872300e-02, v31;
	v20 =	vmul.f32 v20, v60;
	v0 =	vmul.f32 v0, v34  }
0x20c: {  	v33 =	vadd.f32 $-7.684872300e-02, v33;
	v15 =	vmul.f32 v15, v58;
	v13 =	vmul.f32 v13, v2  }
0x20d: {  	v5 =	vadd.f32 $1.904208360e-01, v5;
	v25 =	vmul.f32 v25, v36;
	v29 =	vmul.f32 v29, v55  }
0x20e: {  	v6 =	vadd.f32 $-3.231159450e-01, v6;
	v3 =	vmul.f32 $1.477872110e-02, v39;
	v7 =	vmul.f32 $1.477872110e-02, v47  }
0x20f: {  	v16 =	vmul.f32 $1.477872110e-02, v30;
	v18 =	vmul.f32 $1.477872110e-02, v28;
	v11 =	vadd.f32 $-7.684872300e-02, v11  }
0x210: {  	v19 =	vadd.f32 $-7.684872300e-02, v19;
	v10 =	vmul.f32 v10, v48;
	v27 =	vadd.f32 $-7.684872300e-02, v27  }
0x211: {  	v12 =	vmul.f32 v12, v42;
	v24 =	vmul.f32 v24, v61;
	v22 =	vadd.f32 $1.904208360e-01, v22  }
0x212: {  	v23 =	vadd.f32 $1.904208360e-01, v23;
	v14 =	vmul.f32 v14, v51;
	v26 =	vadd.f32 $1.904208360e-01, v26  }
0x213: {  	v21 =	vmul.f32 v21, v54;
	v8 =	vmul.f32 v8, v45;
	v4 =	vadd.f32 $-3.231159450e-01, v4  }
0x214: {  	v35 =	vmul.f32 $1.477872110e-02, v46;
	v1 =	vadd.f32 $-7.684872300e-02, v1;
	v17 =	vmul.f32 v17, v59  }
0x215: {  	v31 =	vmul.f32 v31, v56;
	v0 =	vadd.f32 $1.904208360e-01, v0;
	v20 =	vadd.f32 $1.904208360e-01, v20  }
0x216: {  	v33 =	vmul.f32 v33, v52;
	v15 =	vadd.f32 $-3.231159450e-01, v15;
	v13 =	vadd.f32 $-3.231159450e-01, v13  }
0x217: {  	v5 =	vmul.f32 v5, v40;
	v25 =	vadd.f32 $-3.231159450e-01, v25;
	v29 =	vadd.f32 $-3.231159450e-01, v29  }
0x218: {  	v6 =	vmul.f32 v6, v62;
	v7 =	vadd.f32 $-7.684872300e-02, v7;
	v3 =	vadd.f32 $-7.684872300e-02, v3  }
0x219: {  	v18 =	vadd.f32 $-7.684872300e-02, v18;
	v16 =	vadd.f32 $-7.684872300e-02, v16;
	v11 =	vmul.f32 v11, v57  }
0x21a: {  	v19 =	vmul.f32 v19, v32;
	v10 =	vadd.f32 $1.904208360e-01, v10;
	v27 =	vmul.f32 v27, v43  }
0x21b: {  	v12 =	vadd.f32 $1.904208360e-01, v12;
	v24 =	vadd.f32 $1.904208360e-01, v24;
	v22 =	vmul.f32 v22, v49  }
0x21c: {  	v23 =	vmul.f32 v23, v53;
	v26 =	vmul.f32 v26, v63;
	v14 =	vadd.f32 $-3.231159450e-01, v14  }
0x21d: {  	v21 =	vadd.f32 $-3.231159450e-01, v21;
	v8 =	vadd.f32 $-3.231159450e-01, v8;
	v4 =	vmul.f32 v4, v41  }
0x21e: {  	v35 =	vadd.f32 $-7.684872300e-02, v35;
	v1 =	vmul.f32 v1, v38;
	v17 =	vadd.f32 $1.904208360e-01, v17  }
0x21f: {  	v31 =	vadd.f32 $1.904208360e-01, v31;
	v20 =	vmul.f32 v20, v60;
	v0 =	vmul.f32 v0, v34  }
0x220: {  	v33 =	vadd.f32 $1.904208360e-01, v33;
	v13 =	vmul.f32 v13, v2;
	v25 =	vmul.f32 v25, v36  }
0x221: {  	v5 =	vadd.f32 $-3.231159450e-01, v5;
	v7 =	vmul.f32 v7, v47;
	v3 =	vmul.f32 v3, v39  }
0x222: {  	v18 =	vmul.f32 v18, v28;
	v16 =	vmul.f32 v16, v30;
	v11 =	vadd.f32 $1.904208360e-01, v11  }
0x223: {  	v19 =	vadd.f32 $1.904208360e-01, v19;
	v10 =	vmul.f32 v10, v48;
	v27 =	vadd.f32 $1.904208360e-01, v27  }
0x224: {  	v12 =	vmul.f32 v12, v42;
	v24 =	vmul.f32 v24, v61;
	v22 =	vadd.f32 $-3.231159450e-01, v22  }
0x225: {  	[tilespmem:$0x1FC20] =	vst v58;
	v58 =	vmovc v54;
	v23 =	vadd.f32 $-3.231159450e-01, v23;
	v14 =	vmul.f32 v14, v51;
	v8 =	vmul.f32 v8, v45  }
0x226: {  	v26 =	vadd.f32 $-3.231159450e-01, v26;
	v21 =	vmul.f32 v21, v58;
	v35 =	vmul.f32 v35, v46  }
0x227: {  	v1 =	vadd.f32 $1.904208360e-01, v1;
	v17 =	vmul.f32 v17, v59;
	v20 =	vadd.f32 $-3.231159450e-01, v20  }
0x228: {  	v31 =	vmul.f32 v31, v56;
	v0 =	vadd.f32 $-3.231159450e-01, v0;
	v13 =	vadd.f32 $4.724995200e-01, v13  }
0x229: {  	[tilespmem:$0x1FEE0] =	vst v60;
	v33 =	vmul.f32 v33, v52;
	v3 =	vadd.f32 $1.904208360e-01, v3;
	v7 =	vadd.f32 $1.904208360e-01, v7  }
0x22a: {  	[tilespmem:$0x1FEB0] =	vst v34;
	v5 =	vmul.f32 v5, v40;
	v16 =	vadd.f32 $1.904208360e-01, v16;
	v18 =	vadd.f32 $1.904208360e-01, v18  }
0x22b: {  	[tilespmem:$0x1FED0] =	vst v38;
	v11 =	vmul.f32 v11, v57;
	v19 =	vmul.f32 v19, v32;
	v10 =	vadd.f32 $-3.231159450e-01, v10  }
0x22c: {  	[tilespmem:$0x1FF90] =	vst v50;
	v27 =	vmul.f32 v27, v43;
	v12 =	vadd.f32 $-3.231159450e-01, v12;
	v24 =	vadd.f32 $-3.231159450e-01, v24  }
0x22d: {  	[tilespmem:$0x1FFB0] =	vst v41;
	v22 =	vmul.f32 v22, v49;
	v14 =	vadd.f32 $4.724995200e-01, v14;
	v35 =	vadd.f32 $1.904208360e-01, v35  }
0x22e: {  	[tilespmem:$0x1FF60] =	vst v55;
	v1 =	vmul.f32 v1, v38;
	v17 =	vadd.f32 $-3.231159450e-01, v17;
	v16 =	vmul.f32 v16, v30  }
0x22f: {  	[tilespmem:$0x1FE80] =	vst v59;
	v7 =	vmul.f32 v7, v47;
	v3 =	vmul.f32 v3, v39;
	v11 =	vadd.f32 $-3.231159450e-01, v11  }
0x230: {  	[tilespmem:$0x1FF80] =	vst v52;
	v55 =	vld [tilespmem:$0x1FE80];
	v18 =	vmul.f32 v18, v28;
	v19 =	vadd.f32 $-3.231159450e-01, v19;
	v16 =	vadd.f32 $-3.231159450e-01, v16  }
0x231: {  	v59 =	vmovc v42;
	v42 =	vmovc v62;
	v62 =	vld [tilespmem:$0x1FC20];
	v10 =	vmul.f32 v10, v48;
	v27 =	vadd.f32 $-3.231159450e-01, v27;
	v35 =	vmul.f32 v35, v46  }
0x232: {  	[tilespmem:$0x1FE90] =	vst v30;
	v3 =	vadd.f32 $-3.231159450e-01, v3;
	v16 =	vmul.f32 v16, v30;
	v30 =	vadd.f32 $4.724995200e-01, v4;
	v4 =	vld [tilespmem:$0x1FF80]  }
0x233: {  	[tilespmem:$0x1FC30] =	vst v46;
	v1 =	vadd.f32 $-3.231159450e-01, v1;
	v46 =	vmovc v51;
	v51 =	vmul.f32 v20, v60;
	v11 =	vmul.f32 v11, v57  }
0x234: {  	[tilespmem:$0x1FE50] =	vst v39;
	v60 =	vmovc v36;
	v36 =	vadd.f32 $4.724995200e-01, v5;
	v3 =	vmul.f32 v3, v39;
	v39 =	vmul.f32 v12, v59  }
0x235: {  	[tilespmem:$0x1FF10] =	vst v49;
	v12 =	vmul.f32 v17, v55;
	v17 =	vadd.f32 $-3.231159450e-01, v31;
	v31 =	vadd.f32 $-3.231159450e-01, v33  }
0x236: {  	[tilespmem:$0x1FFE0] =	vst v40;
	v7 =	vadd.f32 $-3.231159450e-01, v7;
	v15 =	vmul.f32 v15, v62;
	v41 =	vmul.f32 v19, v32  }
0x237: {  	[tilespmem:$0x1FEC0] =	vst v32;
	v18 =	vadd.f32 $-3.231159450e-01, v18;
	v32 =	vmul.f32 v24, v61;
	v40 =	vmovc v4;
	v49 =	vmul.f32 v31, v4;
	v4 =	vld [tilespmem:$0x1FC30]  }
0x238: {  	[tilespmem:$0x1FF30] =	vst v61;
	v10 =	vadd.f32 $4.724995200e-01, v10;
	v61 =	vmul.f32 v26, v63;
	v27 =	vmul.f32 v27, v43  }
0x239: {  	[tilespmem:$0x1FE60] =	vst v48;
	v35 =	vadd.f32 $-3.231159450e-01, v35;
	v24 =	vadd.f32 $4.724995200e-01, v51;
	v7 =	vmul.f32 v7, v47  }
0x23a: {  	v50 =	vmovc v57;
	[tilespmem:$0x1FEF0] =	vst v45;
	v33 =	vmul.f32 v0, v34;
	v34 =	vadd.f32 $4.724995200e-01, v11;
	v15 =	vadd.f32 $4.724995200e-01, v15  }
0x23b: {  	[tilespmem:$0x1FFC0] =	vst v50;
	v18 =	vmul.f32 v18, v28;
	v11 =	vadd.f32 $4.724995200e-01, v6;
	v0 =	vld [tilespmem:$0x1FF60];
	v20 =	vadd.f32 $4.724995200e-01, v41  }
0x23c: {  	[tilespmem:$0x1FF20] =	vst v53;
	v41 =	vadd.f32 $4.724995200e-01, v61;
	v45 =	vmul.f32 v17, v56;
	v17 =	vmovc v4;
	v51 =	vmul.f32 v35, v4;
	v4 =	vld [tilespmem:$0x1FF90]  }
0x23d: {  	[tilespmem:$0x1FEA0] =	vst v28;
	v52 =	vmovc v47;
	v47 =	vmul.f32 v1, v38;
	v7 =	vadd.f32 $4.724995200e-01, v7;
	v28 =	vadd.f32 $4.724995200e-01, v3  }
0x23e: {  	[tilespmem:$0x1FFF0] =	vst v2;
	v5 =	vmul.f32 v10, v48;
	v6 =	vld [tilespmem:$0x1FFB0];
	v12 =	vadd.f32 $4.724995200e-01, v12;
	v19 =	vadd.f32 $4.724995200e-01, v39  }
0x23f: {  	v54 =	vmovc v44;
	[tilespmem:$0x1FF00] =	vst v58;
	v2 =	vmovc v63;
	v63 =	vld [tilespmem:$0x1FFE0];
	v3 =	vmul.f32 v23, v53;
	v1 =	vadd.f32 $4.724995200e-01, v16;
	v23 =	vadd.f32 $4.724995200e-01, v33  }
0x240: {  	[tilespmem:$0x1FFD0] =	vst v54;
	v10 =	vmul.f32 v14, v46;
	v14 =	vld [tilespmem:$0x1FFF0];
	v26 =	vadd.f32 $4.724995200e-01, v47;
	v33 =	vadd.f32 $4.724995200e-01, v22  }
0x241: {  	p1 =	sne.s32 s13, $0x3E00;
	v58 =	vmovc v43;
	v43 =	vmul.f32 v29, v0;
	v29 =	vadd.f32 $4.724995200e-01, v21;
	v21 =	vmovc v4;
	v53 =	vmul.f32 v37, v4;
	v4 =	vld [tilespmem:$0x1FE50]  }
.Ltmp0:
0x242: {  	[tilespmem:$0x1FFA0] =	vst v52;
	v39 =	vadd.f32 $4.724995200e-01, v25;
	v47 =	vadd.f32 $4.724995200e-01, v27;
	(pc) =	sbr.rel @p1 .LBB2_3-.Ltmp0, $4  }
0x243: {  	v57 =	vmovc v56;
	v25 =	vmovc v46;
	v16 =	vmul.f32 v15, v62;
	v31 =	vadd.f32 $4.724995200e-01, v8;
	v6 =	vmul.f32 v30, v6  }
0x244: {  	v27 =	vmovc v62;
	v44 =	vmovc v0;
	v8 =	vmul.f32 v34, v50;
	v35 =	vadd.f32 $4.724995200e-01, v3;
	v3 =	vmul.f32 v7, v52  }
0x245: {  	v0 =	vadd.f32 $4.724995200e-01, v18;
	v50 =	vmovc v59;
	v7 =	vmul.f32 v9, v54;
	v9 =	vmul.f32 v36, v63;
	v54 =	vmovc v14  }
0x246: {  	s13 =	sadd.s32 $0x200, s13;
	v14 =	vmul.f32 v13, v14;
	v37 =	vadd.f32 $4.724995200e-01, v32;
	v32 =	vmovc v42;
	v4 =	vmul.f32 v28, v4;
	v28 =	vmovc v63  }
0x247: {  	v13 =	vadd.f32 $4.724995200e-01, v53;
	_ =	sdelay $0x1  }
0x248: {  	v15 =	vadd.f32 $4.724995200e-01, v51;
	v13 =	vmul.f32 v13, v21  }
0x249: {  	v59 =	vadd.f32 $4.724995200e-01, v49;
	v62 =	vadd.f32 $4.724995200e-01, v45;
	v38 =	vmul.f32 v47, v58  }
0x24a: {  	v42 =	vmul.f32 v41, v2;
	v47 =	vmul.f32 v39, v60;
	v13 =	vadd.f32 $-7.203866240e-01, v13  }
0x24b: {  	v18 =	vmovc v21;
	v63 =	vadd.f32 $4.724995200e-01, v43;
	v12 =	vmul.f32 v12, v55;
	v15 =	vmul.f32 v15, v17  }
0x24c: {  	v56 =	vmovc v17;
	v10 =	vadd.f32 $-7.203866240e-01, v10;
	v17 =	vmul.f32 v62, v57;
	v13 =	vmul.f32 v13, v18  }
0x24d: {  	v11 =	vmul.f32 v11, v32;
	v9 =	vadd.f32 $-7.203866240e-01, v9;
	v15 =	vadd.f32 $-7.203866240e-01, v15  }
0x24e: {  	v61 =	vmul.f32 v59, v40;
	v17 =	vadd.f32 $-7.203866240e-01, v17;
	v13 =	vadd.f32 $1.442652110e+00, v13  }
0x24f: {  	v8 =	vadd.f32 $-7.203866240e-01, v8;
	v12 =	vadd.f32 $-7.203866240e-01, v12;
	v15 =	vmul.f32 v15, v56  }
0x250: {  	v30 =	vld [tilespmem:$0x1FE40];
	v17 =	vmul.f32 v17, v57;
	v18 =	vmul.f32 v13, v18;
	v13 =	vadd.f32 $-7.203866240e-01, v61  }
0x251: {  	v7 =	vadd.f32 $-7.203866240e-01, v7;
	v12 =	vmul.f32 v12, v55;
	v15 =	vadd.f32 $1.442652110e+00, v15  }
0x252: {  	v34 =	vld [tilespmem:$0x1FE30];
	v11 =	vadd.f32 $-7.203866240e-01, v11;
	v17 =	vadd.f32 $1.442652110e+00, v17;
	v13 =	vmul.f32 v13, v40  }
0x253: {  	v36 =	vld [tilespmem:$0x1FC40];
	v12 =	vadd.f32 $1.442652110e+00, v12;
	v15 =	vmul.f32 v15, v56;
	v22 =	vadd.f32 $3.196978180e-07, v18  }
0x254: {  	v43 =	vld [tilespmem:$0x1FE10];
	v17 =	vmul.f32 v17, v57;
	v18 =	vmul.f32 v63, v44;
	v13 =	vadd.f32 $1.442652110e+00, v13  }
0x255: {  	v21 =	vcvt.s32.f32 v30;
	v15 =	vadd.f32 $3.196978180e-07, v15;
	v22 =	vadd.f32 $-1.270000000e+02, v22  }
0x256: {  	v59 =	vld [tilespmem:$0x1FF30];
	v17 =	vadd.f32 $3.196978180e-07, v17;
	v18 =	vadd.f32 $-7.203866240e-01, v18;
	v13 =	vmul.f32 v13, v40  }
0x257: {  	v15 =	vadd.f32 $-1.270000000e+02, v15;
	v30 =	vadd.f32 v21, v22;
	v21 =	vcvt.s32.f32 v34  }
0x258: {  	v45 =	vld [tilespmem:$0x1FE20];
	v40 =	vadd.f32 $-7.203866240e-01, v38;
	v18 =	vmul.f32 v18, v44;
	v13 =	vadd.f32 $3.196978180e-07, v13  }
0x259: {  	v22 =	vcvt.s32.f32 v43;
	v30 =	vadd.f32 v30, v36;
	v15 =	vadd.f32 v21, v15  }
0x25a: {  	v61 =	vld [tilespmem:$0x1FED0];
	v21 =	vmul.f32 v40, v58;
	v18 =	vadd.f32 $1.442652110e+00, v18;
	v13 =	vadd.f32 $-1.270000000e+02, v13  }
0x25b: {  	v49 =	vmul.f32 v37, v59;
	v30 =	vadd.f32 v15, v30;
	v15 =	vadd.f32 $-7.203866240e-01, v42  }
0x25c: {  	v48 =	vld [tilespmem:$0x1FE00];
	v18 =	vmul.f32 v18, v44;
	v21 =	vadd.f32 $1.442652110e+00, v21;
	v13 =	vadd.f32 v22, v13  }
0x25d: {  	v56 =	vld [tilespmem:$0x1FF20];
	v17 =	vadd.f32 $-1.270000000e+02, v17;
	v22 =	vcvt.s32.f32 v45;
	v15 =	vmul.f32 v15, v2  }
0x25e: {  	v62 =	vld [tilespmem:$0x1FEF0];
	v34 =	vmovc v2;
	v21 =	vmul.f32 v21, v58;
	v18 =	vadd.f32 $3.196978180e-07, v18;
	v2 =	vadd.f32 v13, v30  }
0x25f: {  	v51 =	vld [tilespmem:$0x1FDE0];
	v45 =	vmul.f32 v26, v61;
	v46 =	vadd.f32 v22, v17;
	v15 =	vadd.f32 $1.442652110e+00, v15  }
0x260: {  	v26 =	vmul.f32 v19, v50;
	v18 =	vadd.f32 $-1.270000000e+02, v18;
	v21 =	vadd.f32 $3.196978180e-07, v21  }
0x261: {  	v63 =	vld [tilespmem:$0x1FEE0];
	v22 =	vcvt.s32.f32 v48;
	v17 =	vadd.f32 $-7.203866240e-01, v47;
	v13 =	vadd.f32 $-7.203866240e-01, v49  }
0x262: {  	v53 =	vmul.f32 v35, v56;
	v58 =	vld [tilespmem:$0x1FF10];
	v48 =	vadd.f32 $-7.203866240e-01, v45;
	v30 =	vadd.f32 $-7.203866240e-01, v26  }
0x263: {  	v57 =	vld [tilespmem:$0x1FDF0];
	v35 =	vmul.f32 v31, v62;
	v2 =	vadd.f32 v46, v2;
	v18 =	vadd.f32 v22, v18  }
0x264: {  	v15 =	vmul.f32 v15, v34;
	v21 =	vadd.f32 $-1.270000000e+02, v21;
	v22 =	vcvt.s32.f32 v51  }
0x265: {  	v17 =	vmul.f32 v17, v60;
	v13 =	vmul.f32 v13, v59;
	v2 =	vadd.f32 v18, v2  }
0x266: {  	v46 =	vmul.f32 v24, v63;
	v15 =	vadd.f32 $3.196978180e-07, v15;
	v52 =	vadd.f32 v22, v21  }
0x267: {  	v38 =	vld [tilespmem:$0x1FF00];
	v33 =	vmul.f32 v33, v58;
	v17 =	vadd.f32 $1.442652110e+00, v17;
	v21 =	vadd.f32 $-7.203866240e-01, v53  }
0x268: {  	v51 =	vld [tilespmem:$0x1FEC0];
	v22 =	vcvt.s32.f32 v57;
	v13 =	vadd.f32 $1.442652110e+00, v13;
	v49 =	vadd.f32 $-7.203866240e-01, v46  }
0x269: {  	v36 =	vld [tilespmem:$0x1FDD0];
	v18 =	vadd.f32 $-7.203866240e-01, v33;
	v15 =	vadd.f32 $-1.270000000e+02, v15;
	v17 =	vmul.f32 v17, v60  }
0x26a: {  	v2 =	vadd.f32 v52, v2;
	v21 =	vmul.f32 v21, v56;
	v13 =	vmul.f32 v13, v59  }
0x26b: {  	v37 =	vld [tilespmem:$0x1FDB0];
	v18 =	vmul.f32 v18, v58;
	v15 =	vadd.f32 v22, v15;
	v34 =	vadd.f32 $3.196978180e-07, v17  }
0x26c: {  	v39 =	vmul.f32 v29, v38;
	v21 =	vadd.f32 $1.442652110e+00, v21;
	v13 =	vadd.f32 $3.196978180e-07, v13  }
0x26d: {  	v59 =	vld [tilespmem:$0x1FE90];
	v20 =	vmul.f32 v20, v51;
	v17 =	vadd.f32 $-7.203866240e-01, v35;
	v18 =	vadd.f32 $1.442652110e+00, v18  }
0x26e: {  	v40 =	vld [tilespmem:$0x1FDC0];
	v22 =	vcvt.s32.f32 v36;
	v2 =	vadd.f32 v15, v2;
	v15 =	vadd.f32 $-1.270000000e+02, v34  }
0x26f: {  	v20 =	vadd.f32 $-7.203866240e-01, v20;
	v21 =	vmul.f32 v21, v56;
	v17 =	vmul.f32 v17, v62  }
0x270: {  	v13 =	vadd.f32 $-1.270000000e+02, v13;
	v15 =	vadd.f32 v22, v15;
	v22 =	vcvt.s32.f32 v37  }
0x271: {  	v42 =	vld [tilespmem:$0x1FDA0];
	v18 =	vmul.f32 v18, v58;
	v21 =	vadd.f32 $3.196978180e-07, v21;
	v17 =	vadd.f32 $1.442652110e+00, v17  }
0x272: {  	v1 =	vmul.f32 v1, v59;
	v2 =	vadd.f32 v15, v2;
	v13 =	vadd.f32 v22, v13  }
0x273: {  	v47 =	vld [tilespmem:$0x1FD80];
	v21 =	vadd.f32 $-1.270000000e+02, v21;
	v22 =	vcvt.s32.f32 v40;
	v15 =	vadd.f32 $-7.203866240e-01, v39  }
0x274: {  	v18 =	vadd.f32 $3.196978180e-07, v18;
	v1 =	vadd.f32 $-7.203866240e-01, v1;
	v17 =	vmul.f32 v17, v62  }
0x275: {  	v52 =	vld [tilespmem:$0x1FEB0];
	v2 =	vadd.f32 v13, v2;
	v41 =	vadd.f32 v22, v21;
	v15 =	vmul.f32 v15, v38  }
0x276: {  	v18 =	vadd.f32 $-1.270000000e+02, v18;
	v21 =	vcvt.s32.f32 v42;
	v43 =	vadd.f32 $3.196978180e-07, v17  }
0x277: {  	v58 =	vld [tilespmem:$0x1FEA0];
	v17 =	vmul.f32 v48, v61;
	v2 =	vadd.f32 v41, v2;
	v15 =	vadd.f32 $1.442652110e+00, v15  }
0x278: {  	v56 =	vld [tilespmem:$0x1FD90];
	v22 =	vcvt.s32.f32 v47;
	v44 =	vadd.f32 v21, v18;
	v13 =	vadd.f32 $-1.270000000e+02, v43  }
0x279: {  	v18 =	vmul.f32 v49, v63;
	v17 =	vadd.f32 $1.442652110e+00, v17;
	v15 =	vmul.f32 v15, v38  }
0x27a: {  	v53 =	vmul.f32 v23, v52;
	v2 =	vadd.f32 v44, v2;
	v13 =	vadd.f32 v22, v13  }
0x27b: {  	v60 =	vld [tilespmem:$0x1FD70];
	v1 =	vmul.f32 v1, v59;
	v18 =	vadd.f32 $1.442652110e+00, v18;
	v15 =	vadd.f32 $3.196978180e-07, v15  }
0x27c: {  	v0 =	vmul.f32 v0, v58;
	v2 =	vadd.f32 v13, v2;
	v13 =	vadd.f32 $-7.203866240e-01, v53  }
0x27d: {  	v1 =	vadd.f32 $1.442652110e+00, v1;
	v21 =	vcvt.s32.f32 v56;
	v17 =	vmul.f32 v17, v61  }
0x27e: {  	v18 =	vmul.f32 v18, v63;
	v63 =	vld [tilespmem:$0x1FD40];
	v15 =	vadd.f32 $-1.270000000e+02, v15;
	v13 =	vmul.f32 v13, v52  }
0x27f: {  	v57 =	vmul.f32 v20, v51;
	v0 =	vadd.f32 $-7.203866240e-01, v0;
	v17 =	vadd.f32 $3.196978180e-07, v17  }
0x280: {  	v20 =	vcvt.s32.f32 v60;
	v15 =	vadd.f32 v21, v15;
	v13 =	vadd.f32 $1.442652110e+00, v13  }
0x281: {  	v29 =	vld [tilespmem:$0x1FD50];
	v1 =	vmul.f32 v1, v59;
	v17 =	vadd.f32 $-1.270000000e+02, v17;
	v18 =	vadd.f32 $3.196978180e-07, v18  }
0x282: {  	v2 =	vadd.f32 v15, v2;
	v15 =	vadd.f32 $1.442652110e+00, v57;
	v13 =	vmul.f32 v13, v52  }
0x283: {  	v31 =	vld [tilespmem:$0x1FD10];
	v17 =	vadd.f32 v20, v17;
	v18 =	vadd.f32 $-1.270000000e+02, v18;
	v20 =	vcvt.s32.f32 v63  }
0x284: {  	v1 =	vadd.f32 $3.196978180e-07, v1;
	v15 =	vmul.f32 v15, v51;
	v13 =	vadd.f32 $3.196978180e-07, v13  }
0x285: {  	v34 =	vld [tilespmem:$0x1FD20];
	v0 =	vmul.f32 v0, v58;
	v24 =	vadd.f32 v20, v18;
	v2 =	vadd.f32 v17, v2  }
0x286: {  	v19 =	vcvt.s32.f32 v29;
	v13 =	vadd.f32 $-1.270000000e+02, v13;
	v15 =	vadd.f32 $3.196978180e-07, v15  }
0x287: {  	v0 =	vadd.f32 $1.442652110e+00, v0;
	v2 =	vadd.f32 v24, v2  }
0x288: {  	v35 =	vld [tilespmem:$0x1FCE0];
	v18 =	vcvt.s32.f32 v31;
	v13 =	vadd.f32 v19, v13;
	v15 =	vadd.f32 $-1.270000000e+02, v15  }
0x289: {  	v33 =	vmul.f32 v30, v50;
	v1 =	vadd.f32 $-1.270000000e+02, v1;
	v0 =	vmul.f32 v0, v58  }
0x28a: {  	v17 =	vcvt.s32.f32 v34;
	v2 =	vadd.f32 v13, v2;
	v15 =	vadd.f32 v18, v15  }
0x28b: {  	v38 =	vld [tilespmem:$0x1FCF0];
	v0 =	vadd.f32 $3.196978180e-07, v0;
	v13 =	vadd.f32 $1.442652110e+00, v33  }
0x28c: {  	v1 =	vadd.f32 v17, v1;
	v2 =	vadd.f32 v15, v2  }
0x28d: {  	v0 =	vadd.f32 $-1.270000000e+02, v0;
	v13 =	vmul.f32 v13, v50;
	v15 =	vcvt.s32.f32 v35  }
0x28e: {  	v37 =	vadd.f32 $-7.203866240e-01, v16;
	v1 =	vadd.f32 v1, v2;
	v2 =	vmul.f32 v11, v32  }
0x28f: {  	v12 =	vmul.f32 v12, v55;
	v40 =	vld [tilespmem:$0x1FD00];
	v36 =	vadd.f32 $3.196978180e-07, v13;
	v0 =	vadd.f32 v15, v0  }
0x290: {  	v39 =	vadd.f32 $-7.203866240e-01, v14;
	v15 =	vcvt.s32.f32 v38;
	v2 =	vadd.f32 $1.442652110e+00, v2  }
0x291: {  	v42 =	vld [tilespmem:$0x1FCB0];
	v11 =	vadd.f32 $-1.270000000e+02, v36;
	v0 =	vadd.f32 v0, v1;
	v1 =	vmul.f32 v37, v27  }
0x292: {  	v10 =	vmul.f32 v10, v25;
	v12 =	vadd.f32 $3.196978180e-07, v12;
	v2 =	vmul.f32 v2, v32  }
0x293: {  	v41 =	vmul.f32 v39, v54;
	v11 =	vadd.f32 v15, v11;
	v1 =	vadd.f32 $1.442652110e+00, v1  }
0x294: {  	v12 =	vadd.f32 $-1.270000000e+02, v12;
	v43 =	vld [tilespmem:$0x1FCC0];
	v14 =	vcvt.s32.f32 v40;
	v2 =	vadd.f32 $3.196978180e-07, v2  }
0x295: {  	v0 =	vadd.f32 v11, v0;
	v1 =	vmul.f32 v1, v27;
	v11 =	vadd.f32 $1.442652110e+00, v41  }
0x296: {  	v45 =	vld [tilespmem:$0x1FCD0];
	v12 =	vadd.f32 v14, v12;
	v13 =	vcvt.s32.f32 v42;
	v2 =	vadd.f32 $-1.270000000e+02, v2  }
0x297: {  	v10 =	vadd.f32 $1.442652110e+00, v10;
	v1 =	vadd.f32 $3.196978180e-07, v1;
	v11 =	vmul.f32 v11, v54  }
0x298: {  	v46 =	vld [tilespmem:$0x1FFC0];
	v0 =	vadd.f32 v12, v0;
	v2 =	vadd.f32 v13, v2  }
0x299: {  	v48 =	vld [tilespmem:$0x1FC80];
	v12 =	vcvt.s32.f32 v43;
	v1 =	vadd.f32 $-1.270000000e+02, v1;
	v11 =	vadd.f32 $3.196978180e-07, v11  }
0x29a: {  	v9 =	vmul.f32 v9, v28;
	v10 =	vmul.f32 v10, v25;
	v0 =	vadd.f32 v2, v0  }
0x29b: {  	v1 =	vadd.f32 v12, v1;
	v44 =	vadd.f32 $-1.270000000e+02, v11;
	v11 =	vcvt.s32.f32 v45  }
0x29c: {  	v10 =	vadd.f32 $3.196978180e-07, v10;
	v49 =	vld [tilespmem:$0x1FC90];
	v2 =	vadd.f32 $1.442652110e+00, v9  }
0x29d: {  	v8 =	vmul.f32 v8, v46;
	v50 =	vld [tilespmem:$0x1FFD0];
	v0 =	vadd.f32 v1, v0;
	v1 =	vadd.f32 v11, v44  }
0x29e: {  	v47 =	vadd.f32 $-1.270000000e+02, v10;
	v10 =	vcvt.s32.f32 v48;
	v52 =	vld [tilespmem:$0x1FE60];
	v2 =	vmul.f32 v2, v28  }
0x29f: {  	v8 =	vadd.f32 $1.442652110e+00, v8;
	v54 =	vld [tilespmem:$0x1FFB0];
	v0 =	vadd.f32 v1, v0  }
0x2a0: {  	v53 =	vld [tilespmem:$0x1FCA0];
	v1 =	vadd.f32 $3.196978180e-07, v2;
	v2 =	vadd.f32 v10, v47  }
0x2a1: {  	v5 =	vadd.f32 $-7.203866240e-01, v5;
	v8 =	vmul.f32 v8, v46  }
0x2a2: {  	v6 =	vadd.f32 $-7.203866240e-01, v6;
	v0 =	vadd.f32 v2, v0;
	v2 =	vmul.f32 v7, v50  }
0x2a3: {  	v51 =	vadd.f32 $3.196978180e-07, v8;
	v9 =	vcvt.s32.f32 v49;
	v1 =	vadd.f32 $-1.270000000e+02, v1  }
0x2a4: {  	v5 =	vmul.f32 v5, v52;
	v6 =	vmul.f32 v6, v54;
	v2 =	vadd.f32 $1.442652110e+00, v2  }
0x2a5: {  	v56 =	vld [tilespmem:$0x1FC50];
	v8 =	vcvt.s32.f32 v53;
	v7 =	vadd.f32 $-1.270000000e+02, v51;
	v1 =	vadd.f32 v9, v1  }
0x2a6: {  	v5 =	vadd.f32 $1.442652110e+00, v5;
	v6 =	vadd.f32 $1.442652110e+00, v6;
	v2 =	vmul.f32 v2, v50  }
0x2a7: {  	v60 =	vld [tilespmem:$0x1FC60];
	v0 =	vadd.f32 v1, v0;
	v1 =	vadd.f32 v8, v7  }
0x2a8: {  	v55 =	vld [tilespmem:$0x1FFA0];
	v5 =	vmul.f32 v5, v52;
	v2 =	vadd.f32 $3.196978180e-07, v2  }
0x2a9: {  	v62 =	vld [tilespmem:$0x1FC70];
	v6 =	vmul.f32 v6, v54;
	v0 =	vadd.f32 v1, v0  }
0x2aa: {  	v7 =	vcvt.s32.f32 v56;
	v1 =	vadd.f32 $3.196978180e-07, v5;
	v2 =	vadd.f32 $-1.270000000e+02, v2  }
0x2ab: {  	v3 =	vadd.f32 $-7.203866240e-01, v3;
	v58 =	vld [tilespmem:$0x1FE50];
	v59 =	vadd.f32 $3.196978180e-07, v6  }
0x2ac: {  	v6 =	vcvt.s32.f32 v60;
	v1 =	vadd.f32 $-1.270000000e+02, v1;
	v2 =	vadd.f32 v7, v2  }
0x2ad: {  	v4 =	vadd.f32 $-7.203866240e-01, v4;
	v3 =	vmul.f32 v3, v55;
	v61 =	vadd.f32 $-1.270000000e+02, v59  }
0x2ae: {  	v5 =	vcvt.s32.f32 v62;
	v1 =	vadd.f32 v6, v1;
	v0 =	vadd.f32 v2, v0  }
0x2af: {  	v3 =	vadd.f32 $1.442652110e+00, v3  }
0x2b0: {  	v63 =	vld [tilespmem:$0x1FD60];
	v4 =	vmul.f32 v4, v58;
	v0 =	vadd.f32 v1, v0;
	v1 =	vadd.f32 v5, v61;
	_ =	sdelay $0x1  }
0x2b1: {  	v3 =	vmul.f32 v3, v55;
	v2 =	vadd.f32 $1.442652110e+00, v4;
	v0 =	vadd.f32 v1, v0;
	v1 =	vld [tilespmem:$0x1FD30];
	_ =	sdelay $0x1  }
0x2b2: {  	v3 =	vadd.f32 $3.196978180e-07, v3;
	v2 =	vmul.f32 v2, v58  }
0x2b3: {  	v4 =	vshrl.u32 v63, $0x17  }
0x2b4: {  	v3 =	vadd.f32 $-1.270000000e+02, v3;
	v4 =	vcvt.s32.f32 v4;
	v2 =	vadd.f32 $3.196978180e-07, v2  }
0x2b5: {  	v1 =	vshrl.u32 v1, $0x17  }
.Ltmp1:
0x2b6: {  	v3 =	vadd.f32 v4, v3;
	v2 =	vadd.f32 $-1.270000000e+02, v2;
	v1 =	vcvt.s32.f32 v1;
	(pc) =	sbr.rel @p0 .LBB2_2-.Ltmp1, $3  }
0x2b7: {  	_ = 	snop  }
0x2b8: {  	v0 =	vadd.f32 v3, v0;
	v1 =	vadd.f32 v1, v2;
	_ =	sdelay $0x1  }
0x2b9: {  	s12 =	simm.s32 $0x800;
	p1 =	por $0x0, $0x0;
	v0 =	vadd.f32 v1, v0  }
0x2ba: {  	s11 =	sadd.s32 $0x1, s11  }
0x2bb: {  	p0 =	sne.s32 s11, s7  }
.Ltmp2:
0x2bc: {  	[tilespmem:$0x8000] =	vst v0;
	(pc) =	sbr.rel @p0 .LBB2_1-.Ltmp2, $4  }
0x2bd: {  	[hbm4b:s6+s4] =	stream.linear.scatter [tilespmem:s10], [sflag:$0x1], $0x10, $0x38;
	[tilespmem:$0x8080] =	vst v63  }
0x2be: {  	_ =	swait.ge [sflag:s8], $0x10  }
0x2bf: {  	[sflag:s8] =	ssyncset.done $0x0  }
0x2c0: {  	[sflag:s8] =	ssyncadd.s32 $0xFFFFFFF0  }
0x2c1: {  	_ =	sfence.sel $0x180000  }
0x2c2: {  	[bflag:$0x0] =	sbarrier.arrive $0xFFFF  }
0x2c3: {  	p0 =	sne.s32 s3, $0x0;
	_ =	strace $0x90000047  }
0x2c4: {  	s0 =	sadd.s32 @!p0 $0x100000, s0;
	[bflag:$0x2] =	sbarrier.arrive $0xFFFF  }
0x2c5: {  	[sflag:s0] =	ssyncadd.tile.s32 @!p0 $0x1;
	_ =	shalt  }
.Lfunc_end2:
_tile_overlayer_lowered:
.L_overlay_start_2:
0x2c6: {  	(tag) =	ssettag $0x2  }
0x2c7: {  	s0 =	rddreg [dreg:$0x0];
	s2 =	stileid.u32  }
0x2c8: {  	s1 =	rddreg [dreg:$0x1];
	p0 =	sne.s32 s2, $0x0  }
0x2c9: {  	s3 =	rddreg [dreg:$0x2];
	[bflag:$0x3] =	sbarrier.arrive $0xFFFF;
	s2 =	simm.s32 @!p0 $0x1C01  }
0x2ca: {  	[timem:s3], [sflag:s2] =	dma.local @!p0 [hbm:s0], s1  }
0x2cb: {  	s0 =	simm.s32 @!p0 $0x1  }
0x2cc: {  	_ =	swait.ge @!p0 [sflag:s0], s1  }
0x2cd: {  	s1 =	ssub.s32 @!p0 $0x0, s1;
	[sflag:s0] =	ssyncset.done @!p0 $0x0  }
0x2ce: {  	[sflag:s0] =	ssyncadd.s32 @!p0 s1  }
0x2cf: {  	[bflag:$0x3] =	sbarrier.arrive $0xFFFF  }
0x2d0: {  	_ =	shalt  }

</sc_bundles>
